<compile_context>
chip_gen: v7x
topology: tpu7x:2x2x1
jax: 0.10.2.dev20260603
libtpu: 0.0.44.dev20260713+nightly
codegen_flags: <defaults>
</compile_context>

<pallas_src>
import functools

import numpy as np
import jax
import jax.numpy as jnp
from jax import lax
from jax.experimental import pallas as pl
from jax.experimental.pallas import tpu as pltpu
from jax.experimental.pallas import tpu_sc as plsc

DIM_MODEL = 768
SEQ_LEN = 2048
BATCH = 4
N_ROWS = BATCH * SEQ_LEN

NUM_WORKERS = 32
POS_PER_W = SEQ_LEN // NUM_WORKERS
CHUNK = POS_PER_W
NCHUNKS = BATCH
LANES = 16
VECS_PER_ROW = DIM_MODEL // LANES


def _pos_head_np() -> np.ndarray:
    position = np.arange(0, SEQ_LEN, dtype=np.float32)[:, None]
    s2i = np.arange(0, DIM_MODEL, 2, dtype=np.float32)
    with np.errstate(over="ignore"):
        denom = np.power(np.float32(10000.0), s2i, dtype=np.float32)
    ratio = (position / denom).astype(np.float32)
    enc = np.zeros((SEQ_LEN, DIM_MODEL), dtype=np.float32)
    enc[:, 0::2] = np.sin(ratio)
    enc[:, 1::2] = np.cos(ratio)
    assert np.all(enc[:, LANES:] == np.tile(np.float32([0.0, 1.0]), DIM_MODEL // 2)[LANES:])
    return np.ascontiguousarray(enc[:, :LANES])


_POS_HEAD = _pos_head_np()

_MESH = plsc.VectorSubcoreMesh(core_axis_name="c", subcore_axis_name="s")


@functools.partial(
    pl.kernel,
    mesh=_MESH,
    out_type=jax.ShapeDtypeStruct((N_ROWS, DIM_MODEL), jnp.float32),
    scratch_types=[
        pltpu.VMEM((BATCH * POS_PER_W,), jnp.int32),
        pltpu.VMEM((POS_PER_W, LANES), jnp.float32),
        pltpu.VMEM((CHUNK, DIM_MODEL), jnp.float32),
        pltpu.VMEM((CHUNK, DIM_MODEL), jnp.float32),
        pltpu.SemaphoreType.DMA,
        pltpu.SemaphoreType.DMA,
        pltpu.SemaphoreType.DMA,
        pltpu.SemaphoreType.DMA,
        pltpu.SemaphoreType.DMA,
        pltpu.SemaphoreType.DMA,
    ],
)
def _embed_sc(
    x_hbm, table_hbm, pos_hbm, out_hbm,
    idx_v, pos_v, rows0, rows1,
    isem, psem, g0, g1, w0, w1,
):
    rows = (rows0, rows1)
    gsem = (g0, g1)
    wsem = (w0, w1)

    wid = lax.axis_index("s") * 2 + lax.axis_index("c")
    pbase = wid * POS_PER_W

    tail = lax.convert_element_type(
        lax.rem(lax.iota(jnp.int32, LANES), 2), jnp.float32
    )

    idesc = [
        pltpu.async_copy(
            x_hbm.at[b, pl.ds(pbase, POS_PER_W)],
            idx_v.at[pl.ds(b * POS_PER_W, POS_PER_W)],
            isem,
        )
        for b in range(BATCH)
    ]
    pdesc = pltpu.async_copy(pos_hbm.at[pl.ds(pbase, POS_PER_W)], pos_v, psem)
    for d in idesc:
        d.wait()

    def start_gather(ci):
        return pltpu.async_copy(
            table_hbm.at[idx_v.at[pl.ds(ci * POS_PER_W, CHUNK)]],
            rows[ci & 1],
            gsem[ci & 1],
        )

    gd = {0: start_gather(0)}
    wd = {}
    for ci in range(NCHUNKS):
        buf = ci & 1
        if ci + 1 < NCHUNKS:
            if ci >= 1:
                wd[ci - 1].wait()
            gd[ci + 1] = start_gather(ci + 1)
        gd[ci].wait()
        if ci == 0:
            pdesc.wait()
        rv = rows[buf]

        def add_row(r, _):
            plsc.addupdate(rv.at[r, pl.ds(0, LANES)], pos_v[r, pl.ds(0, LANES)])
            for j in range(1, VECS_PER_ROW):
                plsc.addupdate(rv.at[r, pl.ds(j * LANES, LANES)], tail)
            return _

        lax.fori_loop(0, CHUNK, add_row, None)
        wd[ci] = pltpu.async_copy(
            rv,
            out_hbm.at[pl.ds(ci * SEQ_LEN + pbase, CHUNK)],
            wsem[buf],
        )
    wd[NCHUNKS - 2].wait()
    wd[NCHUNKS - 1].wait()


def kernel(x, table):
    xi = x.astype(jnp.int32)
    out = _embed_sc(xi, table, _POS_HEAD)
    return out.reshape(BATCH, SEQ_LEN, DIM_MODEL)

# --- scband reference (transcript-rebuilt; emitter-appended) ---
"""Pipeline reference for scband-embedding-20658792694384 (READ-ONLY COPY).

The authoritative reference and input builder live on the scoring server;
editing this copy changes nothing except your own understanding.
"""

import jax, jax.numpy as jnp
import numpy as np

VOC_SIZE = 100000
DIM_MODEL = 768
MAX_SEQ_LEN = 4096
BATCH = 4
SEQ_LEN = 2048


def _pos_encoding(max_seq_len, dim_model):
    position = jnp.arange(0, max_seq_len, dtype=jnp.float32)[:, None]
    s2i = jnp.arange(0, dim_model, 2, dtype=jnp.float32)
    denom = jnp.power(jnp.float32(10000.0), s2i)  # overflows to inf for large exponents; pos/inf -> 0
    enc = jnp.zeros((max_seq_len, dim_model), dtype=jnp.float32)
    enc = enc.at[:, 0::2].set(jnp.sin(position / denom))
    enc = enc.at[:, 1::2].set(jnp.cos(position / denom))
    return enc


def setup_inputs(seed: int = 0) -> dict:
    key = jax.random.key(seed)
    k1, k2 = jax.random.split(key)
    x = jax.random.randint(k1, (BATCH, SEQ_LEN), 0, VOC_SIZE, dtype=jnp.int64)
    table = jax.random.normal(k2, (VOC_SIZE, DIM_MODEL), dtype=jnp.float32)
    table = table.at[1].set(0.0)  # padding_idx=1
    return {"x": x, "table": table}


def reference(x, table):
    x = x.astype(jnp.int64)
    bs, seq_len = x.shape
    tbl = table.at[1].set(0.0)  # enforce padding_idx row = 0
    token = jnp.take(tbl, x, axis=0)  # [B, S, D] embedding gather
    pos_enc = _pos_encoding(MAX_SEQ_LEN, DIM_MODEL)
    position = pos_enc[:seq_len, :]  # [S, D]
    # dropout p=0.0 / eval mode -> identity
    return token + position

if __name__ == "__main__":
    import jax
    _d = setup_inputs()
    print(jax.jit(kernel)(*tuple(_d.values())))

</pallas_src>

<mosaic_0001>
#map = affine_map<(d0, d1) -> (0, 0)>
module attributes {stable_mosaic.version = 14 : i64} {
  func.func @_embed_sc(%arg0: i32, %arg1: i32, %arg2: memref<4x2048xi32, #tpu.memory_space<hbm>>, %arg3: memref<100000x768xf32, #tpu.memory_space<hbm>>, %arg4: memref<2048x16xf32, #tpu.memory_space<hbm>>, %arg5: memref<8192x768xf32, #tpu.memory_space<hbm>>, %arg6: memref<256xi32, #tpu.memory_space<vmem>>, %arg7: memref<64x16xf32, #tpu.memory_space<vmem>>, %arg8: memref<64x768xf32, #tpu.memory_space<vmem>>, %arg9: memref<64x768xf32, #tpu.memory_space<vmem>>, %arg10: memref<!tpu.dma_semaphore, #tpu.memory_space<semaphore_mem>>, %arg11: memref<!tpu.dma_semaphore, #tpu.memory_space<semaphore_mem>>, %arg12: memref<!tpu.dma_semaphore, #tpu.memory_space<semaphore_mem>>, %arg13: memref<!tpu.dma_semaphore, #tpu.memory_space<semaphore_mem>>, %arg14: memref<!tpu.dma_semaphore, #tpu.memory_space<semaphore_mem>>, %arg15: memref<!tpu.dma_semaphore, #tpu.memory_space<semaphore_mem>>) attributes {dimension_semantics = [#tpu.dimension_semantics<core_parallel>, #tpu.dimension_semantics<subcore_parallel>], iteration_bounds = array<i64: 2, 16>, scalar_prefetch = 0 : i64, scratch_operands = 10 : i64, tpu.core_type = #tpu.core_type<sc_vector_subcore>, window_params = [{transform_indices = #map}, {transform_indices = #map}, {transform_indices = #map}, {transform_indices = #map}]} {
    %mul3A = arith.constant 2 : i32
    %mul3A_0 = arith.muli %arg1, %mul3A : i32
    %add3A = arith.addi %mul3A_0, %arg0 : i32
    %mul3A_1 = arith.constant 64 : i32
    %mul3A_2 = arith.muli %add3A, %mul3A_1 : i32
    %iota3A = tpu.iota {dimensions = array<i32: 0>} : vector<16xi32>
    %rem3A = arith.constant 2 : i32
    %rem3A_3 = vector.broadcast %rem3A : i32 to vector<16xi32>
    %rem3A_4 = arith.remsi %iota3A, %rem3A_3 : vector<16xi32>
    %convert_element_type3A = arith.sitofp %rem3A_4 : vector<16xi32> to vector<16xf32>
    %dma_start3A = arith.constant 0 : i32
    %dma_start3A_5 = arith.constant 0 : i32
    %dma_start3A_6 = tpu.memref_slice %arg6[%dma_start3A_5] : memref<256xi32, #tpu.memory_space<vmem>> -> memref<64xi32, #tpu.memory_space<vmem>>
    %dma_start3A_7 = tpu.memref_slice %arg2[%dma_start3A, %mul3A_2] : memref<4x2048xi32, #tpu.memory_space<hbm>> -> memref<1x64xi32, #tpu.memory_space<hbm>>
    %dma_start3A_8 = tpu.memref_squeeze %dma_start3A_7 : memref<1x64xi32, #tpu.memory_space<hbm>> -> memref<64xi32, #tpu.memory_space<hbm>>
    %dma_start3A_9 = arith.constant 0 : i32
    %dma_start3A_10 = tpu.memref_slice %arg6[%dma_start3A_9] : memref<256xi32, #tpu.memory_space<vmem>> -> memref<64xi32, #tpu.memory_space<vmem>>
    %dma_start3A_11 = tpu.memref_slice %arg2[%dma_start3A, %mul3A_2] : memref<4x2048xi32, #tpu.memory_space<hbm>> -> memref<1x64xi32, #tpu.memory_space<hbm>>
    %dma_start3A_12 = tpu.memref_squeeze %dma_start3A_11 : memref<1x64xi32, #tpu.memory_space<hbm>> -> memref<64xi32, #tpu.memory_space<hbm>>
    tpu.enqueue_dma source(%dma_start3A_12 : memref<64xi32, #tpu.memory_space<hbm>>) target(%dma_start3A_10 : memref<64xi32, #tpu.memory_space<vmem>>) target_semaphore(%arg10 : memref<!tpu.dma_semaphore, #tpu.memory_space<semaphore_mem>>)
    %dma_start3A_13 = arith.constant 1 : i32
    %dma_start3A_14 = arith.constant 64 : i32
    %dma_start3A_15 = tpu.memref_slice %arg6[%dma_start3A_14] : memref<256xi32, #tpu.memory_space<vmem>> -> memref<64xi32, #tpu.memory_space<vmem>>
    %dma_start3A_16 = tpu.memref_slice %arg2[%dma_start3A_13, %mul3A_2] : memref<4x2048xi32, #tpu.memory_space<hbm>> -> memref<1x64xi32, #tpu.memory_space<hbm>>
    %dma_start3A_17 = tpu.memref_squeeze %dma_start3A_16 : memref<1x64xi32, #tpu.memory_space<hbm>> -> memref<64xi32, #tpu.memory_space<hbm>>
    %dma_start3A_18 = arith.constant 64 : i32
    %dma_start3A_19 = tpu.memref_slice %arg6[%dma_start3A_18] : memref<256xi32, #tpu.memory_space<vmem>> -> memref<64xi32, #tpu.memory_space<vmem>>
    %dma_start3A_20 = tpu.memref_slice %arg2[%dma_start3A_13, %mul3A_2] : memref<4x2048xi32, #tpu.memory_space<hbm>> -> memref<1x64xi32, #tpu.memory_space<hbm>>
    %dma_start3A_21 = tpu.memref_squeeze %dma_start3A_20 : memref<1x64xi32, #tpu.memory_space<hbm>> -> memref<64xi32, #tpu.memory_space<hbm>>
    tpu.enqueue_dma source(%dma_start3A_21 : memref<64xi32, #tpu.memory_space<hbm>>) target(%dma_start3A_19 : memref<64xi32, #tpu.memory_space<vmem>>) target_semaphore(%arg10 : memref<!tpu.dma_semaphore, #tpu.memory_space<semaphore_mem>>)
    %dma_start3A_22 = arith.constant 2 : i32
    %dma_start3A_23 = arith.constant 128 : i32
    %dma_start3A_24 = tpu.memref_slice %arg6[%dma_start3A_23] : memref<256xi32, #tpu.memory_space<vmem>> -> memref<64xi32, #tpu.memory_space<vmem>>
    %dma_start3A_25 = tpu.memref_slice %arg2[%dma_start3A_22, %mul3A_2] : memref<4x2048xi32, #tpu.memory_space<hbm>> -> memref<1x64xi32, #tpu.memory_space<hbm>>
    %dma_start3A_26 = tpu.memref_squeeze %dma_start3A_25 : memref<1x64xi32, #tpu.memory_space<hbm>> -> memref<64xi32, #tpu.memory_space<hbm>>
    %dma_start3A_27 = arith.constant 128 : i32
    %dma_start3A_28 = tpu.memref_slice %arg6[%dma_start3A_27] : memref<256xi32, #tpu.memory_space<vmem>> -> memref<64xi32, #tpu.memory_space<vmem>>
    %dma_start3A_29 = tpu.memref_slice %arg2[%dma_start3A_22, %mul3A_2] : memref<4x2048xi32, #tpu.memory_space<hbm>> -> memref<1x64xi32, #tpu.memory_space<hbm>>
    %dma_start3A_30 = tpu.memref_squeeze %dma_start3A_29 : memref<1x64xi32, #tpu.memory_space<hbm>> -> memref<64xi32, #tpu.memory_space<hbm>>
    tpu.enqueue_dma source(%dma_start3A_30 : memref<64xi32, #tpu.memory_space<hbm>>) target(%dma_start3A_28 : memref<64xi32, #tpu.memory_space<vmem>>) target_semaphore(%arg10 : memref<!tpu.dma_semaphore, #tpu.memory_space<semaphore_mem>>)
    %dma_start3A_31 = arith.constant 3 : i32
    %dma_start3A_32 = arith.constant 192 : i32
    %dma_start3A_33 = tpu.memref_slice %arg6[%dma_start3A_32] : memref<256xi32, #tpu.memory_space<vmem>> -> memref<64xi32, #tpu.memory_space<vmem>>
    %dma_start3A_34 = tpu.memref_slice %arg2[%dma_start3A_31, %mul3A_2] : memref<4x2048xi32, #tpu.memory_space<hbm>> -> memref<1x64xi32, #tpu.memory_space<hbm>>
    %dma_start3A_35 = tpu.memref_squeeze %dma_start3A_34 : memref<1x64xi32, #tpu.memory_space<hbm>> -> memref<64xi32, #tpu.memory_space<hbm>>
    %dma_start3A_36 = arith.constant 192 : i32
    %dma_start3A_37 = tpu.memref_slice %arg6[%dma_start3A_36] : memref<256xi32, #tpu.memory_space<vmem>> -> memref<64xi32, #tpu.memory_space<vmem>>
    %dma_start3A_38 = tpu.memref_slice %arg2[%dma_start3A_31, %mul3A_2] : memref<4x2048xi32, #tpu.memory_space<hbm>> -> memref<1x64xi32, #tpu.memory_space<hbm>>
    %dma_start3A_39 = tpu.memref_squeeze %dma_start3A_38 : memref<1x64xi32, #tpu.memory_space<hbm>> -> memref<64xi32, #tpu.memory_space<hbm>>
    tpu.enqueue_dma source(%dma_start3A_39 : memref<64xi32, #tpu.memory_space<hbm>>) target(%dma_start3A_37 : memref<64xi32, #tpu.memory_space<vmem>>) target_semaphore(%arg10 : memref<!tpu.dma_semaphore, #tpu.memory_space<semaphore_mem>>)
    %dma_start3A_40 = arith.constant 0 : i32
    %dma_start3A_41 = tpu.memref_slice %arg4[%mul3A_2, %dma_start3A_40] : memref<2048x16xf32, #tpu.memory_space<hbm>> -> memref<64x16xf32, #tpu.memory_space<hbm>>
    %dma_start3A_42 = arith.constant 0 : i32
    %dma_start3A_43 = tpu.memref_slice %arg4[%mul3A_2, %dma_start3A_42] : memref<2048x16xf32, #tpu.memory_space<hbm>> -> memref<64x16xf32, #tpu.memory_space<hbm>>
    tpu.enqueue_dma source(%dma_start3A_43 : memref<64x16xf32, #tpu.memory_space<hbm>>) target(%arg7 : memref<64x16xf32, #tpu.memory_space<vmem>>) target_semaphore(%arg11 : memref<!tpu.dma_semaphore, #tpu.memory_space<semaphore_mem>>)
    %dma_wait3A = arith.constant 0 : i32
    %dma_wait3A_44 = arith.constant 0 : i32
    %dma_wait3A_45 = tpu.memref_slice %arg6[%dma_wait3A_44] : memref<256xi32, #tpu.memory_space<vmem>> -> memref<64xi32, #tpu.memory_space<vmem>>
    %dma_wait3A_46 = tpu.memref_slice %arg2[%dma_wait3A, %mul3A_2] : memref<4x2048xi32, #tpu.memory_space<hbm>> -> memref<1x64xi32, #tpu.memory_space<hbm>>
    %dma_wait3A_47 = tpu.memref_squeeze %dma_wait3A_46 : memref<1x64xi32, #tpu.memory_space<hbm>> -> memref<64xi32, #tpu.memory_space<hbm>>
    %dma_wait3A_48 = arith.constant 0 : i32
    %dma_wait3A_49 = tpu.memref_slice %arg6[%dma_wait3A_48] : memref<256xi32, #tpu.memory_space<vmem>> -> memref<64xi32, #tpu.memory_space<vmem>>
    %dma_wait3A_50 = tpu.memref_slice %arg2[%dma_wait3A, %mul3A_2] : memref<4x2048xi32, #tpu.memory_space<hbm>> -> memref<1x64xi32, #tpu.memory_space<hbm>>
    %dma_wait3A_51 = tpu.memref_squeeze %dma_wait3A_50 : memref<1x64xi32, #tpu.memory_space<hbm>> -> memref<64xi32, #tpu.memory_space<hbm>>
    tpu.wait_dma2 semaphore(%arg10 : memref<!tpu.dma_semaphore, #tpu.memory_space<semaphore_mem>>) src(%dma_wait3A_51 : memref<64xi32, #tpu.memory_space<hbm>>) dst(%dma_wait3A_49 : memref<64xi32, #tpu.memory_space<vmem>>)
    %dma_wait3A_52 = arith.constant 1 : i32
    %dma_wait3A_53 = arith.constant 64 : i32
    %dma_wait3A_54 = tpu.memref_slice %arg6[%dma_wait3A_53] : memref<256xi32, #tpu.memory_space<vmem>> -> memref<64xi32, #tpu.memory_space<vmem>>
    %dma_wait3A_55 = tpu.memref_slice %arg2[%dma_wait3A_52, %mul3A_2] : memref<4x2048xi32, #tpu.memory_space<hbm>> -> memref<1x64xi32, #tpu.memory_space<hbm>>
    %dma_wait3A_56 = tpu.memref_squeeze %dma_wait3A_55 : memref<1x64xi32, #tpu.memory_space<hbm>> -> memref<64xi32, #tpu.memory_space<hbm>>
    %dma_wait3A_57 = arith.constant 64 : i32
    %dma_wait3A_58 = tpu.memref_slice %arg6[%dma_wait3A_57] : memref<256xi32, #tpu.memory_space<vmem>> -> memref<64xi32, #tpu.memory_space<vmem>>
    %dma_wait3A_59 = tpu.memref_slice %arg2[%dma_wait3A_52, %mul3A_2] : memref<4x2048xi32, #tpu.memory_space<hbm>> -> memref<1x64xi32, #tpu.memory_space<hbm>>
    %dma_wait3A_60 = tpu.memref_squeeze %dma_wait3A_59 : memref<1x64xi32, #tpu.memory_space<hbm>> -> memref<64xi32, #tpu.memory_space<hbm>>
    tpu.wait_dma2 semaphore(%arg10 : memref<!tpu.dma_semaphore, #tpu.memory_space<semaphore_mem>>) src(%dma_wait3A_60 : memref<64xi32, #tpu.memory_space<hbm>>) dst(%dma_wait3A_58 : memref<64xi32, #tpu.memory_space<vmem>>)
    %dma_wait3A_61 = arith.constant 2 : i32
    %dma_wait3A_62 = arith.constant 128 : i32
    %dma_wait3A_63 = tpu.memref_slice %arg6[%dma_wait3A_62] : memref<256xi32, #tpu.memory_space<vmem>> -> memref<64xi32, #tpu.memory_space<vmem>>
    %dma_wait3A_64 = tpu.memref_slice %arg2[%dma_wait3A_61, %mul3A_2] : memref<4x2048xi32, #tpu.memory_space<hbm>> -> memref<1x64xi32, #tpu.memory_space<hbm>>
    %dma_wait3A_65 = tpu.memref_squeeze %dma_wait3A_64 : memref<1x64xi32, #tpu.memory_space<hbm>> -> memref<64xi32, #tpu.memory_space<hbm>>
    %dma_wait3A_66 = arith.constant 128 : i32
    %dma_wait3A_67 = tpu.memref_slice %arg6[%dma_wait3A_66] : memref<256xi32, #tpu.memory_space<vmem>> -> memref<64xi32, #tpu.memory_space<vmem>>
    %dma_wait3A_68 = tpu.memref_slice %arg2[%dma_wait3A_61, %mul3A_2] : memref<4x2048xi32, #tpu.memory_space<hbm>> -> memref<1x64xi32, #tpu.memory_space<hbm>>
    %dma_wait3A_69 = tpu.memref_squeeze %dma_wait3A_68 : memref<1x64xi32, #tpu.memory_space<hbm>> -> memref<64xi32, #tpu.memory_space<hbm>>
    tpu.wait_dma2 semaphore(%arg10 : memref<!tpu.dma_semaphore, #tpu.memory_space<semaphore_mem>>) src(%dma_wait3A_69 : memref<64xi32, #tpu.memory_space<hbm>>) dst(%dma_wait3A_67 : memref<64xi32, #tpu.memory_space<vmem>>)
    %dma_wait3A_70 = arith.constant 3 : i32
    %dma_wait3A_71 = arith.constant 192 : i32
    %dma_wait3A_72 = tpu.memref_slice %arg6[%dma_wait3A_71] : memref<256xi32, #tpu.memory_space<vmem>> -> memref<64xi32, #tpu.memory_space<vmem>>
    %dma_wait3A_73 = tpu.memref_slice %arg2[%dma_wait3A_70, %mul3A_2] : memref<4x2048xi32, #tpu.memory_space<hbm>> -> memref<1x64xi32, #tpu.memory_space<hbm>>
    %dma_wait3A_74 = tpu.memref_squeeze %dma_wait3A_73 : memref<1x64xi32, #tpu.memory_space<hbm>> -> memref<64xi32, #tpu.memory_space<hbm>>
    %dma_wait3A_75 = arith.constant 192 : i32
    %dma_wait3A_76 = tpu.memref_slice %arg6[%dma_wait3A_75] : memref<256xi32, #tpu.memory_space<vmem>> -> memref<64xi32, #tpu.memory_space<vmem>>
    %dma_wait3A_77 = tpu.memref_slice %arg2[%dma_wait3A_70, %mul3A_2] : memref<4x2048xi32, #tpu.memory_space<hbm>> -> memref<1x64xi32, #tpu.memory_space<hbm>>
    %dma_wait3A_78 = tpu.memref_squeeze %dma_wait3A_77 : memref<1x64xi32, #tpu.memory_space<hbm>> -> memref<64xi32, #tpu.memory_space<hbm>>
    tpu.wait_dma2 semaphore(%arg10 : memref<!tpu.dma_semaphore, #tpu.memory_space<semaphore_mem>>) src(%dma_wait3A_78 : memref<64xi32, #tpu.memory_space<hbm>>) dst(%dma_wait3A_76 : memref<64xi32, #tpu.memory_space<vmem>>)
    %dma_start3A_79 = arith.constant 0 : i32
    %dma_start3A_80 = tpu.memref_slice %arg6[%dma_start3A_79] : memref<256xi32, #tpu.memory_space<vmem>> -> memref<64xi32, #tpu.memory_space<vmem>>
    %dma_start3A_81 = arith.constant 0 : i32
    %dma_start3A_82 = arith.constant 0 : i32
    %dma_start3A_83 = tpu.memref_slice %arg3[%dma_start3A_81, %dma_start3A_82] : memref<100000x768xf32, #tpu.memory_space<hbm>> -> memref<100000x768xf32, #tpu.memory_space<hbm>>
    tpu.enqueue_indirect_dma source(%dma_start3A_83 : memref<100000x768xf32, #tpu.memory_space<hbm>>) target(%arg8 : memref<64x768xf32, #tpu.memory_space<vmem>>) offsets(%dma_start3A_80 : memref<64xi32, #tpu.memory_space<vmem>>) semaphore(%arg12 : memref<!tpu.dma_semaphore, #tpu.memory_space<semaphore_mem>>)
    %dma_start3A_84 = arith.constant 64 : i32
    %dma_start3A_85 = tpu.memref_slice %arg6[%dma_start3A_84] : memref<256xi32, #tpu.memory_space<vmem>> -> memref<64xi32, #tpu.memory_space<vmem>>
    %dma_start3A_86 = arith.constant 0 : i32
    %dma_start3A_87 = arith.constant 0 : i32
    %dma_start3A_88 = tpu.memref_slice %arg3[%dma_start3A_86, %dma_start3A_87] : memref<100000x768xf32, #tpu.memory_space<hbm>> -> memref<100000x768xf32, #tpu.memory_space<hbm>>
    tpu.enqueue_indirect_dma source(%dma_start3A_88 : memref<100000x768xf32, #tpu.memory_space<hbm>>) target(%arg9 : memref<64x768xf32, #tpu.memory_space<vmem>>) offsets(%dma_start3A_85 : memref<64xi32, #tpu.memory_space<vmem>>) semaphore(%arg13 : memref<!tpu.dma_semaphore, #tpu.memory_space<semaphore_mem>>)
    %dma_wait3A_89 = arith.constant 0 : i32
    %dma_wait3A_90 = tpu.memref_slice %arg6[%dma_wait3A_89] : memref<256xi32, #tpu.memory_space<vmem>> -> memref<64xi32, #tpu.memory_space<vmem>>
    %dma_wait3A_91 = arith.constant 0 : i32
    %dma_wait3A_92 = arith.constant 0 : i32
    %dma_wait3A_93 = tpu.memref_slice %arg3[%dma_wait3A_91, %dma_wait3A_92] : memref<100000x768xf32, #tpu.memory_space<hbm>> -> memref<100000x768xf32, #tpu.memory_space<hbm>>
    tpu.wait_indirect_dma semaphore(%arg12 : memref<!tpu.dma_semaphore, #tpu.memory_space<semaphore_mem>>) src(%dma_wait3A_93 : memref<100000x768xf32, #tpu.memory_space<hbm>>) dst(%arg8 : memref<64x768xf32, #tpu.memory_space<vmem>>)
    %dma_wait3A_94 = arith.constant 0 : i32
    %dma_wait3A_95 = tpu.memref_slice %arg4[%mul3A_2, %dma_wait3A_94] : memref<2048x16xf32, #tpu.memory_space<hbm>> -> memref<64x16xf32, #tpu.memory_space<hbm>>
    %dma_wait3A_96 = arith.constant 0 : i32
    %dma_wait3A_97 = tpu.memref_slice %arg4[%mul3A_2, %dma_wait3A_96] : memref<2048x16xf32, #tpu.memory_space<hbm>> -> memref<64x16xf32, #tpu.memory_space<hbm>>
    tpu.wait_dma2 semaphore(%arg11 : memref<!tpu.dma_semaphore, #tpu.memory_space<semaphore_mem>>) src(%dma_wait3A_97 : memref<64x16xf32, #tpu.memory_space<hbm>>) dst(%arg7 : memref<64x16xf32, #tpu.memory_space<vmem>>)
    %scan3A = arith.constant 0 : i32
    %scan3A_98 = arith.constant 64 : i32
    %scan3A_99 = arith.addi %scan3A, %scan3A_98 : i32
    %scan3A_100 = arith.constant 1 : i32
    scf.for %scan3A_182 = %scan3A to %scan3A_99 step %scan3A_100  : i32 {
      %get3A = arith.index_cast %scan3A_182 : i32 to index
      %get3A_183 = arith.constant 0 : index
      %get3A_184 = tpu.vector_load %arg7[%get3A, %get3A_183] {strides = array<i32>} : memref<64x16xf32, #tpu.memory_space<vmem>>, vector<1x16xf32>,
      %get3A_185 = vector.shape_cast %get3A_184 : vector<1x16xf32> to vector<16xf32>
      %swap3A = arith.index_cast %scan3A_182 : i32 to index
      %swap3A_186 = arith.constant 0 : index
      %swap3A_187 = tpu.vector_load %arg8[%swap3A, %swap3A_186] {strides = array<i32>} : memref<64x768xf32, #tpu.memory_space<vmem>>, vector<1x16xf32>,
      %swap3A_188 = vector.shape_cast %swap3A_187 : vector<1x16xf32> to vector<16xf32>
      %swap3A_189 = vector.shape_cast %get3A_185 : vector<16xf32> to vector<1x16xf32>
      tpu.vector_store %arg8[%swap3A, %swap3A_186], %swap3A_189 {add = true, strides = array<i32>} : memref<64x768xf32, #tpu.memory_space<vmem>>, vector<1x16xf32>,
      %swap3A_190 = arith.index_cast %scan3A_182 : i32 to index
      %swap3A_191 = arith.constant 16 : index
      %swap3A_192 = tpu.vector_load %arg8[%swap3A_190, %swap3A_191] {strides = array<i32>} : memref<64x768xf32, #tpu.memory_space<vmem>>, vector<1x16xf32>,
      %swap3A_193 = vector.shape_cast %swap3A_192 : vector<1x16xf32> to vector<16xf32>
      %swap3A_194 = vector.shape_cast %convert_element_type3A : vector<16xf32> to vector<1x16xf32>
      tpu.vector_store %arg8[%swap3A_190, %swap3A_191], %swap3A_194 {add = true, strides = array<i32>} : memref<64x768xf32, #tpu.memory_space<vmem>>, vector<1x16xf32>,
      %swap3A_195 = arith.index_cast %scan3A_182 : i32 to index
      %swap3A_196 = arith.constant 32 : index
      %swap3A_197 = tpu.vector_load %arg8[%swap3A_195, %swap3A_196] {strides = array<i32>} : memref<64x768xf32, #tpu.memory_space<vmem>>, vector<1x16xf32>,
      %swap3A_198 = vector.shape_cast %swap3A_197 : vector<1x16xf32> to vector<16xf32>
      %swap3A_199 = vector.shape_cast %convert_element_type3A : vector<16xf32> to vector<1x16xf32>
      tpu.vector_store %arg8[%swap3A_195, %swap3A_196], %swap3A_199 {add = true, strides = array<i32>} : memref<64x768xf32, #tpu.memory_space<vmem>>, vector<1x16xf32>,
      %swap3A_200 = arith.index_cast %scan3A_182 : i32 to index
      %swap3A_201 = arith.constant 48 : index
      %swap3A_202 = tpu.vector_load %arg8[%swap3A_200, %swap3A_201] {strides = array<i32>} : memref<64x768xf32, #tpu.memory_space<vmem>>, vector<1x16xf32>,
      %swap3A_203 = vector.shape_cast %swap3A_202 : vector<1x16xf32> to vector<16xf32>
      %swap3A_204 = vector.shape_cast %convert_element_type3A : vector<16xf32> to vector<1x16xf32>
      tpu.vector_store %arg8[%swap3A_200, %swap3A_201], %swap3A_204 {add = true, strides = array<i32>} : memref<64x768xf32, #tpu.memory_space<vmem>>, vector<1x16xf32>,
      %swap3A_205 = arith.index_cast %scan3A_182 : i32 to index
      %swap3A_206 = arith.constant 64 : index
      %swap3A_207 = tpu.vector_load %arg8[%swap3A_205, %swap3A_206] {strides = array<i32>} : memref<64x768xf32, #tpu.memory_space<vmem>>, vector<1x16xf32>,
      %swap3A_208 = vector.shape_cast %swap3A_207 : vector<1x16xf32> to vector<16xf32>
      %swap3A_209 = vector.shape_cast %convert_element_type3A : vector<16xf32> to vector<1x16xf32>
      tpu.vector_store %arg8[%swap3A_205, %swap3A_206], %swap3A_209 {add = true, strides = array<i32>} : memref<64x768xf32, #tpu.memory_space<vmem>>, vector<1x16xf32>,
      %swap3A_210 = arith.index_cast %scan3A_182 : i32 to index
      %swap3A_211 = arith.constant 80 : index
      %swap3A_212 = tpu.vector_load %arg8[%swap3A_210, %swap3A_211] {strides = array<i32>} : memref<64x768xf32, #tpu.memory_space<vmem>>, vector<1x16xf32>,
      %swap3A_213 = vector.shape_cast %swap3A_212 : vector<1x16xf32> to vector<16xf32>
      %swap3A_214 = vector.shape_cast %convert_element_type3A : vector<16xf32> to vector<1x16xf32>
      tpu.vector_store %arg8[%swap3A_210, %swap3A_211], %swap3A_214 {add = true, strides = array<i32>} : memref<64x768xf32, #tpu.memory_space<vmem>>, vector<1x16xf32>,
      %swap3A_215 = arith.index_cast %scan3A_182 : i32 to index
      %swap3A_216 = arith.constant 96 : index
      %swap3A_217 = tpu.vector_load %arg8[%swap3A_215, %swap3A_216] {strides = array<i32>} : memref<64x768xf32, #tpu.memory_space<vmem>>, vector<1x16xf32>,
      %swap3A_218 = vector.shape_cast %swap3A_217 : vector<1x16xf32> to vector<16xf32>
      %swap3A_219 = vector.shape_cast %convert_element_type3A : vector<16xf32> to vector<1x16xf32>
      tpu.vector_store %arg8[%swap3A_215, %swap3A_216], %swap3A_219 {add = true, strides = array<i32>} : memref<64x768xf32, #tpu.memory_space<vmem>>, vector<1x16xf32>,
      %swap3A_220 = arith.index_cast %scan3A_182 : i32 to index
      %swap3A_221 = arith.constant 112 : index
      %swap3A_222 = tpu.vector_load %arg8[%swap3A_220, %swap3A_221] {strides = array<i32>} : memref<64x768xf32, #tpu.memory_space<vmem>>, vector<1x16xf32>,
      %swap3A_223 = vector.shape_cast %swap3A_222 : vector<1x16xf32> to vector<16xf32>
      %swap3A_224 = vector.shape_cast %convert_element_type3A : vector<16xf32> to vector<1x16xf32>
      tpu.vector_store %arg8[%swap3A_220, %swap3A_221], %swap3A_224 {add = true, strides = array<i32>} : memref<64x768xf32, #tpu.memory_space<vmem>>, vector<1x16xf32>,
      %swap3A_225 = arith.index_cast %scan3A_182 : i32 to index
      %swap3A_226 = arith.constant 128 : index
      %swap3A_227 = tpu.vector_load %arg8[%swap3A_225, %swap3A_226] {strides = array<i32>} : memref<64x768xf32, #tpu.memory_space<vmem>>, vector<1x16xf32>,
      %swap3A_228 = vector.shape_cast %swap3A_227 : vector<1x16xf32> to vector<16xf32>
      %swap3A_229 = vector.shape_cast %convert_element_type3A : vector<16xf32> to vector<1x16xf32>
      tpu.vector_store %arg8[%swap3A_225, %swap3A_226], %swap3A_229 {add = true, strides = array<i32>} : memref<64x768xf32, #tpu.memory_space<vmem>>, vector<1x16xf32>,
      %swap3A_230 = arith.index_cast %scan3A_182 : i32 to index
      %swap3A_231 = arith.constant 144 : index
      %swap3A_232 = tpu.vector_load %arg8[%swap3A_230, %swap3A_231] {strides = array<i32>} : memref<64x768xf32, #tpu.memory_space<vmem>>, vector<1x16xf32>,
      %swap3A_233 = vector.shape_cast %swap3A_232 : vector<1x16xf32> to vector<16xf32>
      %swap3A_234 = vector.shape_cast %convert_element_type3A : vector<16xf32> to vector<1x16xf32>
      tpu.vector_store %arg8[%swap3A_230, %swap3A_231], %swap3A_234 {add = true, strides = array<i32>} : memref<64x768xf32, #tpu.memory_space<vmem>>, vector<1x16xf32>,
      %swap3A_235 = arith.index_cast %scan3A_182 : i32 to index
      %swap3A_236 = arith.constant 160 : index
      %swap3A_237 = tpu.vector_load %arg8[%swap3A_235, %swap3A_236] {strides = array<i32>} : memref<64x768xf32, #tpu.memory_space<vmem>>, vector<1x16xf32>,
      %swap3A_238 = vector.shape_cast %swap3A_237 : vector<1x16xf32> to vector<16xf32>
      %swap3A_239 = vector.shape_cast %convert_element_type3A : vector<16xf32> to vector<1x16xf32>
      tpu.vector_store %arg8[%swap3A_235, %swap3A_236], %swap3A_239 {add = true, strides = array<i32>} : memref<64x768xf32, #tpu.memory_space<vmem>>, vector<1x16xf32>,
      %swap3A_240 = arith.index_cast %scan3A_182 : i32 to index
      %swap3A_241 = arith.constant 176 : index
      %swap3A_242 = tpu.vector_load %arg8[%swap3A_240, %swap3A_241] {strides = array<i32>} : memref<64x768xf32, #tpu.memory_space<vmem>>, vector<1x16xf32>,
      %swap3A_243 = vector.shape_cast %swap3A_242 : vector<1x16xf32> to vector<16xf32>
      %swap3A_244 = vector.shape_cast %convert_element_type3A : vector<16xf32> to vector<1x16xf32>
      tpu.vector_store %arg8[%swap3A_240, %swap3A_241], %swap3A_244 {add = true, strides = array<i32>} : memref<64x768xf32, #tpu.memory_space<vmem>>, vector<1x16xf32>,
      %swap3A_245 = arith.index_cast %scan3A_182 : i32 to index
      %swap3A_246 = arith.constant 192 : index
      %swap3A_247 = tpu.vector_load %arg8[%swap3A_245, %swap3A_246] {strides = array<i32>} : memref<64x768xf32, #tpu.memory_space<vmem>>, vector<1x16xf32>,
      %swap3A_248 = vector.shape_cast %swap3A_247 : vector<1x16xf32> to vector<16xf32>
      %swap3A_249 = vector.shape_cast %convert_element_type3A : vector<16xf32> to vector<1x16xf32>
      tpu.vector_store %arg8[%swap3A_245, %swap3A_246], %swap3A_249 {add = true, strides = array<i32>} : memref<64x768xf32, #tpu.memory_space<vmem>>, vector<1x16xf32>,
      %swap3A_250 = arith.index_cast %scan3A_182 : i32 to index
      %swap3A_251 = arith.constant 208 : index
      %swap3A_252 = tpu.vector_load %arg8[%swap3A_250, %swap3A_251] {strides = array<i32>} : memref<64x768xf32, #tpu.memory_space<vmem>>, vector<1x16xf32>,
      %swap3A_253 = vector.shape_cast %swap3A_252 : vector<1x16xf32> to vector<16xf32>
      %swap3A_254 = vector.shape_cast %convert_element_type3A : vector<16xf32> to vector<1x16xf32>
      tpu.vector_store %arg8[%swap3A_250, %swap3A_251], %swap3A_254 {add = true, strides = array<i32>} : memref<64x768xf32, #tpu.memory_space<vmem>>, vector<1x16xf32>,
      %swap3A_255 = arith.index_cast %scan3A_182 : i32 to index
      %swap3A_256 = arith.constant 224 : index
      %swap3A_257 = tpu.vector_load %arg8[%swap3A_255, %swap3A_256] {strides = array<i32>} : memref<64x768xf32, #tpu.memory_space<vmem>>, vector<1x16xf32>,
      %swap3A_258 = vector.shape_cast %swap3A_257 : vector<1x16xf32> to vector<16xf32>
      %swap3A_259 = vector.shape_cast %convert_element_type3A : vector<16xf32> to vector<1x16xf32>
      tpu.vector_store %arg8[%swap3A_255, %swap3A_256], %swap3A_259 {add = true, strides = array<i32>} : memref<64x768xf32, #tpu.memory_space<vmem>>, vector<1x16xf32>,
      %swap3A_260 = arith.index_cast %scan3A_182 : i32 to index
      %swap3A_261 = arith.constant 240 : index
      %swap3A_262 = tpu.vector_load %arg8[%swap3A_260, %swap3A_261] {strides = array<i32>} : memref<64x768xf32, #tpu.memory_space<vmem>>, vector<1x16xf32>,
      %swap3A_263 = vector.shape_cast %swap3A_262 : vector<1x16xf32> to vector<16xf32>
      %swap3A_264 = vector.shape_cast %convert_element_type3A : vector<16xf32> to vector<1x16xf32>
      tpu.vector_store %arg8[%swap3A_260, %swap3A_261], %swap3A_264 {add = true, strides = array<i32>} : memref<64x768xf32, #tpu.memory_space<vmem>>, vector<1x16xf32>,
      %swap3A_265 = arith.index_cast %scan3A_182 : i32 to index
      %swap3A_266 = arith.constant 256 : index
      %swap3A_267 = tpu.vector_load %arg8[%swap3A_265, %swap3A_266] {strides = array<i32>} : memref<64x768xf32, #tpu.memory_space<vmem>>, vector<1x16xf32>,
      %swap3A_268 = vector.shape_cast %swap3A_267 : vector<1x16xf32> to vector<16xf32>
      %swap3A_269 = vector.shape_cast %convert_element_type3A : vector<16xf32> to vector<1x16xf32>
      tpu.vector_store %arg8[%swap3A_265, %swap3A_266], %swap3A_269 {add = true, strides = array<i32>} : memref<64x768xf32, #tpu.memory_space<vmem>>, vector<1x16xf32>,
      %swap3A_270 = arith.index_cast %scan3A_182 : i32 to index
      %swap3A_271 = arith.constant 272 : index
      %swap3A_272 = tpu.vector_load %arg8[%swap3A_270, %swap3A_271] {strides = array<i32>} : memref<64x768xf32, #tpu.memory_space<vmem>>, vector<1x16xf32>,
      %swap3A_273 = vector.shape_cast %swap3A_272 : vector<1x16xf32> to vector<16xf32>
      %swap3A_274 = vector.shape_cast %convert_element_type3A : vector<16xf32> to vector<1x16xf32>
      tpu.vector_store %arg8[%swap3A_270, %swap3A_271], %swap3A_274 {add = true, strides = array<i32>} : memref<64x768xf32, #tpu.memory_space<vmem>>, vector<1x16xf32>,
      %swap3A_275 = arith.index_cast %scan3A_182 : i32 to index
      %swap3A_276 = arith.constant 288 : index
      %swap3A_277 = tpu.vector_load %arg8[%swap3A_275, %swap3A_276] {strides = array<i32>} : memref<64x768xf32, #tpu.memory_space<vmem>>, vector<1x16xf32>,
      %swap3A_278 = vector.shape_cast %swap3A_277 : vector<1x16xf32> to vector<16xf32>
      %swap3A_279 = vector.shape_cast %convert_element_type3A : vector<16xf32> to vector<1x16xf32>
      tpu.vector_store %arg8[%swap3A_275, %swap3A_276], %swap3A_279 {add = true, strides = array<i32>} : memref<64x768xf32, #tpu.memory_space<vmem>>, vector<1x16xf32>,
      %swap3A_280 = arith.index_cast %scan3A_182 : i32 to index
      %swap3A_281 = arith.constant 304 : index
      %swap3A_282 = tpu.vector_load %arg8[%swap3A_280, %swap3A_281] {strides = array<i32>} : memref<64x768xf32, #tpu.memory_space<vmem>>, vector<1x16xf32>,
      %swap3A_283 = vector.shape_cast %swap3A_282 : vector<1x16xf32> to vector<16xf32>
      %swap3A_284 = vector.shape_cast %convert_element_type3A : vector<16xf32> to vector<1x16xf32>
      tpu.vector_store %arg8[%swap3A_280, %swap3A_281], %swap3A_284 {add = true, strides = array<i32>} : memref<64x768xf32, #tpu.memory_space<vmem>>, vector<1x16xf32>,
      %swap3A_285 = arith.index_cast %scan3A_182 : i32 to index
      %swap3A_286 = arith.constant 320 : index
      %swap3A_287 = tpu.vector_load %arg8[%swap3A_285, %swap3A_286] {strides = array<i32>} : memref<64x768xf32, #tpu.memory_space<vmem>>, vector<1x16xf32>,
      %swap3A_288 = vector.shape_cast %swap3A_287 : vector<1x16xf32> to vector<16xf32>
      %swap3A_289 = vector.shape_cast %convert_element_type3A : vector<16xf32> to vector<1x16xf32>
      tpu.vector_store %arg8[%swap3A_285, %swap3A_286], %swap3A_289 {add = true, strides = array<i32>} : memref<64x768xf32, #tpu.memory_space<vmem>>, vector<1x16xf32>,
      %swap3A_290 = arith.index_cast %scan3A_182 : i32 to index
      %swap3A_291 = arith.constant 336 : index
      %swap3A_292 = tpu.vector_load %arg8[%swap3A_290, %swap3A_291] {strides = array<i32>} : memref<64x768xf32, #tpu.memory_space<vmem>>, vector<1x16xf32>,
      %swap3A_293 = vector.shape_cast %swap3A_292 : vector<1x16xf32> to vector<16xf32>
      %swap3A_294 = vector.shape_cast %convert_element_type3A : vector<16xf32> to vector<1x16xf32>
      tpu.vector_store %arg8[%swap3A_290, %swap3A_291], %swap3A_294 {add = true, strides = array<i32>} : memref<64x768xf32, #tpu.memory_space<vmem>>, vector<1x16xf32>,
      %swap3A_295 = arith.index_cast %scan3A_182 : i32 to index
      %swap3A_296 = arith.constant 352 : index
      %swap3A_297 = tpu.vector_load %arg8[%swap3A_295, %swap3A_296] {strides = array<i32>} : memref<64x768xf32, #tpu.memory_space<vmem>>, vector<1x16xf32>,
      %swap3A_298 = vector.shape_cast %swap3A_297 : vector<1x16xf32> to vector<16xf32>
      %swap3A_299 = vector.shape_cast %convert_element_type3A : vector<16xf32> to vector<1x16xf32>
      tpu.vector_store %arg8[%swap3A_295, %swap3A_296], %swap3A_299 {add = true, strides = array<i32>} : memref<64x768xf32, #tpu.memory_space<vmem>>, vector<1x16xf32>,
      %swap3A_300 = arith.index_cast %scan3A_182 : i32 to index
      %swap3A_301 = arith.constant 368 : index
      %swap3A_302 = tpu.vector_load %arg8[%swap3A_300, %swap3A_301] {strides = array<i32>} : memref<64x768xf32, #tpu.memory_space<vmem>>, vector<1x16xf32>,
      %swap3A_303 = vector.shape_cast %swap3A_302 : vector<1x16xf32> to vector<16xf32>
      %swap3A_304 = vector.shape_cast %convert_element_type3A : vector<16xf32> to vector<1x16xf32>
      tpu.vector_store %arg8[%swap3A_300, %swap3A_301], %swap3A_304 {add = true, strides = array<i32>} : memref<64x768xf32, #tpu.memory_space<vmem>>, vector<1x16xf32>,
      %swap3A_305 = arith.index_cast %scan3A_182 : i32 to index
      %swap3A_306 = arith.constant 384 : index
      %swap3A_307 = tpu.vector_load %arg8[%swap3A_305, %swap3A_306] {strides = array<i32>} : memref<64x768xf32, #tpu.memory_space<vmem>>, vector<1x16xf32>,
      %swap3A_308 = vector.shape_cast %swap3A_307 : vector<1x16xf32> to vector<16xf32>
      %swap3A_309 = vector.shape_cast %convert_element_type3A : vector<16xf32> to vector<1x16xf32>
      tpu.vector_store %arg8[%swap3A_305, %swap3A_306], %swap3A_309 {add = true, strides = array<i32>} : memref<64x768xf32, #tpu.memory_space<vmem>>, vector<1x16xf32>,
      %swap3A_310 = arith.index_cast %scan3A_182 : i32 to index
      %swap3A_311 = arith.constant 400 : index
      %swap3A_312 = tpu.vector_load %arg8[%swap3A_310, %swap3A_311] {strides = array<i32>} : memref<64x768xf32, #tpu.memory_space<vmem>>, vector<1x16xf32>,
      %swap3A_313 = vector.shape_cast %swap3A_312 : vector<1x16xf32> to vector<16xf32>
      %swap3A_314 = vector.shape_cast %convert_element_type3A : vector<16xf32> to vector<1x16xf32>
      tpu.vector_store %arg8[%swap3A_310, %swap3A_311], %swap3A_314 {add = true, strides = array<i32>} : memref<64x768xf32, #tpu.memory_space<vmem>>, vector<1x16xf32>,
      %swap3A_315 = arith.index_cast %scan3A_182 : i32 to index
      %swap3A_316 = arith.constant 416 : index
      %swap3A_317 = tpu.vector_load %arg8[%swap3A_315, %swap3A_316] {strides = array<i32>} : memref<64x768xf32, #tpu.memory_space<vmem>>, vector<1x16xf32>,
      %swap3A_318 = vector.shape_cast %swap3A_317 : vector<1x16xf32> to vector<16xf32>
      %swap3A_319 = vector.shape_cast %convert_element_type3A : vector<16xf32> to vector<1x16xf32>
      tpu.vector_store %arg8[%swap3A_315, %swap3A_316], %swap3A_319 {add = true, strides = array<i32>} : memref<64x768xf32, #tpu.memory_space<vmem>>, vector<1x16xf32>,
      %swap3A_320 = arith.index_cast %scan3A_182 : i32 to index
      %swap3A_321 = arith.constant 432 : index
      %swap3A_322 = tpu.vector_load %arg8[%swap3A_320, %swap3A_321] {strides = array<i32>} : memref<64x768xf32, #tpu.memory_space<vmem>>, vector<1x16xf32>,
      %swap3A_323 = vector.shape_cast %swap3A_322 : vector<1x16xf32> to vector<16xf32>
      %swap3A_324 = vector.shape_cast %convert_element_type3A : vector<16xf32> to vector<1x16xf32>
      tpu.vector_store %arg8[%swap3A_320, %swap3A_321], %swap3A_324 {add = true, strides = array<i32>} : memref<64x768xf32, #tpu.memory_space<vmem>>, vector<1x16xf32>,
      %swap3A_325 = arith.index_cast %scan3A_182 : i32 to index
      %swap3A_326 = arith.constant 448 : index
      %swap3A_327 = tpu.vector_load %arg8[%swap3A_325, %swap3A_326] {strides = array<i32>} : memref<64x768xf32, #tpu.memory_space<vmem>>, vector<1x16xf32>,
      %swap3A_328 = vector.shape_cast %swap3A_327 : vector<1x16xf32> to vector<16xf32>
      %swap3A_329 = vector.shape_cast %convert_element_type3A : vector<16xf32> to vector<1x16xf32>
      tpu.vector_store %arg8[%swap3A_325, %swap3A_326], %swap3A_329 {add = true, strides = array<i32>} : memref<64x768xf32, #tpu.memory_space<vmem>>, vector<1x16xf32>,
      %swap3A_330 = arith.index_cast %scan3A_182 : i32 to index
      %swap3A_331 = arith.constant 464 : index
      %swap3A_332 = tpu.vector_load %arg8[%swap3A_330, %swap3A_331] {strides = array<i32>} : memref<64x768xf32, #tpu.memory_space<vmem>>, vector<1x16xf32>,
      %swap3A_333 = vector.shape_cast %swap3A_332 : vector<1x16xf32> to vector<16xf32>
      %swap3A_334 = vector.shape_cast %convert_element_type3A : vector<16xf32> to vector<1x16xf32>
      tpu.vector_store %arg8[%swap3A_330, %swap3A_331], %swap3A_334 {add = true, strides = array<i32>} : memref<64x768xf32, #tpu.memory_space<vmem>>, vector<1x16xf32>,
      %swap3A_335 = arith.index_cast %scan3A_182 : i32 to index
      %swap3A_336 = arith.constant 480 : index
      %swap3A_337 = tpu.vector_load %arg8[%swap3A_335, %swap3A_336] {strides = array<i32>} : memref<64x768xf32, #tpu.memory_space<vmem>>, vector<1x16xf32>,
      %swap3A_338 = vector.shape_cast %swap3A_337 : vector<1x16xf32> to vector<16xf32>
      %swap3A_339 = vector.shape_cast %convert_element_type3A : vector<16xf32> to vector<1x16xf32>
      tpu.vector_store %arg8[%swap3A_335, %swap3A_336], %swap3A_339 {add = true, strides = array<i32>} : memref<64x768xf32, #tpu.memory_space<vmem>>, vector<1x16xf32>,
      %swap3A_340 = arith.index_cast %scan3A_182 : i32 to index
      %swap3A_341 = arith.constant 496 : index
      %swap3A_342 = tpu.vector_load %arg8[%swap3A_340, %swap3A_341] {strides = array<i32>} : memref<64x768xf32, #tpu.memory_space<vmem>>, vector<1x16xf32>,
      %swap3A_343 = vector.shape_cast %swap3A_342 : vector<1x16xf32> to vector<16xf32>
      %swap3A_344 = vector.shape_cast %convert_element_type3A : vector<16xf32> to vector<1x16xf32>
      tpu.vector_store %arg8[%swap3A_340, %swap3A_341], %swap3A_344 {add = true, strides = array<i32>} : memref<64x768xf32, #tpu.memory_space<vmem>>, vector<1x16xf32>,
      %swap3A_345 = arith.index_cast %scan3A_182 : i32 to index
      %swap3A_346 = arith.constant 512 : index
      %swap3A_347 = tpu.vector_load %arg8[%swap3A_345, %swap3A_346] {strides = array<i32>} : memref<64x768xf32, #tpu.memory_space<vmem>>, vector<1x16xf32>,
      %swap3A_348 = vector.shape_cast %swap3A_347 : vector<1x16xf32> to vector<16xf32>
      %swap3A_349 = vector.shape_cast %convert_element_type3A : vector<16xf32> to vector<1x16xf32>
      tpu.vector_store %arg8[%swap3A_345, %swap3A_346], %swap3A_349 {add = true, strides = array<i32>} : memref<64x768xf32, #tpu.memory_space<vmem>>, vector<1x16xf32>,
      %swap3A_350 = arith.index_cast %scan3A_182 : i32 to index
      %swap3A_351 = arith.constant 528 : index
      %swap3A_352 = tpu.vector_load %arg8[%swap3A_350, %swap3A_351] {strides = array<i32>} : memref<64x768xf32, #tpu.memory_space<vmem>>, vector<1x16xf32>,
      %swap3A_353 = vector.shape_cast %swap3A_352 : vector<1x16xf32> to vector<16xf32>
      %swap3A_354 = vector.shape_cast %convert_element_type3A : vector<16xf32> to vector<1x16xf32>
      tpu.vector_store %arg8[%swap3A_350, %swap3A_351], %swap3A_354 {add = true, strides = array<i32>} : memref<64x768xf32, #tpu.memory_space<vmem>>, vector<1x16xf32>,
      %swap3A_355 = arith.index_cast %scan3A_182 : i32 to index
      %swap3A_356 = arith.constant 544 : index
      %swap3A_357 = tpu.vector_load %arg8[%swap3A_355, %swap3A_356] {strides = array<i32>} : memref<64x768xf32, #tpu.memory_space<vmem>>, vector<1x16xf32>,
      %swap3A_358 = vector.shape_cast %swap3A_357 : vector<1x16xf32> to vector<16xf32>
      %swap3A_359 = vector.shape_cast %convert_element_type3A : vector<16xf32> to vector<1x16xf32>
      tpu.vector_store %arg8[%swap3A_355, %swap3A_356], %swap3A_359 {add = true, strides = array<i32>} : memref<64x768xf32, #tpu.memory_space<vmem>>, vector<1x16xf32>,
      %swap3A_360 = arith.index_cast %scan3A_182 : i32 to index
      %swap3A_361 = arith.constant 560 : index
      %swap3A_362 = tpu.vector_load %arg8[%swap3A_360, %swap3A_361] {strides = array<i32>} : memref<64x768xf32, #tpu.memory_space<vmem>>, vector<1x16xf32>,
      %swap3A_363 = vector.shape_cast %swap3A_362 : vector<1x16xf32> to vector<16xf32>
      %swap3A_364 = vector.shape_cast %convert_element_type3A : vector<16xf32> to vector<1x16xf32>
      tpu.vector_store %arg8[%swap3A_360, %swap3A_361], %swap3A_364 {add = true, strides = array<i32>} : memref<64x768xf32, #tpu.memory_space<vmem>>, vector<1x16xf32>,
      %swap3A_365 = arith.index_cast %scan3A_182 : i32 to index
      %swap3A_366 = arith.constant 576 : index
      %swap3A_367 = tpu.vector_load %arg8[%swap3A_365, %swap3A_366] {strides = array<i32>} : memref<64x768xf32, #tpu.memory_space<vmem>>, vector<1x16xf32>,
      %swap3A_368 = vector.shape_cast %swap3A_367 : vector<1x16xf32> to vector<16xf32>
      %swap3A_369 = vector.shape_cast %convert_element_type3A : vector<16xf32> to vector<1x16xf32>
      tpu.vector_store %arg8[%swap3A_365, %swap3A_366], %swap3A_369 {add = true, strides = array<i32>} : memref<64x768xf32, #tpu.memory_space<vmem>>, vector<1x16xf32>,
      %swap3A_370 = arith.index_cast %scan3A_182 : i32 to index
      %swap3A_371 = arith.constant 592 : index
      %swap3A_372 = tpu.vector_load %arg8[%swap3A_370, %swap3A_371] {strides = array<i32>} : memref<64x768xf32, #tpu.memory_space<vmem>>, vector<1x16xf32>,
      %swap3A_373 = vector.shape_cast %swap3A_372 : vector<1x16xf32> to vector<16xf32>
      %swap3A_374 = vector.shape_cast %convert_element_type3A : vector<16xf32> to vector<1x16xf32>
      tpu.vector_store %arg8[%swap3A_370, %swap3A_371], %swap3A_374 {add = true, strides = array<i32>} : memref<64x768xf32, #tpu.memory_space<vmem>>, vector<1x16xf32>,
      %swap3A_375 = arith.index_cast %scan3A_182 : i32 to index
      %swap3A_376 = arith.constant 608 : index
      %swap3A_377 = tpu.vector_load %arg8[%swap3A_375, %swap3A_376] {strides = array<i32>} : memref<64x768xf32, #tpu.memory_space<vmem>>, vector<1x16xf32>,
      %swap3A_378 = vector.shape_cast %swap3A_377 : vector<1x16xf32> to vector<16xf32>
      %swap3A_379 = vector.shape_cast %convert_element_type3A : vector<16xf32> to vector<1x16xf32>
      tpu.vector_store %arg8[%swap3A_375, %swap3A_376], %swap3A_379 {add = true, strides = array<i32>} : memref<64x768xf32, #tpu.memory_space<vmem>>, vector<1x16xf32>,
      %swap3A_380 = arith.index_cast %scan3A_182 : i32 to index
      %swap3A_381 = arith.constant 624 : index
      %swap3A_382 = tpu.vector_load %arg8[%swap3A_380, %swap3A_381] {strides = array<i32>} : memref<64x768xf32, #tpu.memory_space<vmem>>, vector<1x16xf32>,
      %swap3A_383 = vector.shape_cast %swap3A_382 : vector<1x16xf32> to vector<16xf32>
      %swap3A_384 = vector.shape_cast %convert_element_type3A : vector<16xf32> to vector<1x16xf32>
      tpu.vector_store %arg8[%swap3A_380, %swap3A_381], %swap3A_384 {add = true, strides = array<i32>} : memref<64x768xf32, #tpu.memory_space<vmem>>, vector<1x16xf32>,
      %swap3A_385 = arith.index_cast %scan3A_182 : i32 to index
      %swap3A_386 = arith.constant 640 : index
      %swap3A_387 = tpu.vector_load %arg8[%swap3A_385, %swap3A_386] {strides = array<i32>} : memref<64x768xf32, #tpu.memory_space<vmem>>, vector<1x16xf32>,
      %swap3A_388 = vector.shape_cast %swap3A_387 : vector<1x16xf32> to vector<16xf32>
      %swap3A_389 = vector.shape_cast %convert_element_type3A : vector<16xf32> to vector<1x16xf32>
      tpu.vector_store %arg8[%swap3A_385, %swap3A_386], %swap3A_389 {add = true, strides = array<i32>} : memref<64x768xf32, #tpu.memory_space<vmem>>, vector<1x16xf32>,
      %swap3A_390 = arith.index_cast %scan3A_182 : i32 to index
      %swap3A_391 = arith.constant 656 : index
      %swap3A_392 = tpu.vector_load %arg8[%swap3A_390, %swap3A_391] {strides = array<i32>} : memref<64x768xf32, #tpu.memory_space<vmem>>, vector<1x16xf32>,
      %swap3A_393 = vector.shape_cast %swap3A_392 : vector<1x16xf32> to vector<16xf32>
      %swap3A_394 = vector.shape_cast %convert_element_type3A : vector<16xf32> to vector<1x16xf32>
      tpu.vector_store %arg8[%swap3A_390, %swap3A_391], %swap3A_394 {add = true, strides = array<i32>} : memref<64x768xf32, #tpu.memory_space<vmem>>, vector<1x16xf32>,
      %swap3A_395 = arith.index_cast %scan3A_182 : i32 to index
      %swap3A_396 = arith.constant 672 : index
      %swap3A_397 = tpu.vector_load %arg8[%swap3A_395, %swap3A_396] {strides = array<i32>} : memref<64x768xf32, #tpu.memory_space<vmem>>, vector<1x16xf32>,
      %swap3A_398 = vector.shape_cast %swap3A_397 : vector<1x16xf32> to vector<16xf32>
      %swap3A_399 = vector.shape_cast %convert_element_type3A : vector<16xf32> to vector<1x16xf32>
      tpu.vector_store %arg8[%swap3A_395, %swap3A_396], %swap3A_399 {add = true, strides = array<i32>} : memref<64x768xf32, #tpu.memory_space<vmem>>, vector<1x16xf32>,
      %swap3A_400 = arith.index_cast %scan3A_182 : i32 to index
      %swap3A_401 = arith.constant 688 : index
      %swap3A_402 = tpu.vector_load %arg8[%swap3A_400, %swap3A_401] {strides = array<i32>} : memref<64x768xf32, #tpu.memory_space<vmem>>, vector<1x16xf32>,
      %swap3A_403 = vector.shape_cast %swap3A_402 : vector<1x16xf32> to vector<16xf32>
      %swap3A_404 = vector.shape_cast %convert_element_type3A : vector<16xf32> to vector<1x16xf32>
      tpu.vector_store %arg8[%swap3A_400, %swap3A_401], %swap3A_404 {add = true, strides = array<i32>} : memref<64x768xf32, #tpu.memory_space<vmem>>, vector<1x16xf32>,
      %swap3A_405 = arith.index_cast %scan3A_182 : i32 to index
      %swap3A_406 = arith.constant 704 : index
      %swap3A_407 = tpu.vector_load %arg8[%swap3A_405, %swap3A_406] {strides = array<i32>} : memref<64x768xf32, #tpu.memory_space<vmem>>, vector<1x16xf32>,
      %swap3A_408 = vector.shape_cast %swap3A_407 : vector<1x16xf32> to vector<16xf32>
      %swap3A_409 = vector.shape_cast %convert_element_type3A : vector<16xf32> to vector<1x16xf32>
      tpu.vector_store %arg8[%swap3A_405, %swap3A_406], %swap3A_409 {add = true, strides = array<i32>} : memref<64x768xf32, #tpu.memory_space<vmem>>, vector<1x16xf32>,
      %swap3A_410 = arith.index_cast %scan3A_182 : i32 to index
      %swap3A_411 = arith.constant 720 : index
      %swap3A_412 = tpu.vector_load %arg8[%swap3A_410, %swap3A_411] {strides = array<i32>} : memref<64x768xf32, #tpu.memory_space<vmem>>, vector<1x16xf32>,
      %swap3A_413 = vector.shape_cast %swap3A_412 : vector<1x16xf32> to vector<16xf32>
      %swap3A_414 = vector.shape_cast %convert_element_type3A : vector<16xf32> to vector<1x16xf32>
      tpu.vector_store %arg8[%swap3A_410, %swap3A_411], %swap3A_414 {add = true, strides = array<i32>} : memref<64x768xf32, #tpu.memory_space<vmem>>, vector<1x16xf32>,
      %swap3A_415 = arith.index_cast %scan3A_182 : i32 to index
      %swap3A_416 = arith.constant 736 : index
      %swap3A_417 = tpu.vector_load %arg8[%swap3A_415, %swap3A_416] {strides = array<i32>} : memref<64x768xf32, #tpu.memory_space<vmem>>, vector<1x16xf32>,
      %swap3A_418 = vector.shape_cast %swap3A_417 : vector<1x16xf32> to vector<16xf32>
      %swap3A_419 = vector.shape_cast %convert_element_type3A : vector<16xf32> to vector<1x16xf32>
      tpu.vector_store %arg8[%swap3A_415, %swap3A_416], %swap3A_419 {add = true, strides = array<i32>} : memref<64x768xf32, #tpu.memory_space<vmem>>, vector<1x16xf32>,
      %swap3A_420 = arith.index_cast %scan3A_182 : i32 to index
      %swap3A_421 = arith.constant 752 : index
      %swap3A_422 = tpu.vector_load %arg8[%swap3A_420, %swap3A_421] {strides = array<i32>} : memref<64x768xf32, #tpu.memory_space<vmem>>, vector<1x16xf32>,
      %swap3A_423 = vector.shape_cast %swap3A_422 : vector<1x16xf32> to vector<16xf32>
      %swap3A_424 = vector.shape_cast %convert_element_type3A : vector<16xf32> to vector<1x16xf32>
      tpu.vector_store %arg8[%swap3A_420, %swap3A_421], %swap3A_424 {add = true, strides = array<i32>} : memref<64x768xf32, #tpu.memory_space<vmem>>, vector<1x16xf32>,
    }
    %scan3A_101 = arith.constant 64 : i32
    %add3A_102 = arith.constant 0 : i32
    %add3A_103 = arith.addi %add3A_102, %mul3A_2 : i32
    %dma_start3A_104 = arith.constant 0 : i32
    %dma_start3A_105 = tpu.memref_slice %arg5[%add3A_103, %dma_start3A_104] : memref<8192x768xf32, #tpu.memory_space<hbm>> -> memref<64x768xf32, #tpu.memory_space<hbm>>
    %dma_start3A_106 = arith.constant 0 : i32
    %dma_start3A_107 = tpu.memref_slice %arg5[%add3A_103, %dma_start3A_106] : memref<8192x768xf32, #tpu.memory_space<hbm>> -> memref<64x768xf32, #tpu.memory_space<hbm>>
    tpu.enqueue_dma source(%arg8 : memref<64x768xf32, #tpu.memory_space<vmem>>) target(%dma_start3A_107 : memref<64x768xf32, #tpu.memory_space<hbm>>) target_semaphore(%arg14 : memref<!tpu.dma_semaphore, #tpu.memory_space<semaphore_mem>>)
    %dma_wait3A_108 = arith.constant 0 : i32
    %dma_wait3A_109 = tpu.memref_slice %arg5[%add3A_103, %dma_wait3A_108] : memref<8192x768xf32, #tpu.memory_space<hbm>> -> memref<64x768xf32, #tpu.memory_space<hbm>>
    %dma_wait3A_110 = arith.constant 0 : i32
    %dma_wait3A_111 = tpu.memref_slice %arg5[%add3A_103, %dma_wait3A_110] : memref<8192x768xf32, #tpu.memory_space<hbm>> -> memref<64x768xf32, #tpu.memory_space<hbm>>
    tpu.wait_dma2 semaphore(%arg14 : memref<!tpu.dma_semaphore, #tpu.memory_space<semaphore_mem>>) src(%arg8 : memref<64x768xf32, #tpu.memory_space<vmem>>) dst(%dma_wait3A_111 : memref<64x768xf32, #tpu.memory_space<hbm>>)
    %dma_start3A_112 = arith.constant 128 : i32
    %dma_start3A_113 = tpu.memref_slice %arg6[%dma_start3A_112] : memref<256xi32, #tpu.memory_space<vmem>> -> memref<64xi32, #tpu.memory_space<vmem>>
    %dma_start3A_114 = arith.constant 0 : i32
    %dma_start3A_115 = arith.constant 0 : i32
    %dma_start3A_116 = tpu.memref_slice %arg3[%dma_start3A_114, %dma_start3A_115] : memref<100000x768xf32, #tpu.memory_space<hbm>> -> memref<100000x768xf32, #tpu.memory_space<hbm>>
    tpu.enqueue_indirect_dma source(%dma_start3A_116 : memref<100000x768xf32, #tpu.memory_space<hbm>>) target(%arg8 : memref<64x768xf32, #tpu.memory_space<vmem>>) offsets(%dma_start3A_113 : memref<64xi32, #tpu.memory_space<vmem>>) semaphore(%arg12 : memref<!tpu.dma_semaphore, #tpu.memory_space<semaphore_mem>>)
    %dma_wait3A_117 = arith.constant 64 : i32
    %dma_wait3A_118 = tpu.memref_slice %arg6[%dma_wait3A_117] : memref<256xi32, #tpu.memory_space<vmem>> -> memref<64xi32, #tpu.memory_space<vmem>>
    %dma_wait3A_119 = arith.constant 0 : i32
    %dma_wait3A_120 = arith.constant 0 : i32
    %dma_wait3A_121 = tpu.memref_slice %arg3[%dma_wait3A_119, %dma_wait3A_120] : memref<100000x768xf32, #tpu.memory_space<hbm>> -> memref<100000x768xf32, #tpu.memory_space<hbm>>
    tpu.wait_indirect_dma semaphore(%arg13 : memref<!tpu.dma_semaphore, #tpu.memory_space<semaphore_mem>>) src(%dma_wait3A_121 : memref<100000x768xf32, #tpu.memory_space<hbm>>) dst(%arg9 : memref<64x768xf32, #tpu.memory_space<vmem>>)
    %scan3A_122 = arith.constant 0 : i32
    %scan3A_123 = arith.constant 64 : i32
    %scan3A_124 = arith.addi %scan3A_122, %scan3A_123 : i32
    %scan3A_125 = arith.constant 1 : i32
    scf.for %scan3A_182 = %scan3A_122 to %scan3A_124 step %scan3A_125  : i32 {
      %get3A = arith.index_cast %scan3A_182 : i32 to index
      %get3A_183 = arith.constant 0 : index
      %get3A_184 = tpu.vector_load %arg7[%get3A, %get3A_183] {strides = array<i32>} : memref<64x16xf32, #tpu.memory_space<vmem>>, vector<1x16xf32>,
      %get3A_185 = vector.shape_cast %get3A_184 : vector<1x16xf32> to vector<16xf32>
      %swap3A = arith.index_cast %scan3A_182 : i32 to index
      %swap3A_186 = arith.constant 0 : index
      %swap3A_187 = tpu.vector_load %arg9[%swap3A, %swap3A_186] {strides = array<i32>} : memref<64x768xf32, #tpu.memory_space<vmem>>, vector<1x16xf32>,
      %swap3A_188 = vector.shape_cast %swap3A_187 : vector<1x16xf32> to vector<16xf32>
      %swap3A_189 = vector.shape_cast %get3A_185 : vector<16xf32> to vector<1x16xf32>
      tpu.vector_store %arg9[%swap3A, %swap3A_186], %swap3A_189 {add = true, strides = array<i32>} : memref<64x768xf32, #tpu.memory_space<vmem>>, vector<1x16xf32>,
      %swap3A_190 = arith.index_cast %scan3A_182 : i32 to index
      %swap3A_191 = arith.constant 16 : index
      %swap3A_192 = tpu.vector_load %arg9[%swap3A_190, %swap3A_191] {strides = array<i32>} : memref<64x768xf32, #tpu.memory_space<vmem>>, vector<1x16xf32>,
      %swap3A_193 = vector.shape_cast %swap3A_192 : vector<1x16xf32> to vector<16xf32>
      %swap3A_194 = vector.shape_cast %convert_element_type3A : vector<16xf32> to vector<1x16xf32>
      tpu.vector_store %arg9[%swap3A_190, %swap3A_191], %swap3A_194 {add = true, strides = array<i32>} : memref<64x768xf32, #tpu.memory_space<vmem>>, vector<1x16xf32>,
      %swap3A_195 = arith.index_cast %scan3A_182 : i32 to index
      %swap3A_196 = arith.constant 32 : index
      %swap3A_197 = tpu.vector_load %arg9[%swap3A_195, %swap3A_196] {strides = array<i32>} : memref<64x768xf32, #tpu.memory_space<vmem>>, vector<1x16xf32>,
      %swap3A_198 = vector.shape_cast %swap3A_197 : vector<1x16xf32> to vector<16xf32>
      %swap3A_199 = vector.shape_cast %convert_element_type3A : vector<16xf32> to vector<1x16xf32>
      tpu.vector_store %arg9[%swap3A_195, %swap3A_196], %swap3A_199 {add = true, strides = array<i32>} : memref<64x768xf32, #tpu.memory_space<vmem>>, vector<1x16xf32>,
      %swap3A_200 = arith.index_cast %scan3A_182 : i32 to index
      %swap3A_201 = arith.constant 48 : index
      %swap3A_202 = tpu.vector_load %arg9[%swap3A_200, %swap3A_201] {strides = array<i32>} : memref<64x768xf32, #tpu.memory_space<vmem>>, vector<1x16xf32>,
      %swap3A_203 = vector.shape_cast %swap3A_202 : vector<1x16xf32> to vector<16xf32>
      %swap3A_204 = vector.shape_cast %convert_element_type3A : vector<16xf32> to vector<1x16xf32>
      tpu.vector_store %arg9[%swap3A_200, %swap3A_201], %swap3A_204 {add = true, strides = array<i32>} : memref<64x768xf32, #tpu.memory_space<vmem>>, vector<1x16xf32>,
      %swap3A_205 = arith.index_cast %scan3A_182 : i32 to index
      %swap3A_206 = arith.constant 64 : index
      %swap3A_207 = tpu.vector_load %arg9[%swap3A_205, %swap3A_206] {strides = array<i32>} : memref<64x768xf32, #tpu.memory_space<vmem>>, vector<1x16xf32>,
      %swap3A_208 = vector.shape_cast %swap3A_207 : vector<1x16xf32> to vector<16xf32>
      %swap3A_209 = vector.shape_cast %convert_element_type3A : vector<16xf32> to vector<1x16xf32>
      tpu.vector_store %arg9[%swap3A_205, %swap3A_206], %swap3A_209 {add = true, strides = array<i32>} : memref<64x768xf32, #tpu.memory_space<vmem>>, vector<1x16xf32>,
      %swap3A_210 = arith.index_cast %scan3A_182 : i32 to index
      %swap3A_211 = arith.constant 80 : index
      %swap3A_212 = tpu.vector_load %arg9[%swap3A_210, %swap3A_211] {strides = array<i32>} : memref<64x768xf32, #tpu.memory_space<vmem>>, vector<1x16xf32>,
      %swap3A_213 = vector.shape_cast %swap3A_212 : vector<1x16xf32> to vector<16xf32>
      %swap3A_214 = vector.shape_cast %convert_element_type3A : vector<16xf32> to vector<1x16xf32>
      tpu.vector_store %arg9[%swap3A_210, %swap3A_211], %swap3A_214 {add = true, strides = array<i32>} : memref<64x768xf32, #tpu.memory_space<vmem>>, vector<1x16xf32>,
      %swap3A_215 = arith.index_cast %scan3A_182 : i32 to index
      %swap3A_216 = arith.constant 96 : index
      %swap3A_217 = tpu.vector_load %arg9[%swap3A_215, %swap3A_216] {strides = array<i32>} : memref<64x768xf32, #tpu.memory_space<vmem>>, vector<1x16xf32>,
      %swap3A_218 = vector.shape_cast %swap3A_217 : vector<1x16xf32> to vector<16xf32>
      %swap3A_219 = vector.shape_cast %convert_element_type3A : vector<16xf32> to vector<1x16xf32>
      tpu.vector_store %arg9[%swap3A_215, %swap3A_216], %swap3A_219 {add = true, strides = array<i32>} : memref<64x768xf32, #tpu.memory_space<vmem>>, vector<1x16xf32>,
      %swap3A_220 = arith.index_cast %scan3A_182 : i32 to index
      %swap3A_221 = arith.constant 112 : index
      %swap3A_222 = tpu.vector_load %arg9[%swap3A_220, %swap3A_221] {strides = array<i32>} : memref<64x768xf32, #tpu.memory_space<vmem>>, vector<1x16xf32>,
      %swap3A_223 = vector.shape_cast %swap3A_222 : vector<1x16xf32> to vector<16xf32>
      %swap3A_224 = vector.shape_cast %convert_element_type3A : vector<16xf32> to vector<1x16xf32>
      tpu.vector_store %arg9[%swap3A_220, %swap3A_221], %swap3A_224 {add = true, strides = array<i32>} : memref<64x768xf32, #tpu.memory_space<vmem>>, vector<1x16xf32>,
      %swap3A_225 = arith.index_cast %scan3A_182 : i32 to index
      %swap3A_226 = arith.constant 128 : index
      %swap3A_227 = tpu.vector_load %arg9[%swap3A_225, %swap3A_226] {strides = array<i32>} : memref<64x768xf32, #tpu.memory_space<vmem>>, vector<1x16xf32>,
      %swap3A_228 = vector.shape_cast %swap3A_227 : vector<1x16xf32> to vector<16xf32>
      %swap3A_229 = vector.shape_cast %convert_element_type3A : vector<16xf32> to vector<1x16xf32>
      tpu.vector_store %arg9[%swap3A_225, %swap3A_226], %swap3A_229 {add = true, strides = array<i32>} : memref<64x768xf32, #tpu.memory_space<vmem>>, vector<1x16xf32>,
      %swap3A_230 = arith.index_cast %scan3A_182 : i32 to index
      %swap3A_231 = arith.constant 144 : index
      %swap3A_232 = tpu.vector_load %arg9[%swap3A_230, %swap3A_231] {strides = array<i32>} : memref<64x768xf32, #tpu.memory_space<vmem>>, vector<1x16xf32>,
      %swap3A_233 = vector.shape_cast %swap3A_232 : vector<1x16xf32> to vector<16xf32>
      %swap3A_234 = vector.shape_cast %convert_element_type3A : vector<16xf32> to vector<1x16xf32>
      tpu.vector_store %arg9[%swap3A_230, %swap3A_231], %swap3A_234 {add = true, strides = array<i32>} : memref<64x768xf32, #tpu.memory_space<vmem>>, vector<1x16xf32>,
      %swap3A_235 = arith.index_cast %scan3A_182 : i32 to index
      %swap3A_236 = arith.constant 160 : index
      %swap3A_237 = tpu.vector_load %arg9[%swap3A_235, %swap3A_236] {strides = array<i32>} : memref<64x768xf32, #tpu.memory_space<vmem>>, vector<1x16xf32>,
      %swap3A_238 = vector.shape_cast %swap3A_237 : vector<1x16xf32> to vector<16xf32>
      %swap3A_239 = vector.shape_cast %convert_element_type3A : vector<16xf32> to vector<1x16xf32>
      tpu.vector_store %arg9[%swap3A_235, %swap3A_236], %swap3A_239 {add = true, strides = array<i32>} : memref<64x768xf32, #tpu.memory_space<vmem>>, vector<1x16xf32>,
      %swap3A_240 = arith.index_cast %scan3A_182 : i32 to index
      %swap3A_241 = arith.constant 176 : index
      %swap3A_242 = tpu.vector_load %arg9[%swap3A_240, %swap3A_241] {strides = array<i32>} : memref<64x768xf32, #tpu.memory_space<vmem>>, vector<1x16xf32>,
      %swap3A_243 = vector.shape_cast %swap3A_242 : vector<1x16xf32> to vector<16xf32>
      %swap3A_244 = vector.shape_cast %convert_element_type3A : vector<16xf32> to vector<1x16xf32>
      tpu.vector_store %arg9[%swap3A_240, %swap3A_241], %swap3A_244 {add = true, strides = array<i32>} : memref<64x768xf32, #tpu.memory_space<vmem>>, vector<1x16xf32>,
      %swap3A_245 = arith.index_cast %scan3A_182 : i32 to index
      %swap3A_246 = arith.constant 192 : index
      %swap3A_247 = tpu.vector_load %arg9[%swap3A_245, %swap3A_246] {strides = array<i32>} : memref<64x768xf32, #tpu.memory_space<vmem>>, vector<1x16xf32>,
      %swap3A_248 = vector.shape_cast %swap3A_247 : vector<1x16xf32> to vector<16xf32>
      %swap3A_249 = vector.shape_cast %convert_element_type3A : vector<16xf32> to vector<1x16xf32>
      tpu.vector_store %arg9[%swap3A_245, %swap3A_246], %swap3A_249 {add = true, strides = array<i32>} : memref<64x768xf32, #tpu.memory_space<vmem>>, vector<1x16xf32>,
      %swap3A_250 = arith.index_cast %scan3A_182 : i32 to index
      %swap3A_251 = arith.constant 208 : index
      %swap3A_252 = tpu.vector_load %arg9[%swap3A_250, %swap3A_251] {strides = array<i32>} : memref<64x768xf32, #tpu.memory_space<vmem>>, vector<1x16xf32>,
      %swap3A_253 = vector.shape_cast %swap3A_252 : vector<1x16xf32> to vector<16xf32>
      %swap3A_254 = vector.shape_cast %convert_element_type3A : vector<16xf32> to vector<1x16xf32>
      tpu.vector_store %arg9[%swap3A_250, %swap3A_251], %swap3A_254 {add = true, strides = array<i32>} : memref<64x768xf32, #tpu.memory_space<vmem>>, vector<1x16xf32>,
      %swap3A_255 = arith.index_cast %scan3A_182 : i32 to index
      %swap3A_256 = arith.constant 224 : index
      %swap3A_257 = tpu.vector_load %arg9[%swap3A_255, %swap3A_256] {strides = array<i32>} : memref<64x768xf32, #tpu.memory_space<vmem>>, vector<1x16xf32>,
      %swap3A_258 = vector.shape_cast %swap3A_257 : vector<1x16xf32> to vector<16xf32>
      %swap3A_259 = vector.shape_cast %convert_element_type3A : vector<16xf32> to vector<1x16xf32>
      tpu.vector_store %arg9[%swap3A_255, %swap3A_256], %swap3A_259 {add = true, strides = array<i32>} : memref<64x768xf32, #tpu.memory_space<vmem>>, vector<1x16xf32>,
      %swap3A_260 = arith.index_cast %scan3A_182 : i32 to index
      %swap3A_261 = arith.constant 240 : index
      %swap3A_262 = tpu.vector_load %arg9[%swap3A_260, %swap3A_261] {strides = array<i32>} : memref<64x768xf32, #tpu.memory_space<vmem>>, vector<1x16xf32>,
      %swap3A_263 = vector.shape_cast %swap3A_262 : vector<1x16xf32> to vector<16xf32>
      %swap3A_264 = vector.shape_cast %convert_element_type3A : vector<16xf32> to vector<1x16xf32>
      tpu.vector_store %arg9[%swap3A_260, %swap3A_261], %swap3A_264 {add = true, strides = array<i32>} : memref<64x768xf32, #tpu.memory_space<vmem>>, vector<1x16xf32>,
      %swap3A_265 = arith.index_cast %scan3A_182 : i32 to index
      %swap3A_266 = arith.constant 256 : index
      %swap3A_267 = tpu.vector_load %arg9[%swap3A_265, %swap3A_266] {strides = array<i32>} : memref<64x768xf32, #tpu.memory_space<vmem>>, vector<1x16xf32>,
      %swap3A_268 = vector.shape_cast %swap3A_267 : vector<1x16xf32> to vector<16xf32>
      %swap3A_269 = vector.shape_cast %convert_element_type3A : vector<16xf32> to vector<1x16xf32>
      tpu.vector_store %arg9[%swap3A_265, %swap3A_266], %swap3A_269 {add = true, strides = array<i32>} : memref<64x768xf32, #tpu.memory_space<vmem>>, vector<1x16xf32>,
      %swap3A_270 = arith.index_cast %scan3A_182 : i32 to index
      %swap3A_271 = arith.constant 272 : index
      %swap3A_272 = tpu.vector_load %arg9[%swap3A_270, %swap3A_271] {strides = array<i32>} : memref<64x768xf32, #tpu.memory_space<vmem>>, vector<1x16xf32>,
      %swap3A_273 = vector.shape_cast %swap3A_272 : vector<1x16xf32> to vector<16xf32>
      %swap3A_274 = vector.shape_cast %convert_element_type3A : vector<16xf32> to vector<1x16xf32>
      tpu.vector_store %arg9[%swap3A_270, %swap3A_271], %swap3A_274 {add = true, strides = array<i32>} : memref<64x768xf32, #tpu.memory_space<vmem>>, vector<1x16xf32>,
      %swap3A_275 = arith.index_cast %scan3A_182 : i32 to index
      %swap3A_276 = arith.constant 288 : index
      %swap3A_277 = tpu.vector_load %arg9[%swap3A_275, %swap3A_276] {strides = array<i32>} : memref<64x768xf32, #tpu.memory_space<vmem>>, vector<1x16xf32>,
      %swap3A_278 = vector.shape_cast %swap3A_277 : vector<1x16xf32> to vector<16xf32>
      %swap3A_279 = vector.shape_cast %convert_element_type3A : vector<16xf32> to vector<1x16xf32>
      tpu.vector_store %arg9[%swap3A_275, %swap3A_276], %swap3A_279 {add = true, strides = array<i32>} : memref<64x768xf32, #tpu.memory_space<vmem>>, vector<1x16xf32>,
      %swap3A_280 = arith.index_cast %scan3A_182 : i32 to index
      %swap3A_281 = arith.constant 304 : index
      %swap3A_282 = tpu.vector_load %arg9[%swap3A_280, %swap3A_281] {strides = array<i32>} : memref<64x768xf32, #tpu.memory_space<vmem>>, vector<1x16xf32>,
      %swap3A_283 = vector.shape_cast %swap3A_282 : vector<1x16xf32> to vector<16xf32>
      %swap3A_284 = vector.shape_cast %convert_element_type3A : vector<16xf32> to vector<1x16xf32>
      tpu.vector_store %arg9[%swap3A_280, %swap3A_281], %swap3A_284 {add = true, strides = array<i32>} : memref<64x768xf32, #tpu.memory_space<vmem>>, vector<1x16xf32>,
      %swap3A_285 = arith.index_cast %scan3A_182 : i32 to index
      %swap3A_286 = arith.constant 320 : index
      %swap3A_287 = tpu.vector_load %arg9[%swap3A_285, %swap3A_286] {strides = array<i32>} : memref<64x768xf32, #tpu.memory_space<vmem>>, vector<1x16xf32>,
      %swap3A_288 = vector.shape_cast %swap3A_287 : vector<1x16xf32> to vector<16xf32>
      %swap3A_289 = vector.shape_cast %convert_element_type3A : vector<16xf32> to vector<1x16xf32>
      tpu.vector_store %arg9[%swap3A_285, %swap3A_286], %swap3A_289 {add = true, strides = array<i32>} : memref<64x768xf32, #tpu.memory_space<vmem>>, vector<1x16xf32>,
      %swap3A_290 = arith.index_cast %scan3A_182 : i32 to index
      %swap3A_291 = arith.constant 336 : index
      %swap3A_292 = tpu.vector_load %arg9[%swap3A_290, %swap3A_291] {strides = array<i32>} : memref<64x768xf32, #tpu.memory_space<vmem>>, vector<1x16xf32>,
      %swap3A_293 = vector.shape_cast %swap3A_292 : vector<1x16xf32> to vector<16xf32>
      %swap3A_294 = vector.shape_cast %convert_element_type3A : vector<16xf32> to vector<1x16xf32>
      tpu.vector_store %arg9[%swap3A_290, %swap3A_291], %swap3A_294 {add = true, strides = array<i32>} : memref<64x768xf32, #tpu.memory_space<vmem>>, vector<1x16xf32>,
      %swap3A_295 = arith.index_cast %scan3A_182 : i32 to index
      %swap3A_296 = arith.constant 352 : index
      %swap3A_297 = tpu.vector_load %arg9[%swap3A_295, %swap3A_296] {strides = array<i32>} : memref<64x768xf32, #tpu.memory_space<vmem>>, vector<1x16xf32>,
      %swap3A_298 = vector.shape_cast %swap3A_297 : vector<1x16xf32> to vector<16xf32>
      %swap3A_299 = vector.shape_cast %convert_element_type3A : vector<16xf32> to vector<1x16xf32>
      tpu.vector_store %arg9[%swap3A_295, %swap3A_296], %swap3A_299 {add = true, strides = array<i32>} : memref<64x768xf32, #tpu.memory_space<vmem>>, vector<1x16xf32>,
      %swap3A_300 = arith.index_cast %scan3A_182 : i32 to index
      %swap3A_301 = arith.constant 368 : index
      %swap3A_302 = tpu.vector_load %arg9[%swap3A_300, %swap3A_301] {strides = array<i32>} : memref<64x768xf32, #tpu.memory_space<vmem>>, vector<1x16xf32>,
      %swap3A_303 = vector.shape_cast %swap3A_302 : vector<1x16xf32> to vector<16xf32>
      %swap3A_304 = vector.shape_cast %convert_element_type3A : vector<16xf32> to vector<1x16xf32>
      tpu.vector_store %arg9[%swap3A_300, %swap3A_301], %swap3A_304 {add = true, strides = array<i32>} : memref<64x768xf32, #tpu.memory_space<vmem>>, vector<1x16xf32>,
      %swap3A_305 = arith.index_cast %scan3A_182 : i32 to index
      %swap3A_306 = arith.constant 384 : index
      %swap3A_307 = tpu.vector_load %arg9[%swap3A_305, %swap3A_306] {strides = array<i32>} : memref<64x768xf32, #tpu.memory_space<vmem>>, vector<1x16xf32>,
      %swap3A_308 = vector.shape_cast %swap3A_307 : vector<1x16xf32> to vector<16xf32>
      %swap3A_309 = vector.shape_cast %convert_element_type3A : vector<16xf32> to vector<1x16xf32>
      tpu.vector_store %arg9[%swap3A_305, %swap3A_306], %swap3A_309 {add = true, strides = array<i32>} : memref<64x768xf32, #tpu.memory_space<vmem>>, vector<1x16xf32>,
      %swap3A_310 = arith.index_cast %scan3A_182 : i32 to index
      %swap3A_311 = arith.constant 400 : index
      %swap3A_312 = tpu.vector_load %arg9[%swap3A_310, %swap3A_311] {strides = array<i32>} : memref<64x768xf32, #tpu.memory_space<vmem>>, vector<1x16xf32>,
      %swap3A_313 = vector.shape_cast %swap3A_312 : vector<1x16xf32> to vector<16xf32>
      %swap3A_314 = vector.shape_cast %convert_element_type3A : vector<16xf32> to vector<1x16xf32>
      tpu.vector_store %arg9[%swap3A_310, %swap3A_311], %swap3A_314 {add = true, strides = array<i32>} : memref<64x768xf32, #tpu.memory_space<vmem>>, vector<1x16xf32>,
      %swap3A_315 = arith.index_cast %scan3A_182 : i32 to index
      %swap3A_316 = arith.constant 416 : index
      %swap3A_317 = tpu.vector_load %arg9[%swap3A_315, %swap3A_316] {strides = array<i32>} : memref<64x768xf32, #tpu.memory_space<vmem>>, vector<1x16xf32>,
      %swap3A_318 = vector.shape_cast %swap3A_317 : vector<1x16xf32> to vector<16xf32>
      %swap3A_319 = vector.shape_cast %convert_element_type3A : vector<16xf32> to vector<1x16xf32>
      tpu.vector_store %arg9[%swap3A_315, %swap3A_316], %swap3A_319 {add = true, strides = array<i32>} : memref<64x768xf32, #tpu.memory_space<vmem>>, vector<1x16xf32>,
      %swap3A_320 = arith.index_cast %scan3A_182 : i32 to index
      %swap3A_321 = arith.constant 432 : index
      %swap3A_322 = tpu.vector_load %arg9[%swap3A_320, %swap3A_321] {strides = array<i32>} : memref<64x768xf32, #tpu.memory_space<vmem>>, vector<1x16xf32>,
      %swap3A_323 = vector.shape_cast %swap3A_322 : vector<1x16xf32> to vector<16xf32>
      %swap3A_324 = vector.shape_cast %convert_element_type3A : vector<16xf32> to vector<1x16xf32>
      tpu.vector_store %arg9[%swap3A_320, %swap3A_321], %swap3A_324 {add = true, strides = array<i32>} : memref<64x768xf32, #tpu.memory_space<vmem>>, vector<1x16xf32>,
      %swap3A_325 = arith.index_cast %scan3A_182 : i32 to index
      %swap3A_326 = arith.constant 448 : index
      %swap3A_327 = tpu.vector_load %arg9[%swap3A_325, %swap3A_326] {strides = array<i32>} : memref<64x768xf32, #tpu.memory_space<vmem>>, vector<1x16xf32>,
      %swap3A_328 = vector.shape_cast %swap3A_327 : vector<1x16xf32> to vector<16xf32>
      %swap3A_329 = vector.shape_cast %convert_element_type3A : vector<16xf32> to vector<1x16xf32>
      tpu.vector_store %arg9[%swap3A_325, %swap3A_326], %swap3A_329 {add = true, strides = array<i32>} : memref<64x768xf32, #tpu.memory_space<vmem>>, vector<1x16xf32>,
      %swap3A_330 = arith.index_cast %scan3A_182 : i32 to index
      %swap3A_331 = arith.constant 464 : index
      %swap3A_332 = tpu.vector_load %arg9[%swap3A_330, %swap3A_331] {strides = array<i32>} : memref<64x768xf32, #tpu.memory_space<vmem>>, vector<1x16xf32>,
      %swap3A_333 = vector.shape_cast %swap3A_332 : vector<1x16xf32> to vector<16xf32>
      %swap3A_334 = vector.shape_cast %convert_element_type3A : vector<16xf32> to vector<1x16xf32>
      tpu.vector_store %arg9[%swap3A_330, %swap3A_331], %swap3A_334 {add = true, strides = array<i32>} : memref<64x768xf32, #tpu.memory_space<vmem>>, vector<1x16xf32>,
      %swap3A_335 = arith.index_cast %scan3A_182 : i32 to index
      %swap3A_336 = arith.constant 480 : index
      %swap3A_337 = tpu.vector_load %arg9[%swap3A_335, %swap3A_336] {strides = array<i32>} : memref<64x768xf32, #tpu.memory_space<vmem>>, vector<1x16xf32>,
      %swap3A_338 = vector.shape_cast %swap3A_337 : vector<1x16xf32> to vector<16xf32>
      %swap3A_339 = vector.shape_cast %convert_element_type3A : vector<16xf32> to vector<1x16xf32>
      tpu.vector_store %arg9[%swap3A_335, %swap3A_336], %swap3A_339 {add = true, strides = array<i32>} : memref<64x768xf32, #tpu.memory_space<vmem>>, vector<1x16xf32>,
      %swap3A_340 = arith.index_cast %scan3A_182 : i32 to index
      %swap3A_341 = arith.constant 496 : index
      %swap3A_342 = tpu.vector_load %arg9[%swap3A_340, %swap3A_341] {strides = array<i32>} : memref<64x768xf32, #tpu.memory_space<vmem>>, vector<1x16xf32>,
      %swap3A_343 = vector.shape_cast %swap3A_342 : vector<1x16xf32> to vector<16xf32>
      %swap3A_344 = vector.shape_cast %convert_element_type3A : vector<16xf32> to vector<1x16xf32>
      tpu.vector_store %arg9[%swap3A_340, %swap3A_341], %swap3A_344 {add = true, strides = array<i32>} : memref<64x768xf32, #tpu.memory_space<vmem>>, vector<1x16xf32>,
      %swap3A_345 = arith.index_cast %scan3A_182 : i32 to index
      %swap3A_346 = arith.constant 512 : index
      %swap3A_347 = tpu.vector_load %arg9[%swap3A_345, %swap3A_346] {strides = array<i32>} : memref<64x768xf32, #tpu.memory_space<vmem>>, vector<1x16xf32>,
      %swap3A_348 = vector.shape_cast %swap3A_347 : vector<1x16xf32> to vector<16xf32>
      %swap3A_349 = vector.shape_cast %convert_element_type3A : vector<16xf32> to vector<1x16xf32>
      tpu.vector_store %arg9[%swap3A_345, %swap3A_346], %swap3A_349 {add = true, strides = array<i32>} : memref<64x768xf32, #tpu.memory_space<vmem>>, vector<1x16xf32>,
      %swap3A_350 = arith.index_cast %scan3A_182 : i32 to index
      %swap3A_351 = arith.constant 528 : index
      %swap3A_352 = tpu.vector_load %arg9[%swap3A_350, %swap3A_351] {strides = array<i32>} : memref<64x768xf32, #tpu.memory_space<vmem>>, vector<1x16xf32>,
      %swap3A_353 = vector.shape_cast %swap3A_352 : vector<1x16xf32> to vector<16xf32>
      %swap3A_354 = vector.shape_cast %convert_element_type3A : vector<16xf32> to vector<1x16xf32>
      tpu.vector_store %arg9[%swap3A_350, %swap3A_351], %swap3A_354 {add = true, strides = array<i32>} : memref<64x768xf32, #tpu.memory_space<vmem>>, vector<1x16xf32>,
      %swap3A_355 = arith.index_cast %scan3A_182 : i32 to index
      %swap3A_356 = arith.constant 544 : index
      %swap3A_357 = tpu.vector_load %arg9[%swap3A_355, %swap3A_356] {strides = array<i32>} : memref<64x768xf32, #tpu.memory_space<vmem>>, vector<1x16xf32>,
      %swap3A_358 = vector.shape_cast %swap3A_357 : vector<1x16xf32> to vector<16xf32>
      %swap3A_359 = vector.shape_cast %convert_element_type3A : vector<16xf32> to vector<1x16xf32>
      tpu.vector_store %arg9[%swap3A_355, %swap3A_356], %swap3A_359 {add = true, strides = array<i32>} : memref<64x768xf32, #tpu.memory_space<vmem>>, vector<1x16xf32>,
      %swap3A_360 = arith.index_cast %scan3A_182 : i32 to index
      %swap3A_361 = arith.constant 560 : index
      %swap3A_362 = tpu.vector_load %arg9[%swap3A_360, %swap3A_361] {strides = array<i32>} : memref<64x768xf32, #tpu.memory_space<vmem>>, vector<1x16xf32>,
      %swap3A_363 = vector.shape_cast %swap3A_362 : vector<1x16xf32> to vector<16xf32>
      %swap3A_364 = vector.shape_cast %convert_element_type3A : vector<16xf32> to vector<1x16xf32>
      tpu.vector_store %arg9[%swap3A_360, %swap3A_361], %swap3A_364 {add = true, strides = array<i32>} : memref<64x768xf32, #tpu.memory_space<vmem>>, vector<1x16xf32>,
      %swap3A_365 = arith.index_cast %scan3A_182 : i32 to index
      %swap3A_366 = arith.constant 576 : index
      %swap3A_367 = tpu.vector_load %arg9[%swap3A_365, %swap3A_366] {strides = array<i32>} : memref<64x768xf32, #tpu.memory_space<vmem>>, vector<1x16xf32>,
      %swap3A_368 = vector.shape_cast %swap3A_367 : vector<1x16xf32> to vector<16xf32>
      %swap3A_369 = vector.shape_cast %convert_element_type3A : vector<16xf32> to vector<1x16xf32>
      tpu.vector_store %arg9[%swap3A_365, %swap3A_366], %swap3A_369 {add = true, strides = array<i32>} : memref<64x768xf32, #tpu.memory_space<vmem>>, vector<1x16xf32>,
      %swap3A_370 = arith.index_cast %scan3A_182 : i32 to index
      %swap3A_371 = arith.constant 592 : index
      %swap3A_372 = tpu.vector_load %arg9[%swap3A_370, %swap3A_371] {strides = array<i32>} : memref<64x768xf32, #tpu.memory_space<vmem>>, vector<1x16xf32>,
      %swap3A_373 = vector.shape_cast %swap3A_372 : vector<1x16xf32> to vector<16xf32>
      %swap3A_374 = vector.shape_cast %convert_element_type3A : vector<16xf32> to vector<1x16xf32>
      tpu.vector_store %arg9[%swap3A_370, %swap3A_371], %swap3A_374 {add = true, strides = array<i32>} : memref<64x768xf32, #tpu.memory_space<vmem>>, vector<1x16xf32>,
      %swap3A_375 = arith.index_cast %scan3A_182 : i32 to index
      %swap3A_376 = arith.constant 608 : index
      %swap3A_377 = tpu.vector_load %arg9[%swap3A_375, %swap3A_376] {strides = array<i32>} : memref<64x768xf32, #tpu.memory_space<vmem>>, vector<1x16xf32>,
      %swap3A_378 = vector.shape_cast %swap3A_377 : vector<1x16xf32> to vector<16xf32>
      %swap3A_379 = vector.shape_cast %convert_element_type3A : vector<16xf32> to vector<1x16xf32>
      tpu.vector_store %arg9[%swap3A_375, %swap3A_376], %swap3A_379 {add = true, strides = array<i32>} : memref<64x768xf32, #tpu.memory_space<vmem>>, vector<1x16xf32>,
      %swap3A_380 = arith.index_cast %scan3A_182 : i32 to index
      %swap3A_381 = arith.constant 624 : index
      %swap3A_382 = tpu.vector_load %arg9[%swap3A_380, %swap3A_381] {strides = array<i32>} : memref<64x768xf32, #tpu.memory_space<vmem>>, vector<1x16xf32>,
      %swap3A_383 = vector.shape_cast %swap3A_382 : vector<1x16xf32> to vector<16xf32>
      %swap3A_384 = vector.shape_cast %convert_element_type3A : vector<16xf32> to vector<1x16xf32>
      tpu.vector_store %arg9[%swap3A_380, %swap3A_381], %swap3A_384 {add = true, strides = array<i32>} : memref<64x768xf32, #tpu.memory_space<vmem>>, vector<1x16xf32>,
      %swap3A_385 = arith.index_cast %scan3A_182 : i32 to index
      %swap3A_386 = arith.constant 640 : index
      %swap3A_387 = tpu.vector_load %arg9[%swap3A_385, %swap3A_386] {strides = array<i32>} : memref<64x768xf32, #tpu.memory_space<vmem>>, vector<1x16xf32>,
      %swap3A_388 = vector.shape_cast %swap3A_387 : vector<1x16xf32> to vector<16xf32>
      %swap3A_389 = vector.shape_cast %convert_element_type3A : vector<16xf32> to vector<1x16xf32>
      tpu.vector_store %arg9[%swap3A_385, %swap3A_386], %swap3A_389 {add = true, strides = array<i32>} : memref<64x768xf32, #tpu.memory_space<vmem>>, vector<1x16xf32>,
      %swap3A_390 = arith.index_cast %scan3A_182 : i32 to index
      %swap3A_391 = arith.constant 656 : index
      %swap3A_392 = tpu.vector_load %arg9[%swap3A_390, %swap3A_391] {strides = array<i32>} : memref<64x768xf32, #tpu.memory_space<vmem>>, vector<1x16xf32>,
      %swap3A_393 = vector.shape_cast %swap3A_392 : vector<1x16xf32> to vector<16xf32>
      %swap3A_394 = vector.shape_cast %convert_element_type3A : vector<16xf32> to vector<1x16xf32>
      tpu.vector_store %arg9[%swap3A_390, %swap3A_391], %swap3A_394 {add = true, strides = array<i32>} : memref<64x768xf32, #tpu.memory_space<vmem>>, vector<1x16xf32>,
      %swap3A_395 = arith.index_cast %scan3A_182 : i32 to index
      %swap3A_396 = arith.constant 672 : index
      %swap3A_397 = tpu.vector_load %arg9[%swap3A_395, %swap3A_396] {strides = array<i32>} : memref<64x768xf32, #tpu.memory_space<vmem>>, vector<1x16xf32>,
      %swap3A_398 = vector.shape_cast %swap3A_397 : vector<1x16xf32> to vector<16xf32>
      %swap3A_399 = vector.shape_cast %convert_element_type3A : vector<16xf32> to vector<1x16xf32>
      tpu.vector_store %arg9[%swap3A_395, %swap3A_396], %swap3A_399 {add = true, strides = array<i32>} : memref<64x768xf32, #tpu.memory_space<vmem>>, vector<1x16xf32>,
      %swap3A_400 = arith.index_cast %scan3A_182 : i32 to index
      %swap3A_401 = arith.constant 688 : index
      %swap3A_402 = tpu.vector_load %arg9[%swap3A_400, %swap3A_401] {strides = array<i32>} : memref<64x768xf32, #tpu.memory_space<vmem>>, vector<1x16xf32>,
      %swap3A_403 = vector.shape_cast %swap3A_402 : vector<1x16xf32> to vector<16xf32>
      %swap3A_404 = vector.shape_cast %convert_element_type3A : vector<16xf32> to vector<1x16xf32>
      tpu.vector_store %arg9[%swap3A_400, %swap3A_401], %swap3A_404 {add = true, strides = array<i32>} : memref<64x768xf32, #tpu.memory_space<vmem>>, vector<1x16xf32>,
      %swap3A_405 = arith.index_cast %scan3A_182 : i32 to index
      %swap3A_406 = arith.constant 704 : index
      %swap3A_407 = tpu.vector_load %arg9[%swap3A_405, %swap3A_406] {strides = array<i32>} : memref<64x768xf32, #tpu.memory_space<vmem>>, vector<1x16xf32>,
      %swap3A_408 = vector.shape_cast %swap3A_407 : vector<1x16xf32> to vector<16xf32>
      %swap3A_409 = vector.shape_cast %convert_element_type3A : vector<16xf32> to vector<1x16xf32>
      tpu.vector_store %arg9[%swap3A_405, %swap3A_406], %swap3A_409 {add = true, strides = array<i32>} : memref<64x768xf32, #tpu.memory_space<vmem>>, vector<1x16xf32>,
      %swap3A_410 = arith.index_cast %scan3A_182 : i32 to index
      %swap3A_411 = arith.constant 720 : index
      %swap3A_412 = tpu.vector_load %arg9[%swap3A_410, %swap3A_411] {strides = array<i32>} : memref<64x768xf32, #tpu.memory_space<vmem>>, vector<1x16xf32>,
      %swap3A_413 = vector.shape_cast %swap3A_412 : vector<1x16xf32> to vector<16xf32>
      %swap3A_414 = vector.shape_cast %convert_element_type3A : vector<16xf32> to vector<1x16xf32>
      tpu.vector_store %arg9[%swap3A_410, %swap3A_411], %swap3A_414 {add = true, strides = array<i32>} : memref<64x768xf32, #tpu.memory_space<vmem>>, vector<1x16xf32>,
      %swap3A_415 = arith.index_cast %scan3A_182 : i32 to index
      %swap3A_416 = arith.constant 736 : index
      %swap3A_417 = tpu.vector_load %arg9[%swap3A_415, %swap3A_416] {strides = array<i32>} : memref<64x768xf32, #tpu.memory_space<vmem>>, vector<1x16xf32>,
      %swap3A_418 = vector.shape_cast %swap3A_417 : vector<1x16xf32> to vector<16xf32>
      %swap3A_419 = vector.shape_cast %convert_element_type3A : vector<16xf32> to vector<1x16xf32>
      tpu.vector_store %arg9[%swap3A_415, %swap3A_416], %swap3A_419 {add = true, strides = array<i32>} : memref<64x768xf32, #tpu.memory_space<vmem>>, vector<1x16xf32>,
      %swap3A_420 = arith.index_cast %scan3A_182 : i32 to index
      %swap3A_421 = arith.constant 752 : index
      %swap3A_422 = tpu.vector_load %arg9[%swap3A_420, %swap3A_421] {strides = array<i32>} : memref<64x768xf32, #tpu.memory_space<vmem>>, vector<1x16xf32>,
      %swap3A_423 = vector.shape_cast %swap3A_422 : vector<1x16xf32> to vector<16xf32>
      %swap3A_424 = vector.shape_cast %convert_element_type3A : vector<16xf32> to vector<1x16xf32>
      tpu.vector_store %arg9[%swap3A_420, %swap3A_421], %swap3A_424 {add = true, strides = array<i32>} : memref<64x768xf32, #tpu.memory_space<vmem>>, vector<1x16xf32>,
    }
    %scan3A_126 = arith.constant 64 : i32
    %add3A_127 = arith.constant 2048 : i32
    %add3A_128 = arith.addi %add3A_127, %mul3A_2 : i32
    %dma_start3A_129 = arith.constant 0 : i32
    %dma_start3A_130 = tpu.memref_slice %arg5[%add3A_128, %dma_start3A_129] : memref<8192x768xf32, #tpu.memory_space<hbm>> -> memref<64x768xf32, #tpu.memory_space<hbm>>
    %dma_start3A_131 = arith.constant 0 : i32
    %dma_start3A_132 = tpu.memref_slice %arg5[%add3A_128, %dma_start3A_131] : memref<8192x768xf32, #tpu.memory_space<hbm>> -> memref<64x768xf32, #tpu.memory_space<hbm>>
    tpu.enqueue_dma source(%arg9 : memref<64x768xf32, #tpu.memory_space<vmem>>) target(%dma_start3A_132 : memref<64x768xf32, #tpu.memory_space<hbm>>) target_semaphore(%arg15 : memref<!tpu.dma_semaphore, #tpu.memory_space<semaphore_mem>>)
    %dma_wait3A_133 = arith.constant 0 : i32
    %dma_wait3A_134 = tpu.memref_slice %arg5[%add3A_128, %dma_wait3A_133] : memref<8192x768xf32, #tpu.memory_space<hbm>> -> memref<64x768xf32, #tpu.memory_space<hbm>>
    %dma_wait3A_135 = arith.constant 0 : i32
    %dma_wait3A_136 = tpu.memref_slice %arg5[%add3A_128, %dma_wait3A_135] : memref<8192x768xf32, #tpu.memory_space<hbm>> -> memref<64x768xf32, #tpu.memory_space<hbm>>
    tpu.wait_dma2 semaphore(%arg15 : memref<!tpu.dma_semaphore, #tpu.memory_space<semaphore_mem>>) src(%arg9 : memref<64x768xf32, #tpu.memory_space<vmem>>) dst(%dma_wait3A_136 : memref<64x768xf32, #tpu.memory_space<hbm>>)
    %dma_start3A_137 = arith.constant 192 : i32
    %dma_start3A_138 = tpu.memref_slice %arg6[%dma_start3A_137] : memref<256xi32, #tpu.memory_space<vmem>> -> memref<64xi32, #tpu.memory_space<vmem>>
    %dma_start3A_139 = arith.constant 0 : i32
    %dma_start3A_140 = arith.constant 0 : i32
    %dma_start3A_141 = tpu.memref_slice %arg3[%dma_start3A_139, %dma_start3A_140] : memref<100000x768xf32, #tpu.memory_space<hbm>> -> memref<100000x768xf32, #tpu.memory_space<hbm>>
    tpu.enqueue_indirect_dma source(%dma_start3A_141 : memref<100000x768xf32, #tpu.memory_space<hbm>>) target(%arg9 : memref<64x768xf32, #tpu.memory_space<vmem>>) offsets(%dma_start3A_138 : memref<64xi32, #tpu.memory_space<vmem>>) semaphore(%arg13 : memref<!tpu.dma_semaphore, #tpu.memory_space<semaphore_mem>>)
    %dma_wait3A_142 = arith.constant 128 : i32
    %dma_wait3A_143 = tpu.memref_slice %arg6[%dma_wait3A_142] : memref<256xi32, #tpu.memory_space<vmem>> -> memref<64xi32, #tpu.memory_space<vmem>>
    %dma_wait3A_144 = arith.constant 0 : i32
    %dma_wait3A_145 = arith.constant 0 : i32
    %dma_wait3A_146 = tpu.memref_slice %arg3[%dma_wait3A_144, %dma_wait3A_145] : memref<100000x768xf32, #tpu.memory_space<hbm>> -> memref<100000x768xf32, #tpu.memory_space<hbm>>
    tpu.wait_indirect_dma semaphore(%arg12 : memref<!tpu.dma_semaphore, #tpu.memory_space<semaphore_mem>>) src(%dma_wait3A_146 : memref<100000x768xf32, #tpu.memory_space<hbm>>) dst(%arg8 : memref<64x768xf32, #tpu.memory_space<vmem>>)
    %scan3A_147 = arith.constant 0 : i32
    %scan3A_148 = arith.constant 64 : i32
    %scan3A_149 = arith.addi %scan3A_147, %scan3A_148 : i32
    %scan3A_150 = arith.constant 1 : i32
    scf.for %scan3A_182 = %scan3A_147 to %scan3A_149 step %scan3A_150  : i32 {
      %get3A = arith.index_cast %scan3A_182 : i32 to index
      %get3A_183 = arith.constant 0 : index
      %get3A_184 = tpu.vector_load %arg7[%get3A, %get3A_183] {strides = array<i32>} : memref<64x16xf32, #tpu.memory_space<vmem>>, vector<1x16xf32>,
      %get3A_185 = vector.shape_cast %get3A_184 : vector<1x16xf32> to vector<16xf32>
      %swap3A = arith.index_cast %scan3A_182 : i32 to index
      %swap3A_186 = arith.constant 0 : index
      %swap3A_187 = tpu.vector_load %arg8[%swap3A, %swap3A_186] {strides = array<i32>} : memref<64x768xf32, #tpu.memory_space<vmem>>, vector<1x16xf32>,
      %swap3A_188 = vector.shape_cast %swap3A_187 : vector<1x16xf32> to vector<16xf32>
      %swap3A_189 = vector.shape_cast %get3A_185 : vector<16xf32> to vector<1x16xf32>
      tpu.vector_store %arg8[%swap3A, %swap3A_186], %swap3A_189 {add = true, strides = array<i32>} : memref<64x768xf32, #tpu.memory_space<vmem>>, vector<1x16xf32>,
      %swap3A_190 = arith.index_cast %scan3A_182 : i32 to index
      %swap3A_191 = arith.constant 16 : index
      %swap3A_192 = tpu.vector_load %arg8[%swap3A_190, %swap3A_191] {strides = array<i32>} : memref<64x768xf32, #tpu.memory_space<vmem>>, vector<1x16xf32>,
      %swap3A_193 = vector.shape_cast %swap3A_192 : vector<1x16xf32> to vector<16xf32>
      %swap3A_194 = vector.shape_cast %convert_element_type3A : vector<16xf32> to vector<1x16xf32>
      tpu.vector_store %arg8[%swap3A_190, %swap3A_191], %swap3A_194 {add = true, strides = array<i32>} : memref<64x768xf32, #tpu.memory_space<vmem>>, vector<1x16xf32>,
      %swap3A_195 = arith.index_cast %scan3A_182 : i32 to index
      %swap3A_196 = arith.constant 32 : index
      %swap3A_197 = tpu.vector_load %arg8[%swap3A_195, %swap3A_196] {strides = array<i32>} : memref<64x768xf32, #tpu.memory_space<vmem>>, vector<1x16xf32>,
      %swap3A_198 = vector.shape_cast %swap3A_197 : vector<1x16xf32> to vector<16xf32>
      %swap3A_199 = vector.shape_cast %convert_element_type3A : vector<16xf32> to vector<1x16xf32>
      tpu.vector_store %arg8[%swap3A_195, %swap3A_196], %swap3A_199 {add = true, strides = array<i32>} : memref<64x768xf32, #tpu.memory_space<vmem>>, vector<1x16xf32>,
      %swap3A_200 = arith.index_cast %scan3A_182 : i32 to index
      %swap3A_201 = arith.constant 48 : index
      %swap3A_202 = tpu.vector_load %arg8[%swap3A_200, %swap3A_201] {strides = array<i32>} : memref<64x768xf32, #tpu.memory_space<vmem>>, vector<1x16xf32>,
      %swap3A_203 = vector.shape_cast %swap3A_202 : vector<1x16xf32> to vector<16xf32>
      %swap3A_204 = vector.shape_cast %convert_element_type3A : vector<16xf32> to vector<1x16xf32>
      tpu.vector_store %arg8[%swap3A_200, %swap3A_201], %swap3A_204 {add = true, strides = array<i32>} : memref<64x768xf32, #tpu.memory_space<vmem>>, vector<1x16xf32>,
      %swap3A_205 = arith.index_cast %scan3A_182 : i32 to index
      %swap3A_206 = arith.constant 64 : index
      %swap3A_207 = tpu.vector_load %arg8[%swap3A_205, %swap3A_206] {strides = array<i32>} : memref<64x768xf32, #tpu.memory_space<vmem>>, vector<1x16xf32>,
      %swap3A_208 = vector.shape_cast %swap3A_207 : vector<1x16xf32> to vector<16xf32>
      %swap3A_209 = vector.shape_cast %convert_element_type3A : vector<16xf32> to vector<1x16xf32>
      tpu.vector_store %arg8[%swap3A_205, %swap3A_206], %swap3A_209 {add = true, strides = array<i32>} : memref<64x768xf32, #tpu.memory_space<vmem>>, vector<1x16xf32>,
      %swap3A_210 = arith.index_cast %scan3A_182 : i32 to index
      %swap3A_211 = arith.constant 80 : index
      %swap3A_212 = tpu.vector_load %arg8[%swap3A_210, %swap3A_211] {strides = array<i32>} : memref<64x768xf32, #tpu.memory_space<vmem>>, vector<1x16xf32>,
      %swap3A_213 = vector.shape_cast %swap3A_212 : vector<1x16xf32> to vector<16xf32>
      %swap3A_214 = vector.shape_cast %convert_element_type3A : vector<16xf32> to vector<1x16xf32>
      tpu.vector_store %arg8[%swap3A_210, %swap3A_211], %swap3A_214 {add = true, strides = array<i32>} : memref<64x768xf32, #tpu.memory_space<vmem>>, vector<1x16xf32>,
      %swap3A_215 = arith.index_cast %scan3A_182 : i32 to index
      %swap3A_216 = arith.constant 96 : index
      %swap3A_217 = tpu.vector_load %arg8[%swap3A_215, %swap3A_216] {strides = array<i32>} : memref<64x768xf32, #tpu.memory_space<vmem>>, vector<1x16xf32>,
      %swap3A_218 = vector.shape_cast %swap3A_217 : vector<1x16xf32> to vector<16xf32>
      %swap3A_219 = vector.shape_cast %convert_element_type3A : vector<16xf32> to vector<1x16xf32>
      tpu.vector_store %arg8[%swap3A_215, %swap3A_216], %swap3A_219 {add = true, strides = array<i32>} : memref<64x768xf32, #tpu.memory_space<vmem>>, vector<1x16xf32>,
      %swap3A_220 = arith.index_cast %scan3A_182 : i32 to index
      %swap3A_221 = arith.constant 112 : index
      %swap3A_222 = tpu.vector_load %arg8[%swap3A_220, %swap3A_221] {strides = array<i32>} : memref<64x768xf32, #tpu.memory_space<vmem>>, vector<1x16xf32>,
      %swap3A_223 = vector.shape_cast %swap3A_222 : vector<1x16xf32> to vector<16xf32>
      %swap3A_224 = vector.shape_cast %convert_element_type3A : vector<16xf32> to vector<1x16xf32>
      tpu.vector_store %arg8[%swap3A_220, %swap3A_221], %swap3A_224 {add = true, strides = array<i32>} : memref<64x768xf32, #tpu.memory_space<vmem>>, vector<1x16xf32>,
      %swap3A_225 = arith.index_cast %scan3A_182 : i32 to index
      %swap3A_226 = arith.constant 128 : index
      %swap3A_227 = tpu.vector_load %arg8[%swap3A_225, %swap3A_226] {strides = array<i32>} : memref<64x768xf32, #tpu.memory_space<vmem>>, vector<1x16xf32>,
      %swap3A_228 = vector.shape_cast %swap3A_227 : vector<1x16xf32> to vector<16xf32>
      %swap3A_229 = vector.shape_cast %convert_element_type3A : vector<16xf32> to vector<1x16xf32>
      tpu.vector_store %arg8[%swap3A_225, %swap3A_226], %swap3A_229 {add = true, strides = array<i32>} : memref<64x768xf32, #tpu.memory_space<vmem>>, vector<1x16xf32>,
      %swap3A_230 = arith.index_cast %scan3A_182 : i32 to index
      %swap3A_231 = arith.constant 144 : index
      %swap3A_232 = tpu.vector_load %arg8[%swap3A_230, %swap3A_231] {strides = array<i32>} : memref<64x768xf32, #tpu.memory_space<vmem>>, vector<1x16xf32>,
      %swap3A_233 = vector.shape_cast %swap3A_232 : vector<1x16xf32> to vector<16xf32>
      %swap3A_234 = vector.shape_cast %convert_element_type3A : vector<16xf32> to vector<1x16xf32>
      tpu.vector_store %arg8[%swap3A_230, %swap3A_231], %swap3A_234 {add = true, strides = array<i32>} : memref<64x768xf32, #tpu.memory_space<vmem>>, vector<1x16xf32>,
      %swap3A_235 = arith.index_cast %scan3A_182 : i32 to index
      %swap3A_236 = arith.constant 160 : index
      %swap3A_237 = tpu.vector_load %arg8[%swap3A_235, %swap3A_236] {strides = array<i32>} : memref<64x768xf32, #tpu.memory_space<vmem>>, vector<1x16xf32>,
      %swap3A_238 = vector.shape_cast %swap3A_237 : vector<1x16xf32> to vector<16xf32>
      %swap3A_239 = vector.shape_cast %convert_element_type3A : vector<16xf32> to vector<1x16xf32>
      tpu.vector_store %arg8[%swap3A_235, %swap3A_236], %swap3A_239 {add = true, strides = array<i32>} : memref<64x768xf32, #tpu.memory_space<vmem>>, vector<1x16xf32>,
      %swap3A_240 = arith.index_cast %scan3A_182 : i32 to index
      %swap3A_241 = arith.constant 176 : index
      %swap3A_242 = tpu.vector_load %arg8[%swap3A_240, %swap3A_241] {strides = array<i32>} : memref<64x768xf32, #tpu.memory_space<vmem>>, vector<1x16xf32>,
      %swap3A_243 = vector.shape_cast %swap3A_242 : vector<1x16xf32> to vector<16xf32>
      %swap3A_244 = vector.shape_cast %convert_element_type3A : vector<16xf32> to vector<1x16xf32>
      tpu.vector_store %arg8[%swap3A_240, %swap3A_241], %swap3A_244 {add = true, strides = array<i32>} : memref<64x768xf32, #tpu.memory_space<vmem>>, vector<1x16xf32>,
      %swap3A_245 = arith.index_cast %scan3A_182 : i32 to index
      %swap3A_246 = arith.constant 192 : index
      %swap3A_247 = tpu.vector_load %arg8[%swap3A_245, %swap3A_246] {strides = array<i32>} : memref<64x768xf32, #tpu.memory_space<vmem>>, vector<1x16xf32>,
      %swap3A_248 = vector.shape_cast %swap3A_247 : vector<1x16xf32> to vector<16xf32>
      %swap3A_249 = vector.shape_cast %convert_element_type3A : vector<16xf32> to vector<1x16xf32>
      tpu.vector_store %arg8[%swap3A_245, %swap3A_246], %swap3A_249 {add = true, strides = array<i32>} : memref<64x768xf32, #tpu.memory_space<vmem>>, vector<1x16xf32>,
      %swap3A_250 = arith.index_cast %scan3A_182 : i32 to index
      %swap3A_251 = arith.constant 208 : index
      %swap3A_252 = tpu.vector_load %arg8[%swap3A_250, %swap3A_251] {strides = array<i32>} : memref<64x768xf32, #tpu.memory_space<vmem>>, vector<1x16xf32>,
      %swap3A_253 = vector.shape_cast %swap3A_252 : vector<1x16xf32> to vector<16xf32>
      %swap3A_254 = vector.shape_cast %convert_element_type3A : vector<16xf32> to vector<1x16xf32>
      tpu.vector_store %arg8[%swap3A_250, %swap3A_251], %swap3A_254 {add = true, strides = array<i32>} : memref<64x768xf32, #tpu.memory_space<vmem>>, vector<1x16xf32>,
      %swap3A_255 = arith.index_cast %scan3A_182 : i32 to index
      %swap3A_256 = arith.constant 224 : index
      %swap3A_257 = tpu.vector_load %arg8[%swap3A_255, %swap3A_256] {strides = array<i32>} : memref<64x768xf32, #tpu.memory_space<vmem>>, vector<1x16xf32>,
      %swap3A_258 = vector.shape_cast %swap3A_257 : vector<1x16xf32> to vector<16xf32>
      %swap3A_259 = vector.shape_cast %convert_element_type3A : vector<16xf32> to vector<1x16xf32>
      tpu.vector_store %arg8[%swap3A_255, %swap3A_256], %swap3A_259 {add = true, strides = array<i32>} : memref<64x768xf32, #tpu.memory_space<vmem>>, vector<1x16xf32>,
      %swap3A_260 = arith.index_cast %scan3A_182 : i32 to index
      %swap3A_261 = arith.constant 240 : index
      %swap3A_262 = tpu.vector_load %arg8[%swap3A_260, %swap3A_261] {strides = array<i32>} : memref<64x768xf32, #tpu.memory_space<vmem>>, vector<1x16xf32>,
      %swap3A_263 = vector.shape_cast %swap3A_262 : vector<1x16xf32> to vector<16xf32>
      %swap3A_264 = vector.shape_cast %convert_element_type3A : vector<16xf32> to vector<1x16xf32>
      tpu.vector_store %arg8[%swap3A_260, %swap3A_261], %swap3A_264 {add = true, strides = array<i32>} : memref<64x768xf32, #tpu.memory_space<vmem>>, vector<1x16xf32>,
      %swap3A_265 = arith.index_cast %scan3A_182 : i32 to index
      %swap3A_266 = arith.constant 256 : index
      %swap3A_267 = tpu.vector_load %arg8[%swap3A_265, %swap3A_266] {strides = array<i32>} : memref<64x768xf32, #tpu.memory_space<vmem>>, vector<1x16xf32>,
      %swap3A_268 = vector.shape_cast %swap3A_267 : vector<1x16xf32> to vector<16xf32>
      %swap3A_269 = vector.shape_cast %convert_element_type3A : vector<16xf32> to vector<1x16xf32>
      tpu.vector_store %arg8[%swap3A_265, %swap3A_266], %swap3A_269 {add = true, strides = array<i32>} : memref<64x768xf32, #tpu.memory_space<vmem>>, vector<1x16xf32>,
      %swap3A_270 = arith.index_cast %scan3A_182 : i32 to index
      %swap3A_271 = arith.constant 272 : index
      %swap3A_272 = tpu.vector_load %arg8[%swap3A_270, %swap3A_271] {strides = array<i32>} : memref<64x768xf32, #tpu.memory_space<vmem>>, vector<1x16xf32>,
      %swap3A_273 = vector.shape_cast %swap3A_272 : vector<1x16xf32> to vector<16xf32>
      %swap3A_274 = vector.shape_cast %convert_element_type3A : vector<16xf32> to vector<1x16xf32>
      tpu.vector_store %arg8[%swap3A_270, %swap3A_271], %swap3A_274 {add = true, strides = array<i32>} : memref<64x768xf32, #tpu.memory_space<vmem>>, vector<1x16xf32>,
      %swap3A_275 = arith.index_cast %scan3A_182 : i32 to index
      %swap3A_276 = arith.constant 288 : index
      %swap3A_277 = tpu.vector_load %arg8[%swap3A_275, %swap3A_276] {strides = array<i32>} : memref<64x768xf32, #tpu.memory_space<vmem>>, vector<1x16xf32>,
      %swap3A_278 = vector.shape_cast %swap3A_277 : vector<1x16xf32> to vector<16xf32>
      %swap3A_279 = vector.shape_cast %convert_element_type3A : vector<16xf32> to vector<1x16xf32>
      tpu.vector_store %arg8[%swap3A_275, %swap3A_276], %swap3A_279 {add = true, strides = array<i32>} : memref<64x768xf32, #tpu.memory_space<vmem>>, vector<1x16xf32>,
      %swap3A_280 = arith.index_cast %scan3A_182 : i32 to index
      %swap3A_281 = arith.constant 304 : index
      %swap3A_282 = tpu.vector_load %arg8[%swap3A_280, %swap3A_281] {strides = array<i32>} : memref<64x768xf32, #tpu.memory_space<vmem>>, vector<1x16xf32>,
      %swap3A_283 = vector.shape_cast %swap3A_282 : vector<1x16xf32> to vector<16xf32>
      %swap3A_284 = vector.shape_cast %convert_element_type3A : vector<16xf32> to vector<1x16xf32>
      tpu.vector_store %arg8[%swap3A_280, %swap3A_281], %swap3A_284 {add = true, strides = array<i32>} : memref<64x768xf32, #tpu.memory_space<vmem>>, vector<1x16xf32>,
      %swap3A_285 = arith.index_cast %scan3A_182 : i32 to index
      %swap3A_286 = arith.constant 320 : index
      %swap3A_287 = tpu.vector_load %arg8[%swap3A_285, %swap3A_286] {strides = array<i32>} : memref<64x768xf32, #tpu.memory_space<vmem>>, vector<1x16xf32>,
      %swap3A_288 = vector.shape_cast %swap3A_287 : vector<1x16xf32> to vector<16xf32>
      %swap3A_289 = vector.shape_cast %convert_element_type3A : vector<16xf32> to vector<1x16xf32>
      tpu.vector_store %arg8[%swap3A_285, %swap3A_286], %swap3A_289 {add = true, strides = array<i32>} : memref<64x768xf32, #tpu.memory_space<vmem>>, vector<1x16xf32>,
      %swap3A_290 = arith.index_cast %scan3A_182 : i32 to index
      %swap3A_291 = arith.constant 336 : index
      %swap3A_292 = tpu.vector_load %arg8[%swap3A_290, %swap3A_291] {strides = array<i32>} : memref<64x768xf32, #tpu.memory_space<vmem>>, vector<1x16xf32>,
      %swap3A_293 = vector.shape_cast %swap3A_292 : vector<1x16xf32> to vector<16xf32>
      %swap3A_294 = vector.shape_cast %convert_element_type3A : vector<16xf32> to vector<1x16xf32>
      tpu.vector_store %arg8[%swap3A_290, %swap3A_291], %swap3A_294 {add = true, strides = array<i32>} : memref<64x768xf32, #tpu.memory_space<vmem>>, vector<1x16xf32>,
      %swap3A_295 = arith.index_cast %scan3A_182 : i32 to index
      %swap3A_296 = arith.constant 352 : index
      %swap3A_297 = tpu.vector_load %arg8[%swap3A_295, %swap3A_296] {strides = array<i32>} : memref<64x768xf32, #tpu.memory_space<vmem>>, vector<1x16xf32>,
      %swap3A_298 = vector.shape_cast %swap3A_297 : vector<1x16xf32> to vector<16xf32>
      %swap3A_299 = vector.shape_cast %convert_element_type3A : vector<16xf32> to vector<1x16xf32>
      tpu.vector_store %arg8[%swap3A_295, %swap3A_296], %swap3A_299 {add = true, strides = array<i32>} : memref<64x768xf32, #tpu.memory_space<vmem>>, vector<1x16xf32>,
      %swap3A_300 = arith.index_cast %scan3A_182 : i32 to index
      %swap3A_301 = arith.constant 368 : index
      %swap3A_302 = tpu.vector_load %arg8[%swap3A_300, %swap3A_301] {strides = array<i32>} : memref<64x768xf32, #tpu.memory_space<vmem>>, vector<1x16xf32>,
      %swap3A_303 = vector.shape_cast %swap3A_302 : vector<1x16xf32> to vector<16xf32>
      %swap3A_304 = vector.shape_cast %convert_element_type3A : vector<16xf32> to vector<1x16xf32>
      tpu.vector_store %arg8[%swap3A_300, %swap3A_301], %swap3A_304 {add = true, strides = array<i32>} : memref<64x768xf32, #tpu.memory_space<vmem>>, vector<1x16xf32>,
      %swap3A_305 = arith.index_cast %scan3A_182 : i32 to index
      %swap3A_306 = arith.constant 384 : index
      %swap3A_307 = tpu.vector_load %arg8[%swap3A_305, %swap3A_306] {strides = array<i32>} : memref<64x768xf32, #tpu.memory_space<vmem>>, vector<1x16xf32>,
      %swap3A_308 = vector.shape_cast %swap3A_307 : vector<1x16xf32> to vector<16xf32>
      %swap3A_309 = vector.shape_cast %convert_element_type3A : vector<16xf32> to vector<1x16xf32>
      tpu.vector_store %arg8[%swap3A_305, %swap3A_306], %swap3A_309 {add = true, strides = array<i32>} : memref<64x768xf32, #tpu.memory_space<vmem>>, vector<1x16xf32>,
      %swap3A_310 = arith.index_cast %scan3A_182 : i32 to index
      %swap3A_311 = arith.constant 400 : index
      %swap3A_312 = tpu.vector_load %arg8[%swap3A_310, %swap3A_311] {strides = array<i32>} : memref<64x768xf32, #tpu.memory_space<vmem>>, vector<1x16xf32>,
      %swap3A_313 = vector.shape_cast %swap3A_312 : vector<1x16xf32> to vector<16xf32>
      %swap3A_314 = vector.shape_cast %convert_element_type3A : vector<16xf32> to vector<1x16xf32>
      tpu.vector_store %arg8[%swap3A_310, %swap3A_311], %swap3A_314 {add = true, strides = array<i32>} : memref<64x768xf32, #tpu.memory_space<vmem>>, vector<1x16xf32>,
      %swap3A_315 = arith.index_cast %scan3A_182 : i32 to index
      %swap3A_316 = arith.constant 416 : index
      %swap3A_317 = tpu.vector_load %arg8[%swap3A_315, %swap3A_316] {strides = array<i32>} : memref<64x768xf32, #tpu.memory_space<vmem>>, vector<1x16xf32>,
      %swap3A_318 = vector.shape_cast %swap3A_317 : vector<1x16xf32> to vector<16xf32>
      %swap3A_319 = vector.shape_cast %convert_element_type3A : vector<16xf32> to vector<1x16xf32>
      tpu.vector_store %arg8[%swap3A_315, %swap3A_316], %swap3A_319 {add = true, strides = array<i32>} : memref<64x768xf32, #tpu.memory_space<vmem>>, vector<1x16xf32>,
      %swap3A_320 = arith.index_cast %scan3A_182 : i32 to index
      %swap3A_321 = arith.constant 432 : index
      %swap3A_322 = tpu.vector_load %arg8[%swap3A_320, %swap3A_321] {strides = array<i32>} : memref<64x768xf32, #tpu.memory_space<vmem>>, vector<1x16xf32>,
      %swap3A_323 = vector.shape_cast %swap3A_322 : vector<1x16xf32> to vector<16xf32>
      %swap3A_324 = vector.shape_cast %convert_element_type3A : vector<16xf32> to vector<1x16xf32>
      tpu.vector_store %arg8[%swap3A_320, %swap3A_321], %swap3A_324 {add = true, strides = array<i32>} : memref<64x768xf32, #tpu.memory_space<vmem>>, vector<1x16xf32>,
      %swap3A_325 = arith.index_cast %scan3A_182 : i32 to index
      %swap3A_326 = arith.constant 448 : index
      %swap3A_327 = tpu.vector_load %arg8[%swap3A_325, %swap3A_326] {strides = array<i32>} : memref<64x768xf32, #tpu.memory_space<vmem>>, vector<1x16xf32>,
      %swap3A_328 = vector.shape_cast %swap3A_327 : vector<1x16xf32> to vector<16xf32>
      %swap3A_329 = vector.shape_cast %convert_element_type3A : vector<16xf32> to vector<1x16xf32>
      tpu.vector_store %arg8[%swap3A_325, %swap3A_326], %swap3A_329 {add = true, strides = array<i32>} : memref<64x768xf32, #tpu.memory_space<vmem>>, vector<1x16xf32>,
      %swap3A_330 = arith.index_cast %scan3A_182 : i32 to index
      %swap3A_331 = arith.constant 464 : index
      %swap3A_332 = tpu.vector_load %arg8[%swap3A_330, %swap3A_331] {strides = array<i32>} : memref<64x768xf32, #tpu.memory_space<vmem>>, vector<1x16xf32>,
      %swap3A_333 = vector.shape_cast %swap3A_332 : vector<1x16xf32> to vector<16xf32>
      %swap3A_334 = vector.shape_cast %convert_element_type3A : vector<16xf32> to vector<1x16xf32>
      tpu.vector_store %arg8[%swap3A_330, %swap3A_331], %swap3A_334 {add = true, strides = array<i32>} : memref<64x768xf32, #tpu.memory_space<vmem>>, vector<1x16xf32>,
      %swap3A_335 = arith.index_cast %scan3A_182 : i32 to index
      %swap3A_336 = arith.constant 480 : index
      %swap3A_337 = tpu.vector_load %arg8[%swap3A_335, %swap3A_336] {strides = array<i32>} : memref<64x768xf32, #tpu.memory_space<vmem>>, vector<1x16xf32>,
      %swap3A_338 = vector.shape_cast %swap3A_337 : vector<1x16xf32> to vector<16xf32>
      %swap3A_339 = vector.shape_cast %convert_element_type3A : vector<16xf32> to vector<1x16xf32>
      tpu.vector_store %arg8[%swap3A_335, %swap3A_336], %swap3A_339 {add = true, strides = array<i32>} : memref<64x768xf32, #tpu.memory_space<vmem>>, vector<1x16xf32>,
      %swap3A_340 = arith.index_cast %scan3A_182 : i32 to index
      %swap3A_341 = arith.constant 496 : index
      %swap3A_342 = tpu.vector_load %arg8[%swap3A_340, %swap3A_341] {strides = array<i32>} : memref<64x768xf32, #tpu.memory_space<vmem>>, vector<1x16xf32>,
      %swap3A_343 = vector.shape_cast %swap3A_342 : vector<1x16xf32> to vector<16xf32>
      %swap3A_344 = vector.shape_cast %convert_element_type3A : vector<16xf32> to vector<1x16xf32>
      tpu.vector_store %arg8[%swap3A_340, %swap3A_341], %swap3A_344 {add = true, strides = array<i32>} : memref<64x768xf32, #tpu.memory_space<vmem>>, vector<1x16xf32>,
      %swap3A_345 = arith.index_cast %scan3A_182 : i32 to index
      %swap3A_346 = arith.constant 512 : index
      %swap3A_347 = tpu.vector_load %arg8[%swap3A_345, %swap3A_346] {strides = array<i32>} : memref<64x768xf32, #tpu.memory_space<vmem>>, vector<1x16xf32>,
      %swap3A_348 = vector.shape_cast %swap3A_347 : vector<1x16xf32> to vector<16xf32>
      %swap3A_349 = vector.shape_cast %convert_element_type3A : vector<16xf32> to vector<1x16xf32>
      tpu.vector_store %arg8[%swap3A_345, %swap3A_346], %swap3A_349 {add = true, strides = array<i32>} : memref<64x768xf32, #tpu.memory_space<vmem>>, vector<1x16xf32>,
      %swap3A_350 = arith.index_cast %scan3A_182 : i32 to index
      %swap3A_351 = arith.constant 528 : index
      %swap3A_352 = tpu.vector_load %arg8[%swap3A_350, %swap3A_351] {strides = array<i32>} : memref<64x768xf32, #tpu.memory_space<vmem>>, vector<1x16xf32>,
      %swap3A_353 = vector.shape_cast %swap3A_352 : vector<1x16xf32> to vector<16xf32>
      %swap3A_354 = vector.shape_cast %convert_element_type3A : vector<16xf32> to vector<1x16xf32>
      tpu.vector_store %arg8[%swap3A_350, %swap3A_351], %swap3A_354 {add = true, strides = array<i32>} : memref<64x768xf32, #tpu.memory_space<vmem>>, vector<1x16xf32>,
      %swap3A_355 = arith.index_cast %scan3A_182 : i32 to index
      %swap3A_356 = arith.constant 544 : index
      %swap3A_357 = tpu.vector_load %arg8[%swap3A_355, %swap3A_356] {strides = array<i32>} : memref<64x768xf32, #tpu.memory_space<vmem>>, vector<1x16xf32>,
      %swap3A_358 = vector.shape_cast %swap3A_357 : vector<1x16xf32> to vector<16xf32>
      %swap3A_359 = vector.shape_cast %convert_element_type3A : vector<16xf32> to vector<1x16xf32>
      tpu.vector_store %arg8[%swap3A_355, %swap3A_356], %swap3A_359 {add = true, strides = array<i32>} : memref<64x768xf32, #tpu.memory_space<vmem>>, vector<1x16xf32>,
      %swap3A_360 = arith.index_cast %scan3A_182 : i32 to index
      %swap3A_361 = arith.constant 560 : index
      %swap3A_362 = tpu.vector_load %arg8[%swap3A_360, %swap3A_361] {strides = array<i32>} : memref<64x768xf32, #tpu.memory_space<vmem>>, vector<1x16xf32>,
      %swap3A_363 = vector.shape_cast %swap3A_362 : vector<1x16xf32> to vector<16xf32>
      %swap3A_364 = vector.shape_cast %convert_element_type3A : vector<16xf32> to vector<1x16xf32>
      tpu.vector_store %arg8[%swap3A_360, %swap3A_361], %swap3A_364 {add = true, strides = array<i32>} : memref<64x768xf32, #tpu.memory_space<vmem>>, vector<1x16xf32>,
      %swap3A_365 = arith.index_cast %scan3A_182 : i32 to index
      %swap3A_366 = arith.constant 576 : index
      %swap3A_367 = tpu.vector_load %arg8[%swap3A_365, %swap3A_366] {strides = array<i32>} : memref<64x768xf32, #tpu.memory_space<vmem>>, vector<1x16xf32>,
      %swap3A_368 = vector.shape_cast %swap3A_367 : vector<1x16xf32> to vector<16xf32>
      %swap3A_369 = vector.shape_cast %convert_element_type3A : vector<16xf32> to vector<1x16xf32>
      tpu.vector_store %arg8[%swap3A_365, %swap3A_366], %swap3A_369 {add = true, strides = array<i32>} : memref<64x768xf32, #tpu.memory_space<vmem>>, vector<1x16xf32>,
      %swap3A_370 = arith.index_cast %scan3A_182 : i32 to index
      %swap3A_371 = arith.constant 592 : index
      %swap3A_372 = tpu.vector_load %arg8[%swap3A_370, %swap3A_371] {strides = array<i32>} : memref<64x768xf32, #tpu.memory_space<vmem>>, vector<1x16xf32>,
      %swap3A_373 = vector.shape_cast %swap3A_372 : vector<1x16xf32> to vector<16xf32>
      %swap3A_374 = vector.shape_cast %convert_element_type3A : vector<16xf32> to vector<1x16xf32>
      tpu.vector_store %arg8[%swap3A_370, %swap3A_371], %swap3A_374 {add = true, strides = array<i32>} : memref<64x768xf32, #tpu.memory_space<vmem>>, vector<1x16xf32>,
      %swap3A_375 = arith.index_cast %scan3A_182 : i32 to index
      %swap3A_376 = arith.constant 608 : index
      %swap3A_377 = tpu.vector_load %arg8[%swap3A_375, %swap3A_376] {strides = array<i32>} : memref<64x768xf32, #tpu.memory_space<vmem>>, vector<1x16xf32>,
      %swap3A_378 = vector.shape_cast %swap3A_377 : vector<1x16xf32> to vector<16xf32>
      %swap3A_379 = vector.shape_cast %convert_element_type3A : vector<16xf32> to vector<1x16xf32>
      tpu.vector_store %arg8[%swap3A_375, %swap3A_376], %swap3A_379 {add = true, strides = array<i32>} : memref<64x768xf32, #tpu.memory_space<vmem>>, vector<1x16xf32>,
      %swap3A_380 = arith.index_cast %scan3A_182 : i32 to index
      %swap3A_381 = arith.constant 624 : index
      %swap3A_382 = tpu.vector_load %arg8[%swap3A_380, %swap3A_381] {strides = array<i32>} : memref<64x768xf32, #tpu.memory_space<vmem>>, vector<1x16xf32>,
      %swap3A_383 = vector.shape_cast %swap3A_382 : vector<1x16xf32> to vector<16xf32>
      %swap3A_384 = vector.shape_cast %convert_element_type3A : vector<16xf32> to vector<1x16xf32>
      tpu.vector_store %arg8[%swap3A_380, %swap3A_381], %swap3A_384 {add = true, strides = array<i32>} : memref<64x768xf32, #tpu.memory_space<vmem>>, vector<1x16xf32>,
      %swap3A_385 = arith.index_cast %scan3A_182 : i32 to index
      %swap3A_386 = arith.constant 640 : index
      %swap3A_387 = tpu.vector_load %arg8[%swap3A_385, %swap3A_386] {strides = array<i32>} : memref<64x768xf32, #tpu.memory_space<vmem>>, vector<1x16xf32>,
      %swap3A_388 = vector.shape_cast %swap3A_387 : vector<1x16xf32> to vector<16xf32>
      %swap3A_389 = vector.shape_cast %convert_element_type3A : vector<16xf32> to vector<1x16xf32>
      tpu.vector_store %arg8[%swap3A_385, %swap3A_386], %swap3A_389 {add = true, strides = array<i32>} : memref<64x768xf32, #tpu.memory_space<vmem>>, vector<1x16xf32>,
      %swap3A_390 = arith.index_cast %scan3A_182 : i32 to index
      %swap3A_391 = arith.constant 656 : index
      %swap3A_392 = tpu.vector_load %arg8[%swap3A_390, %swap3A_391] {strides = array<i32>} : memref<64x768xf32, #tpu.memory_space<vmem>>, vector<1x16xf32>,
      %swap3A_393 = vector.shape_cast %swap3A_392 : vector<1x16xf32> to vector<16xf32>
      %swap3A_394 = vector.shape_cast %convert_element_type3A : vector<16xf32> to vector<1x16xf32>
      tpu.vector_store %arg8[%swap3A_390, %swap3A_391], %swap3A_394 {add = true, strides = array<i32>} : memref<64x768xf32, #tpu.memory_space<vmem>>, vector<1x16xf32>,
      %swap3A_395 = arith.index_cast %scan3A_182 : i32 to index
      %swap3A_396 = arith.constant 672 : index
      %swap3A_397 = tpu.vector_load %arg8[%swap3A_395, %swap3A_396] {strides = array<i32>} : memref<64x768xf32, #tpu.memory_space<vmem>>, vector<1x16xf32>,
      %swap3A_398 = vector.shape_cast %swap3A_397 : vector<1x16xf32> to vector<16xf32>
      %swap3A_399 = vector.shape_cast %convert_element_type3A : vector<16xf32> to vector<1x16xf32>
      tpu.vector_store %arg8[%swap3A_395, %swap3A_396], %swap3A_399 {add = true, strides = array<i32>} : memref<64x768xf32, #tpu.memory_space<vmem>>, vector<1x16xf32>,
      %swap3A_400 = arith.index_cast %scan3A_182 : i32 to index
      %swap3A_401 = arith.constant 688 : index
      %swap3A_402 = tpu.vector_load %arg8[%swap3A_400, %swap3A_401] {strides = array<i32>} : memref<64x768xf32, #tpu.memory_space<vmem>>, vector<1x16xf32>,
      %swap3A_403 = vector.shape_cast %swap3A_402 : vector<1x16xf32> to vector<16xf32>
      %swap3A_404 = vector.shape_cast %convert_element_type3A : vector<16xf32> to vector<1x16xf32>
      tpu.vector_store %arg8[%swap3A_400, %swap3A_401], %swap3A_404 {add = true, strides = array<i32>} : memref<64x768xf32, #tpu.memory_space<vmem>>, vector<1x16xf32>,
      %swap3A_405 = arith.index_cast %scan3A_182 : i32 to index
      %swap3A_406 = arith.constant 704 : index
      %swap3A_407 = tpu.vector_load %arg8[%swap3A_405, %swap3A_406] {strides = array<i32>} : memref<64x768xf32, #tpu.memory_space<vmem>>, vector<1x16xf32>,
      %swap3A_408 = vector.shape_cast %swap3A_407 : vector<1x16xf32> to vector<16xf32>
      %swap3A_409 = vector.shape_cast %convert_element_type3A : vector<16xf32> to vector<1x16xf32>
      tpu.vector_store %arg8[%swap3A_405, %swap3A_406], %swap3A_409 {add = true, strides = array<i32>} : memref<64x768xf32, #tpu.memory_space<vmem>>, vector<1x16xf32>,
      %swap3A_410 = arith.index_cast %scan3A_182 : i32 to index
      %swap3A_411 = arith.constant 720 : index
      %swap3A_412 = tpu.vector_load %arg8[%swap3A_410, %swap3A_411] {strides = array<i32>} : memref<64x768xf32, #tpu.memory_space<vmem>>, vector<1x16xf32>,
      %swap3A_413 = vector.shape_cast %swap3A_412 : vector<1x16xf32> to vector<16xf32>
      %swap3A_414 = vector.shape_cast %convert_element_type3A : vector<16xf32> to vector<1x16xf32>
      tpu.vector_store %arg8[%swap3A_410, %swap3A_411], %swap3A_414 {add = true, strides = array<i32>} : memref<64x768xf32, #tpu.memory_space<vmem>>, vector<1x16xf32>,
      %swap3A_415 = arith.index_cast %scan3A_182 : i32 to index
      %swap3A_416 = arith.constant 736 : index
      %swap3A_417 = tpu.vector_load %arg8[%swap3A_415, %swap3A_416] {strides = array<i32>} : memref<64x768xf32, #tpu.memory_space<vmem>>, vector<1x16xf32>,
      %swap3A_418 = vector.shape_cast %swap3A_417 : vector<1x16xf32> to vector<16xf32>
      %swap3A_419 = vector.shape_cast %convert_element_type3A : vector<16xf32> to vector<1x16xf32>
      tpu.vector_store %arg8[%swap3A_415, %swap3A_416], %swap3A_419 {add = true, strides = array<i32>} : memref<64x768xf32, #tpu.memory_space<vmem>>, vector<1x16xf32>,
      %swap3A_420 = arith.index_cast %scan3A_182 : i32 to index
      %swap3A_421 = arith.constant 752 : index
      %swap3A_422 = tpu.vector_load %arg8[%swap3A_420, %swap3A_421] {strides = array<i32>} : memref<64x768xf32, #tpu.memory_space<vmem>>, vector<1x16xf32>,
      %swap3A_423 = vector.shape_cast %swap3A_422 : vector<1x16xf32> to vector<16xf32>
      %swap3A_424 = vector.shape_cast %convert_element_type3A : vector<16xf32> to vector<1x16xf32>
      tpu.vector_store %arg8[%swap3A_420, %swap3A_421], %swap3A_424 {add = true, strides = array<i32>} : memref<64x768xf32, #tpu.memory_space<vmem>>, vector<1x16xf32>,
    }
    %scan3A_151 = arith.constant 64 : i32
    %add3A_152 = arith.constant 4096 : i32
    %add3A_153 = arith.addi %add3A_152, %mul3A_2 : i32
    %dma_start3A_154 = arith.constant 0 : i32
    %dma_start3A_155 = tpu.memref_slice %arg5[%add3A_153, %dma_start3A_154] : memref<8192x768xf32, #tpu.memory_space<hbm>> -> memref<64x768xf32, #tpu.memory_space<hbm>>
    %dma_start3A_156 = arith.constant 0 : i32
    %dma_start3A_157 = tpu.memref_slice %arg5[%add3A_153, %dma_start3A_156] : memref<8192x768xf32, #tpu.memory_space<hbm>> -> memref<64x768xf32, #tpu.memory_space<hbm>>
    tpu.enqueue_dma source(%arg8 : memref<64x768xf32, #tpu.memory_space<vmem>>) target(%dma_start3A_157 : memref<64x768xf32, #tpu.memory_space<hbm>>) target_semaphore(%arg14 : memref<!tpu.dma_semaphore, #tpu.memory_space<semaphore_mem>>)
    %dma_wait3A_158 = arith.constant 192 : i32
    %dma_wait3A_159 = tpu.memref_slice %arg6[%dma_wait3A_158] : memref<256xi32, #tpu.memory_space<vmem>> -> memref<64xi32, #tpu.memory_space<vmem>>
    %dma_wait3A_160 = arith.constant 0 : i32
    %dma_wait3A_161 = arith.constant 0 : i32
    %dma_wait3A_162 = tpu.memref_slice %arg3[%dma_wait3A_160, %dma_wait3A_161] : memref<100000x768xf32, #tpu.memory_space<hbm>> -> memref<100000x768xf32, #tpu.memory_space<hbm>>
    tpu.wait_indirect_dma semaphore(%arg13 : memref<!tpu.dma_semaphore, #tpu.memory_space<semaphore_mem>>) src(%dma_wait3A_162 : memref<100000x768xf32, #tpu.memory_space<hbm>>) dst(%arg9 : memref<64x768xf32, #tpu.memory_space<vmem>>)
    %scan3A_163 = arith.constant 0 : i32
    %scan3A_164 = arith.constant 64 : i32
    %scan3A_165 = arith.addi %scan3A_163, %scan3A_164 : i32
    %scan3A_166 = arith.constant 1 : i32
    scf.for %scan3A_182 = %scan3A_163 to %scan3A_165 step %scan3A_166  : i32 {
      %get3A = arith.index_cast %scan3A_182 : i32 to index
      %get3A_183 = arith.constant 0 : index
      %get3A_184 = tpu.vector_load %arg7[%get3A, %get3A_183] {strides = array<i32>} : memref<64x16xf32, #tpu.memory_space<vmem>>, vector<1x16xf32>,
      %get3A_185 = vector.shape_cast %get3A_184 : vector<1x16xf32> to vector<16xf32>
      %swap3A = arith.index_cast %scan3A_182 : i32 to index
      %swap3A_186 = arith.constant 0 : index
      %swap3A_187 = tpu.vector_load %arg9[%swap3A, %swap3A_186] {strides = array<i32>} : memref<64x768xf32, #tpu.memory_space<vmem>>, vector<1x16xf32>,
      %swap3A_188 = vector.shape_cast %swap3A_187 : vector<1x16xf32> to vector<16xf32>
      %swap3A_189 = vector.shape_cast %get3A_185 : vector<16xf32> to vector<1x16xf32>
      tpu.vector_store %arg9[%swap3A, %swap3A_186], %swap3A_189 {add = true, strides = array<i32>} : memref<64x768xf32, #tpu.memory_space<vmem>>, vector<1x16xf32>,
      %swap3A_190 = arith.index_cast %scan3A_182 : i32 to index
      %swap3A_191 = arith.constant 16 : index
      %swap3A_192 = tpu.vector_load %arg9[%swap3A_190, %swap3A_191] {strides = array<i32>} : memref<64x768xf32, #tpu.memory_space<vmem>>, vector<1x16xf32>,
      %swap3A_193 = vector.shape_cast %swap3A_192 : vector<1x16xf32> to vector<16xf32>
      %swap3A_194 = vector.shape_cast %convert_element_type3A : vector<16xf32> to vector<1x16xf32>
      tpu.vector_store %arg9[%swap3A_190, %swap3A_191], %swap3A_194 {add = true, strides = array<i32>} : memref<64x768xf32, #tpu.memory_space<vmem>>, vector<1x16xf32>,
      %swap3A_195 = arith.index_cast %scan3A_182 : i32 to index
      %swap3A_196 = arith.constant 32 : index
      %swap3A_197 = tpu.vector_load %arg9[%swap3A_195, %swap3A_196] {strides = array<i32>} : memref<64x768xf32, #tpu.memory_space<vmem>>, vector<1x16xf32>,
      %swap3A_198 = vector.shape_cast %swap3A_197 : vector<1x16xf32> to vector<16xf32>
      %swap3A_199 = vector.shape_cast %convert_element_type3A : vector<16xf32> to vector<1x16xf32>
      tpu.vector_store %arg9[%swap3A_195, %swap3A_196], %swap3A_199 {add = true, strides = array<i32>} : memref<64x768xf32, #tpu.memory_space<vmem>>, vector<1x16xf32>,
      %swap3A_200 = arith.index_cast %scan3A_182 : i32 to index
      %swap3A_201 = arith.constant 48 : index
      %swap3A_202 = tpu.vector_load %arg9[%swap3A_200, %swap3A_201] {strides = array<i32>} : memref<64x768xf32, #tpu.memory_space<vmem>>, vector<1x16xf32>,
      %swap3A_203 = vector.shape_cast %swap3A_202 : vector<1x16xf32> to vector<16xf32>
      %swap3A_204 = vector.shape_cast %convert_element_type3A : vector<16xf32> to vector<1x16xf32>
      tpu.vector_store %arg9[%swap3A_200, %swap3A_201], %swap3A_204 {add = true, strides = array<i32>} : memref<64x768xf32, #tpu.memory_space<vmem>>, vector<1x16xf32>,
      %swap3A_205 = arith.index_cast %scan3A_182 : i32 to index
      %swap3A_206 = arith.constant 64 : index
      %swap3A_207 = tpu.vector_load %arg9[%swap3A_205, %swap3A_206] {strides = array<i32>} : memref<64x768xf32, #tpu.memory_space<vmem>>, vector<1x16xf32>,
      %swap3A_208 = vector.shape_cast %swap3A_207 : vector<1x16xf32> to vector<16xf32>
      %swap3A_209 = vector.shape_cast %convert_element_type3A : vector<16xf32> to vector<1x16xf32>
      tpu.vector_store %arg9[%swap3A_205, %swap3A_206], %swap3A_209 {add = true, strides = array<i32>} : memref<64x768xf32, #tpu.memory_space<vmem>>, vector<1x16xf32>,
      %swap3A_210 = arith.index_cast %scan3A_182 : i32 to index
      %swap3A_211 = arith.constant 80 : index
      %swap3A_212 = tpu.vector_load %arg9[%swap3A_210, %swap3A_211] {strides = array<i32>} : memref<64x768xf32, #tpu.memory_space<vmem>>, vector<1x16xf32>,
      %swap3A_213 = vector.shape_cast %swap3A_212 : vector<1x16xf32> to vector<16xf32>
      %swap3A_214 = vector.shape_cast %convert_element_type3A : vector<16xf32> to vector<1x16xf32>
      tpu.vector_store %arg9[%swap3A_210, %swap3A_211], %swap3A_214 {add = true, strides = array<i32>} : memref<64x768xf32, #tpu.memory_space<vmem>>, vector<1x16xf32>,
      %swap3A_215 = arith.index_cast %scan3A_182 : i32 to index
      %swap3A_216 = arith.constant 96 : index
      %swap3A_217 = tpu.vector_load %arg9[%swap3A_215, %swap3A_216] {strides = array<i32>} : memref<64x768xf32, #tpu.memory_space<vmem>>, vector<1x16xf32>,
      %swap3A_218 = vector.shape_cast %swap3A_217 : vector<1x16xf32> to vector<16xf32>
      %swap3A_219 = vector.shape_cast %convert_element_type3A : vector<16xf32> to vector<1x16xf32>
      tpu.vector_store %arg9[%swap3A_215, %swap3A_216], %swap3A_219 {add = true, strides = array<i32>} : memref<64x768xf32, #tpu.memory_space<vmem>>, vector<1x16xf32>,
      %swap3A_220 = arith.index_cast %scan3A_182 : i32 to index
      %swap3A_221 = arith.constant 112 : index
      %swap3A_222 = tpu.vector_load %arg9[%swap3A_220, %swap3A_221] {strides = array<i32>} : memref<64x768xf32, #tpu.memory_space<vmem>>, vector<1x16xf32>,
      %swap3A_223 = vector.shape_cast %swap3A_222 : vector<1x16xf32> to vector<16xf32>
      %swap3A_224 = vector.shape_cast %convert_element_type3A : vector<16xf32> to vector<1x16xf32>
      tpu.vector_store %arg9[%swap3A_220, %swap3A_221], %swap3A_224 {add = true, strides = array<i32>} : memref<64x768xf32, #tpu.memory_space<vmem>>, vector<1x16xf32>,
      %swap3A_225 = arith.index_cast %scan3A_182 : i32 to index
      %swap3A_226 = arith.constant 128 : index
      %swap3A_227 = tpu.vector_load %arg9[%swap3A_225, %swap3A_226] {strides = array<i32>} : memref<64x768xf32, #tpu.memory_space<vmem>>, vector<1x16xf32>,
      %swap3A_228 = vector.shape_cast %swap3A_227 : vector<1x16xf32> to vector<16xf32>
      %swap3A_229 = vector.shape_cast %convert_element_type3A : vector<16xf32> to vector<1x16xf32>
      tpu.vector_store %arg9[%swap3A_225, %swap3A_226], %swap3A_229 {add = true, strides = array<i32>} : memref<64x768xf32, #tpu.memory_space<vmem>>, vector<1x16xf32>,
      %swap3A_230 = arith.index_cast %scan3A_182 : i32 to index
      %swap3A_231 = arith.constant 144 : index
      %swap3A_232 = tpu.vector_load %arg9[%swap3A_230, %swap3A_231] {strides = array<i32>} : memref<64x768xf32, #tpu.memory_space<vmem>>, vector<1x16xf32>,
      %swap3A_233 = vector.shape_cast %swap3A_232 : vector<1x16xf32> to vector<16xf32>
      %swap3A_234 = vector.shape_cast %convert_element_type3A : vector<16xf32> to vector<1x16xf32>
      tpu.vector_store %arg9[%swap3A_230, %swap3A_231], %swap3A_234 {add = true, strides = array<i32>} : memref<64x768xf32, #tpu.memory_space<vmem>>, vector<1x16xf32>,
      %swap3A_235 = arith.index_cast %scan3A_182 : i32 to index
      %swap3A_236 = arith.constant 160 : index
      %swap3A_237 = tpu.vector_load %arg9[%swap3A_235, %swap3A_236] {strides = array<i32>} : memref<64x768xf32, #tpu.memory_space<vmem>>, vector<1x16xf32>,
      %swap3A_238 = vector.shape_cast %swap3A_237 : vector<1x16xf32> to vector<16xf32>
      %swap3A_239 = vector.shape_cast %convert_element_type3A : vector<16xf32> to vector<1x16xf32>
      tpu.vector_store %arg9[%swap3A_235, %swap3A_236], %swap3A_239 {add = true, strides = array<i32>} : memref<64x768xf32, #tpu.memory_space<vmem>>, vector<1x16xf32>,
      %swap3A_240 = arith.index_cast %scan3A_182 : i32 to index
      %swap3A_241 = arith.constant 176 : index
      %swap3A_242 = tpu.vector_load %arg9[%swap3A_240, %swap3A_241] {strides = array<i32>} : memref<64x768xf32, #tpu.memory_space<vmem>>, vector<1x16xf32>,
      %swap3A_243 = vector.shape_cast %swap3A_242 : vector<1x16xf32> to vector<16xf32>
      %swap3A_244 = vector.shape_cast %convert_element_type3A : vector<16xf32> to vector<1x16xf32>
      tpu.vector_store %arg9[%swap3A_240, %swap3A_241], %swap3A_244 {add = true, strides = array<i32>} : memref<64x768xf32, #tpu.memory_space<vmem>>, vector<1x16xf32>,
      %swap3A_245 = arith.index_cast %scan3A_182 : i32 to index
      %swap3A_246 = arith.constant 192 : index
      %swap3A_247 = tpu.vector_load %arg9[%swap3A_245, %swap3A_246] {strides = array<i32>} : memref<64x768xf32, #tpu.memory_space<vmem>>, vector<1x16xf32>,
      %swap3A_248 = vector.shape_cast %swap3A_247 : vector<1x16xf32> to vector<16xf32>
      %swap3A_249 = vector.shape_cast %convert_element_type3A : vector<16xf32> to vector<1x16xf32>
      tpu.vector_store %arg9[%swap3A_245, %swap3A_246], %swap3A_249 {add = true, strides = array<i32>} : memref<64x768xf32, #tpu.memory_space<vmem>>, vector<1x16xf32>,
      %swap3A_250 = arith.index_cast %scan3A_182 : i32 to index
      %swap3A_251 = arith.constant 208 : index
      %swap3A_252 = tpu.vector_load %arg9[%swap3A_250, %swap3A_251] {strides = array<i32>} : memref<64x768xf32, #tpu.memory_space<vmem>>, vector<1x16xf32>,
      %swap3A_253 = vector.shape_cast %swap3A_252 : vector<1x16xf32> to vector<16xf32>
      %swap3A_254 = vector.shape_cast %convert_element_type3A : vector<16xf32> to vector<1x16xf32>
      tpu.vector_store %arg9[%swap3A_250, %swap3A_251], %swap3A_254 {add = true, strides = array<i32>} : memref<64x768xf32, #tpu.memory_space<vmem>>, vector<1x16xf32>,
      %swap3A_255 = arith.index_cast %scan3A_182 : i32 to index
      %swap3A_256 = arith.constant 224 : index
      %swap3A_257 = tpu.vector_load %arg9[%swap3A_255, %swap3A_256] {strides = array<i32>} : memref<64x768xf32, #tpu.memory_space<vmem>>, vector<1x16xf32>,
      %swap3A_258 = vector.shape_cast %swap3A_257 : vector<1x16xf32> to vector<16xf32>
      %swap3A_259 = vector.shape_cast %convert_element_type3A : vector<16xf32> to vector<1x16xf32>
      tpu.vector_store %arg9[%swap3A_255, %swap3A_256], %swap3A_259 {add = true, strides = array<i32>} : memref<64x768xf32, #tpu.memory_space<vmem>>, vector<1x16xf32>,
      %swap3A_260 = arith.index_cast %scan3A_182 : i32 to index
      %swap3A_261 = arith.constant 240 : index
      %swap3A_262 = tpu.vector_load %arg9[%swap3A_260, %swap3A_261] {strides = array<i32>} : memref<64x768xf32, #tpu.memory_space<vmem>>, vector<1x16xf32>,
      %swap3A_263 = vector.shape_cast %swap3A_262 : vector<1x16xf32> to vector<16xf32>
      %swap3A_264 = vector.shape_cast %convert_element_type3A : vector<16xf32> to vector<1x16xf32>
      tpu.vector_store %arg9[%swap3A_260, %swap3A_261], %swap3A_264 {add = true, strides = array<i32>} : memref<64x768xf32, #tpu.memory_space<vmem>>, vector<1x16xf32>,
      %swap3A_265 = arith.index_cast %scan3A_182 : i32 to index
      %swap3A_266 = arith.constant 256 : index
      %swap3A_267 = tpu.vector_load %arg9[%swap3A_265, %swap3A_266] {strides = array<i32>} : memref<64x768xf32, #tpu.memory_space<vmem>>, vector<1x16xf32>,
      %swap3A_268 = vector.shape_cast %swap3A_267 : vector<1x16xf32> to vector<16xf32>
      %swap3A_269 = vector.shape_cast %convert_element_type3A : vector<16xf32> to vector<1x16xf32>
      tpu.vector_store %arg9[%swap3A_265, %swap3A_266], %swap3A_269 {add = true, strides = array<i32>} : memref<64x768xf32, #tpu.memory_space<vmem>>, vector<1x16xf32>,
      %swap3A_270 = arith.index_cast %scan3A_182 : i32 to index
      %swap3A_271 = arith.constant 272 : index
      %swap3A_272 = tpu.vector_load %arg9[%swap3A_270, %swap3A_271] {strides = array<i32>} : memref<64x768xf32, #tpu.memory_space<vmem>>, vector<1x16xf32>,
      %swap3A_273 = vector.shape_cast %swap3A_272 : vector<1x16xf32> to vector<16xf32>
      %swap3A_274 = vector.shape_cast %convert_element_type3A : vector<16xf32> to vector<1x16xf32>
      tpu.vector_store %arg9[%swap3A_270, %swap3A_271], %swap3A_274 {add = true, strides = array<i32>} : memref<64x768xf32, #tpu.memory_space<vmem>>, vector<1x16xf32>,
      %swap3A_275 = arith.index_cast %scan3A_182 : i32 to index
      %swap3A_276 = arith.constant 288 : index
      %swap3A_277 = tpu.vector_load %arg9[%swap3A_275, %swap3A_276] {strides = array<i32>} : memref<64x768xf32, #tpu.memory_space<vmem>>, vector<1x16xf32>,
      %swap3A_278 = vector.shape_cast %swap3A_277 : vector<1x16xf32> to vector<16xf32>
      %swap3A_279 = vector.shape_cast %convert_element_type3A : vector<16xf32> to vector<1x16xf32>
      tpu.vector_store %arg9[%swap3A_275, %swap3A_276], %swap3A_279 {add = true, strides = array<i32>} : memref<64x768xf32, #tpu.memory_space<vmem>>, vector<1x16xf32>,
      %swap3A_280 = arith.index_cast %scan3A_182 : i32 to index
      %swap3A_281 = arith.constant 304 : index
      %swap3A_282 = tpu.vector_load %arg9[%swap3A_280, %swap3A_281] {strides = array<i32>} : memref<64x768xf32, #tpu.memory_space<vmem>>, vector<1x16xf32>,
      %swap3A_283 = vector.shape_cast %swap3A_282 : vector<1x16xf32> to vector<16xf32>
      %swap3A_284 = vector.shape_cast %convert_element_type3A : vector<16xf32> to vector<1x16xf32>
      tpu.vector_store %arg9[%swap3A_280, %swap3A_281], %swap3A_284 {add = true, strides = array<i32>} : memref<64x768xf32, #tpu.memory_space<vmem>>, vector<1x16xf32>,
      %swap3A_285 = arith.index_cast %scan3A_182 : i32 to index
      %swap3A_286 = arith.constant 320 : index
      %swap3A_287 = tpu.vector_load %arg9[%swap3A_285, %swap3A_286] {strides = array<i32>} : memref<64x768xf32, #tpu.memory_space<vmem>>, vector<1x16xf32>,
      %swap3A_288 = vector.shape_cast %swap3A_287 : vector<1x16xf32> to vector<16xf32>
      %swap3A_289 = vector.shape_cast %convert_element_type3A : vector<16xf32> to vector<1x16xf32>
      tpu.vector_store %arg9[%swap3A_285, %swap3A_286], %swap3A_289 {add = true, strides = array<i32>} : memref<64x768xf32, #tpu.memory_space<vmem>>, vector<1x16xf32>,
      %swap3A_290 = arith.index_cast %scan3A_182 : i32 to index
      %swap3A_291 = arith.constant 336 : index
      %swap3A_292 = tpu.vector_load %arg9[%swap3A_290, %swap3A_291] {strides = array<i32>} : memref<64x768xf32, #tpu.memory_space<vmem>>, vector<1x16xf32>,
      %swap3A_293 = vector.shape_cast %swap3A_292 : vector<1x16xf32> to vector<16xf32>
      %swap3A_294 = vector.shape_cast %convert_element_type3A : vector<16xf32> to vector<1x16xf32>
      tpu.vector_store %arg9[%swap3A_290, %swap3A_291], %swap3A_294 {add = true, strides = array<i32>} : memref<64x768xf32, #tpu.memory_space<vmem>>, vector<1x16xf32>,
      %swap3A_295 = arith.index_cast %scan3A_182 : i32 to index
      %swap3A_296 = arith.constant 352 : index
      %swap3A_297 = tpu.vector_load %arg9[%swap3A_295, %swap3A_296] {strides = array<i32>} : memref<64x768xf32, #tpu.memory_space<vmem>>, vector<1x16xf32>,
      %swap3A_298 = vector.shape_cast %swap3A_297 : vector<1x16xf32> to vector<16xf32>
      %swap3A_299 = vector.shape_cast %convert_element_type3A : vector<16xf32> to vector<1x16xf32>
      tpu.vector_store %arg9[%swap3A_295, %swap3A_296], %swap3A_299 {add = true, strides = array<i32>} : memref<64x768xf32, #tpu.memory_space<vmem>>, vector<1x16xf32>,
      %swap3A_300 = arith.index_cast %scan3A_182 : i32 to index
      %swap3A_301 = arith.constant 368 : index
      %swap3A_302 = tpu.vector_load %arg9[%swap3A_300, %swap3A_301] {strides = array<i32>} : memref<64x768xf32, #tpu.memory_space<vmem>>, vector<1x16xf32>,
      %swap3A_303 = vector.shape_cast %swap3A_302 : vector<1x16xf32> to vector<16xf32>
      %swap3A_304 = vector.shape_cast %convert_element_type3A : vector<16xf32> to vector<1x16xf32>
      tpu.vector_store %arg9[%swap3A_300, %swap3A_301], %swap3A_304 {add = true, strides = array<i32>} : memref<64x768xf32, #tpu.memory_space<vmem>>, vector<1x16xf32>,
      %swap3A_305 = arith.index_cast %scan3A_182 : i32 to index
      %swap3A_306 = arith.constant 384 : index
      %swap3A_307 = tpu.vector_load %arg9[%swap3A_305, %swap3A_306] {strides = array<i32>} : memref<64x768xf32, #tpu.memory_space<vmem>>, vector<1x16xf32>,
      %swap3A_308 = vector.shape_cast %swap3A_307 : vector<1x16xf32> to vector<16xf32>
      %swap3A_309 = vector.shape_cast %convert_element_type3A : vector<16xf32> to vector<1x16xf32>
      tpu.vector_store %arg9[%swap3A_305, %swap3A_306], %swap3A_309 {add = true, strides = array<i32>} : memref<64x768xf32, #tpu.memory_space<vmem>>, vector<1x16xf32>,
      %swap3A_310 = arith.index_cast %scan3A_182 : i32 to index
      %swap3A_311 = arith.constant 400 : index
      %swap3A_312 = tpu.vector_load %arg9[%swap3A_310, %swap3A_311] {strides = array<i32>} : memref<64x768xf32, #tpu.memory_space<vmem>>, vector<1x16xf32>,
      %swap3A_313 = vector.shape_cast %swap3A_312 : vector<1x16xf32> to vector<16xf32>
      %swap3A_314 = vector.shape_cast %convert_element_type3A : vector<16xf32> to vector<1x16xf32>
      tpu.vector_store %arg9[%swap3A_310, %swap3A_311], %swap3A_314 {add = true, strides = array<i32>} : memref<64x768xf32, #tpu.memory_space<vmem>>, vector<1x16xf32>,
      %swap3A_315 = arith.index_cast %scan3A_182 : i32 to index
      %swap3A_316 = arith.constant 416 : index
      %swap3A_317 = tpu.vector_load %arg9[%swap3A_315, %swap3A_316] {strides = array<i32>} : memref<64x768xf32, #tpu.memory_space<vmem>>, vector<1x16xf32>,
      %swap3A_318 = vector.shape_cast %swap3A_317 : vector<1x16xf32> to vector<16xf32>
      %swap3A_319 = vector.shape_cast %convert_element_type3A : vector<16xf32> to vector<1x16xf32>
      tpu.vector_store %arg9[%swap3A_315, %swap3A_316], %swap3A_319 {add = true, strides = array<i32>} : memref<64x768xf32, #tpu.memory_space<vmem>>, vector<1x16xf32>,
      %swap3A_320 = arith.index_cast %scan3A_182 : i32 to index
      %swap3A_321 = arith.constant 432 : index
      %swap3A_322 = tpu.vector_load %arg9[%swap3A_320, %swap3A_321] {strides = array<i32>} : memref<64x768xf32, #tpu.memory_space<vmem>>, vector<1x16xf32>,
      %swap3A_323 = vector.shape_cast %swap3A_322 : vector<1x16xf32> to vector<16xf32>
      %swap3A_324 = vector.shape_cast %convert_element_type3A : vector<16xf32> to vector<1x16xf32>
      tpu.vector_store %arg9[%swap3A_320, %swap3A_321], %swap3A_324 {add = true, strides = array<i32>} : memref<64x768xf32, #tpu.memory_space<vmem>>, vector<1x16xf32>,
      %swap3A_325 = arith.index_cast %scan3A_182 : i32 to index
      %swap3A_326 = arith.constant 448 : index
      %swap3A_327 = tpu.vector_load %arg9[%swap3A_325, %swap3A_326] {strides = array<i32>} : memref<64x768xf32, #tpu.memory_space<vmem>>, vector<1x16xf32>,
      %swap3A_328 = vector.shape_cast %swap3A_327 : vector<1x16xf32> to vector<16xf32>
      %swap3A_329 = vector.shape_cast %convert_element_type3A : vector<16xf32> to vector<1x16xf32>
      tpu.vector_store %arg9[%swap3A_325, %swap3A_326], %swap3A_329 {add = true, strides = array<i32>} : memref<64x768xf32, #tpu.memory_space<vmem>>, vector<1x16xf32>,
      %swap3A_330 = arith.index_cast %scan3A_182 : i32 to index
      %swap3A_331 = arith.constant 464 : index
      %swap3A_332 = tpu.vector_load %arg9[%swap3A_330, %swap3A_331] {strides = array<i32>} : memref<64x768xf32, #tpu.memory_space<vmem>>, vector<1x16xf32>,
      %swap3A_333 = vector.shape_cast %swap3A_332 : vector<1x16xf32> to vector<16xf32>
      %swap3A_334 = vector.shape_cast %convert_element_type3A : vector<16xf32> to vector<1x16xf32>
      tpu.vector_store %arg9[%swap3A_330, %swap3A_331], %swap3A_334 {add = true, strides = array<i32>} : memref<64x768xf32, #tpu.memory_space<vmem>>, vector<1x16xf32>,
      %swap3A_335 = arith.index_cast %scan3A_182 : i32 to index
      %swap3A_336 = arith.constant 480 : index
      %swap3A_337 = tpu.vector_load %arg9[%swap3A_335, %swap3A_336] {strides = array<i32>} : memref<64x768xf32, #tpu.memory_space<vmem>>, vector<1x16xf32>,
      %swap3A_338 = vector.shape_cast %swap3A_337 : vector<1x16xf32> to vector<16xf32>
      %swap3A_339 = vector.shape_cast %convert_element_type3A : vector<16xf32> to vector<1x16xf32>
      tpu.vector_store %arg9[%swap3A_335, %swap3A_336], %swap3A_339 {add = true, strides = array<i32>} : memref<64x768xf32, #tpu.memory_space<vmem>>, vector<1x16xf32>,
      %swap3A_340 = arith.index_cast %scan3A_182 : i32 to index
      %swap3A_341 = arith.constant 496 : index
      %swap3A_342 = tpu.vector_load %arg9[%swap3A_340, %swap3A_341] {strides = array<i32>} : memref<64x768xf32, #tpu.memory_space<vmem>>, vector<1x16xf32>,
      %swap3A_343 = vector.shape_cast %swap3A_342 : vector<1x16xf32> to vector<16xf32>
      %swap3A_344 = vector.shape_cast %convert_element_type3A : vector<16xf32> to vector<1x16xf32>
      tpu.vector_store %arg9[%swap3A_340, %swap3A_341], %swap3A_344 {add = true, strides = array<i32>} : memref<64x768xf32, #tpu.memory_space<vmem>>, vector<1x16xf32>,
      %swap3A_345 = arith.index_cast %scan3A_182 : i32 to index
      %swap3A_346 = arith.constant 512 : index
      %swap3A_347 = tpu.vector_load %arg9[%swap3A_345, %swap3A_346] {strides = array<i32>} : memref<64x768xf32, #tpu.memory_space<vmem>>, vector<1x16xf32>,
      %swap3A_348 = vector.shape_cast %swap3A_347 : vector<1x16xf32> to vector<16xf32>
      %swap3A_349 = vector.shape_cast %convert_element_type3A : vector<16xf32> to vector<1x16xf32>
      tpu.vector_store %arg9[%swap3A_345, %swap3A_346], %swap3A_349 {add = true, strides = array<i32>} : memref<64x768xf32, #tpu.memory_space<vmem>>, vector<1x16xf32>,
      %swap3A_350 = arith.index_cast %scan3A_182 : i32 to index
      %swap3A_351 = arith.constant 528 : index
      %swap3A_352 = tpu.vector_load %arg9[%swap3A_350, %swap3A_351] {strides = array<i32>} : memref<64x768xf32, #tpu.memory_space<vmem>>, vector<1x16xf32>,
      %swap3A_353 = vector.shape_cast %swap3A_352 : vector<1x16xf32> to vector<16xf32>
      %swap3A_354 = vector.shape_cast %convert_element_type3A : vector<16xf32> to vector<1x16xf32>
      tpu.vector_store %arg9[%swap3A_350, %swap3A_351], %swap3A_354 {add = true, strides = array<i32>} : memref<64x768xf32, #tpu.memory_space<vmem>>, vector<1x16xf32>,
      %swap3A_355 = arith.index_cast %scan3A_182 : i32 to index
      %swap3A_356 = arith.constant 544 : index
      %swap3A_357 = tpu.vector_load %arg9[%swap3A_355, %swap3A_356] {strides = array<i32>} : memref<64x768xf32, #tpu.memory_space<vmem>>, vector<1x16xf32>,
      %swap3A_358 = vector.shape_cast %swap3A_357 : vector<1x16xf32> to vector<16xf32>
      %swap3A_359 = vector.shape_cast %convert_element_type3A : vector<16xf32> to vector<1x16xf32>
      tpu.vector_store %arg9[%swap3A_355, %swap3A_356], %swap3A_359 {add = true, strides = array<i32>} : memref<64x768xf32, #tpu.memory_space<vmem>>, vector<1x16xf32>,
      %swap3A_360 = arith.index_cast %scan3A_182 : i32 to index
      %swap3A_361 = arith.constant 560 : index
      %swap3A_362 = tpu.vector_load %arg9[%swap3A_360, %swap3A_361] {strides = array<i32>} : memref<64x768xf32, #tpu.memory_space<vmem>>, vector<1x16xf32>,
      %swap3A_363 = vector.shape_cast %swap3A_362 : vector<1x16xf32> to vector<16xf32>
      %swap3A_364 = vector.shape_cast %convert_element_type3A : vector<16xf32> to vector<1x16xf32>
      tpu.vector_store %arg9[%swap3A_360, %swap3A_361], %swap3A_364 {add = true, strides = array<i32>} : memref<64x768xf32, #tpu.memory_space<vmem>>, vector<1x16xf32>,
      %swap3A_365 = arith.index_cast %scan3A_182 : i32 to index
      %swap3A_366 = arith.constant 576 : index
      %swap3A_367 = tpu.vector_load %arg9[%swap3A_365, %swap3A_366] {strides = array<i32>} : memref<64x768xf32, #tpu.memory_space<vmem>>, vector<1x16xf32>,
      %swap3A_368 = vector.shape_cast %swap3A_367 : vector<1x16xf32> to vector<16xf32>
      %swap3A_369 = vector.shape_cast %convert_element_type3A : vector<16xf32> to vector<1x16xf32>
      tpu.vector_store %arg9[%swap3A_365, %swap3A_366], %swap3A_369 {add = true, strides = array<i32>} : memref<64x768xf32, #tpu.memory_space<vmem>>, vector<1x16xf32>,
      %swap3A_370 = arith.index_cast %scan3A_182 : i32 to index
      %swap3A_371 = arith.constant 592 : index
      %swap3A_372 = tpu.vector_load %arg9[%swap3A_370, %swap3A_371] {strides = array<i32>} : memref<64x768xf32, #tpu.memory_space<vmem>>, vector<1x16xf32>,
      %swap3A_373 = vector.shape_cast %swap3A_372 : vector<1x16xf32> to vector<16xf32>
      %swap3A_374 = vector.shape_cast %convert_element_type3A : vector<16xf32> to vector<1x16xf32>
      tpu.vector_store %arg9[%swap3A_370, %swap3A_371], %swap3A_374 {add = true, strides = array<i32>} : memref<64x768xf32, #tpu.memory_space<vmem>>, vector<1x16xf32>,
      %swap3A_375 = arith.index_cast %scan3A_182 : i32 to index
      %swap3A_376 = arith.constant 608 : index
      %swap3A_377 = tpu.vector_load %arg9[%swap3A_375, %swap3A_376] {strides = array<i32>} : memref<64x768xf32, #tpu.memory_space<vmem>>, vector<1x16xf32>,
      %swap3A_378 = vector.shape_cast %swap3A_377 : vector<1x16xf32> to vector<16xf32>
      %swap3A_379 = vector.shape_cast %convert_element_type3A : vector<16xf32> to vector<1x16xf32>
      tpu.vector_store %arg9[%swap3A_375, %swap3A_376], %swap3A_379 {add = true, strides = array<i32>} : memref<64x768xf32, #tpu.memory_space<vmem>>, vector<1x16xf32>,
      %swap3A_380 = arith.index_cast %scan3A_182 : i32 to index
      %swap3A_381 = arith.constant 624 : index
      %swap3A_382 = tpu.vector_load %arg9[%swap3A_380, %swap3A_381] {strides = array<i32>} : memref<64x768xf32, #tpu.memory_space<vmem>>, vector<1x16xf32>,
      %swap3A_383 = vector.shape_cast %swap3A_382 : vector<1x16xf32> to vector<16xf32>
      %swap3A_384 = vector.shape_cast %convert_element_type3A : vector<16xf32> to vector<1x16xf32>
      tpu.vector_store %arg9[%swap3A_380, %swap3A_381], %swap3A_384 {add = true, strides = array<i32>} : memref<64x768xf32, #tpu.memory_space<vmem>>, vector<1x16xf32>,
      %swap3A_385 = arith.index_cast %scan3A_182 : i32 to index
      %swap3A_386 = arith.constant 640 : index
      %swap3A_387 = tpu.vector_load %arg9[%swap3A_385, %swap3A_386] {strides = array<i32>} : memref<64x768xf32, #tpu.memory_space<vmem>>, vector<1x16xf32>,
      %swap3A_388 = vector.shape_cast %swap3A_387 : vector<1x16xf32> to vector<16xf32>
      %swap3A_389 = vector.shape_cast %convert_element_type3A : vector<16xf32> to vector<1x16xf32>
      tpu.vector_store %arg9[%swap3A_385, %swap3A_386], %swap3A_389 {add = true, strides = array<i32>} : memref<64x768xf32, #tpu.memory_space<vmem>>, vector<1x16xf32>,
      %swap3A_390 = arith.index_cast %scan3A_182 : i32 to index
      %swap3A_391 = arith.constant 656 : index
      %swap3A_392 = tpu.vector_load %arg9[%swap3A_390, %swap3A_391] {strides = array<i32>} : memref<64x768xf32, #tpu.memory_space<vmem>>, vector<1x16xf32>,
      %swap3A_393 = vector.shape_cast %swap3A_392 : vector<1x16xf32> to vector<16xf32>
      %swap3A_394 = vector.shape_cast %convert_element_type3A : vector<16xf32> to vector<1x16xf32>
      tpu.vector_store %arg9[%swap3A_390, %swap3A_391], %swap3A_394 {add = true, strides = array<i32>} : memref<64x768xf32, #tpu.memory_space<vmem>>, vector<1x16xf32>,
      %swap3A_395 = arith.index_cast %scan3A_182 : i32 to index
      %swap3A_396 = arith.constant 672 : index
      %swap3A_397 = tpu.vector_load %arg9[%swap3A_395, %swap3A_396] {strides = array<i32>} : memref<64x768xf32, #tpu.memory_space<vmem>>, vector<1x16xf32>,
      %swap3A_398 = vector.shape_cast %swap3A_397 : vector<1x16xf32> to vector<16xf32>
      %swap3A_399 = vector.shape_cast %convert_element_type3A : vector<16xf32> to vector<1x16xf32>
      tpu.vector_store %arg9[%swap3A_395, %swap3A_396], %swap3A_399 {add = true, strides = array<i32>} : memref<64x768xf32, #tpu.memory_space<vmem>>, vector<1x16xf32>,
      %swap3A_400 = arith.index_cast %scan3A_182 : i32 to index
      %swap3A_401 = arith.constant 688 : index
      %swap3A_402 = tpu.vector_load %arg9[%swap3A_400, %swap3A_401] {strides = array<i32>} : memref<64x768xf32, #tpu.memory_space<vmem>>, vector<1x16xf32>,
      %swap3A_403 = vector.shape_cast %swap3A_402 : vector<1x16xf32> to vector<16xf32>
      %swap3A_404 = vector.shape_cast %convert_element_type3A : vector<16xf32> to vector<1x16xf32>
      tpu.vector_store %arg9[%swap3A_400, %swap3A_401], %swap3A_404 {add = true, strides = array<i32>} : memref<64x768xf32, #tpu.memory_space<vmem>>, vector<1x16xf32>,
      %swap3A_405 = arith.index_cast %scan3A_182 : i32 to index
      %swap3A_406 = arith.constant 704 : index
      %swap3A_407 = tpu.vector_load %arg9[%swap3A_405, %swap3A_406] {strides = array<i32>} : memref<64x768xf32, #tpu.memory_space<vmem>>, vector<1x16xf32>,
      %swap3A_408 = vector.shape_cast %swap3A_407 : vector<1x16xf32> to vector<16xf32>
      %swap3A_409 = vector.shape_cast %convert_element_type3A : vector<16xf32> to vector<1x16xf32>
      tpu.vector_store %arg9[%swap3A_405, %swap3A_406], %swap3A_409 {add = true, strides = array<i32>} : memref<64x768xf32, #tpu.memory_space<vmem>>, vector<1x16xf32>,
      %swap3A_410 = arith.index_cast %scan3A_182 : i32 to index
      %swap3A_411 = arith.constant 720 : index
      %swap3A_412 = tpu.vector_load %arg9[%swap3A_410, %swap3A_411] {strides = array<i32>} : memref<64x768xf32, #tpu.memory_space<vmem>>, vector<1x16xf32>,
      %swap3A_413 = vector.shape_cast %swap3A_412 : vector<1x16xf32> to vector<16xf32>
      %swap3A_414 = vector.shape_cast %convert_element_type3A : vector<16xf32> to vector<1x16xf32>
      tpu.vector_store %arg9[%swap3A_410, %swap3A_411], %swap3A_414 {add = true, strides = array<i32>} : memref<64x768xf32, #tpu.memory_space<vmem>>, vector<1x16xf32>,
      %swap3A_415 = arith.index_cast %scan3A_182 : i32 to index
      %swap3A_416 = arith.constant 736 : index
      %swap3A_417 = tpu.vector_load %arg9[%swap3A_415, %swap3A_416] {strides = array<i32>} : memref<64x768xf32, #tpu.memory_space<vmem>>, vector<1x16xf32>,
      %swap3A_418 = vector.shape_cast %swap3A_417 : vector<1x16xf32> to vector<16xf32>
      %swap3A_419 = vector.shape_cast %convert_element_type3A : vector<16xf32> to vector<1x16xf32>
      tpu.vector_store %arg9[%swap3A_415, %swap3A_416], %swap3A_419 {add = true, strides = array<i32>} : memref<64x768xf32, #tpu.memory_space<vmem>>, vector<1x16xf32>,
      %swap3A_420 = arith.index_cast %scan3A_182 : i32 to index
      %swap3A_421 = arith.constant 752 : index
      %swap3A_422 = tpu.vector_load %arg9[%swap3A_420, %swap3A_421] {strides = array<i32>} : memref<64x768xf32, #tpu.memory_space<vmem>>, vector<1x16xf32>,
      %swap3A_423 = vector.shape_cast %swap3A_422 : vector<1x16xf32> to vector<16xf32>
      %swap3A_424 = vector.shape_cast %convert_element_type3A : vector<16xf32> to vector<1x16xf32>
      tpu.vector_store %arg9[%swap3A_420, %swap3A_421], %swap3A_424 {add = true, strides = array<i32>} : memref<64x768xf32, #tpu.memory_space<vmem>>, vector<1x16xf32>,
    }
    %scan3A_167 = arith.constant 64 : i32
    %add3A_168 = arith.constant 6144 : i32
    %add3A_169 = arith.addi %add3A_168, %mul3A_2 : i32
    %dma_start3A_170 = arith.constant 0 : i32
    %dma_start3A_171 = tpu.memref_slice %arg5[%add3A_169, %dma_start3A_170] : memref<8192x768xf32, #tpu.memory_space<hbm>> -> memref<64x768xf32, #tpu.memory_space<hbm>>
    %dma_start3A_172 = arith.constant 0 : i32
    %dma_start3A_173 = tpu.memref_slice %arg5[%add3A_169, %dma_start3A_172] : memref<8192x768xf32, #tpu.memory_space<hbm>> -> memref<64x768xf32, #tpu.memory_space<hbm>>
    tpu.enqueue_dma source(%arg9 : memref<64x768xf32, #tpu.memory_space<vmem>>) target(%dma_start3A_173 : memref<64x768xf32, #tpu.memory_space<hbm>>) target_semaphore(%arg15 : memref<!tpu.dma_semaphore, #tpu.memory_space<semaphore_mem>>)
    %dma_wait3A_174 = arith.constant 0 : i32
    %dma_wait3A_175 = tpu.memref_slice %arg5[%add3A_153, %dma_wait3A_174] : memref<8192x768xf32, #tpu.memory_space<hbm>> -> memref<64x768xf32, #tpu.memory_space<hbm>>
    %dma_wait3A_176 = arith.constant 0 : i32
    %dma_wait3A_177 = tpu.memref_slice %arg5[%add3A_153, %dma_wait3A_176] : memref<8192x768xf32, #tpu.memory_space<hbm>> -> memref<64x768xf32, #tpu.memory_space<hbm>>
    tpu.wait_dma2 semaphore(%arg14 : memref<!tpu.dma_semaphore, #tpu.memory_space<semaphore_mem>>) src(%arg8 : memref<64x768xf32, #tpu.memory_space<vmem>>) dst(%dma_wait3A_177 : memref<64x768xf32, #tpu.memory_space<hbm>>)
    %dma_wait3A_178 = arith.constant 0 : i32
    %dma_wait3A_179 = tpu.memref_slice %arg5[%add3A_169, %dma_wait3A_178] : memref<8192x768xf32, #tpu.memory_space<hbm>> -> memref<64x768xf32, #tpu.memory_space<hbm>>
    %dma_wait3A_180 = arith.constant 0 : i32
    %dma_wait3A_181 = tpu.memref_slice %arg5[%add3A_169, %dma_wait3A_180] : memref<8192x768xf32, #tpu.memory_space<hbm>> -> memref<64x768xf32, #tpu.memory_space<hbm>>
    tpu.wait_dma2 semaphore(%arg15 : memref<!tpu.dma_semaphore, #tpu.memory_space<semaphore_mem>>) src(%arg9 : memref<64x768xf32, #tpu.memory_space<vmem>>) dst(%dma_wait3A_181 : memref<64x768xf32, #tpu.memory_space<hbm>>)
    return
  }
}

</mosaic_0001>

<sc_bundles>
// kernel: kernel.3.cloned.1.call-start
scs
__scs_entry_jumppad:
0x0: {  	(pc) =	sbr.rel $0x88, $3  }
0x1: {  	(tag) =	ssettag $0x0;
	lr =	simm.s32 $0x1  }
0x2: {  	[smem:$0x3F9F] =	sst lr;
	_ =	strace $0xD0000000  }
0x3: {  	_ = 	snop  }
0x4: {  	_ = 	snop  }
0x5: {  	_ = 	snop  }
0x6: {  	_ = 	snop  }
0x7: {  	_ = 	snop  }
__scs_overlays_trampoline_lowered:
0x8: {  	[smem:$0x3FAE] =	sst s0  }
0x9: {  	[smem:$0x3FAF] =	sst s1  }
0xa: {  	[smem:$0x3FB0] =	sst s2  }
0xb: {  	[smem:$0x3FB1] =	sst s3  }
0xc: {  	[smem:$0x3FB2] =	sst s4  }
0xd: {  	[smem:$0x3FB3] =	sst s5  }
0xe: {  	[smem:$0x3FB4] =	sst s6  }
0xf: {  	[smem:$0x3FB5] =	sst s7  }
0x10: {  	[smem:$0x3FB6] =	sst s8  }
0x11: {  	[smem:$0x3FB7] =	sst s9;
	s0 =	simm.s32 @!p0 $0x0  }
0x12: {  	s1 =	sld [smem:$0x3F9D];
	s0 =	simm.s32 @p0 $0x1  }
0x13: {  	[smem:$0x3FB8] =	sst s0;
	s0 =	simm.s32 @!p1 $0x0  }
0x14: {  	s2 =	sld [smem:$0x3F9C];
	s0 =	simm.s32 @p1 $0x1  }
0x15: {  	[smem:$0x3FB9] =	sst s0;
	s0 =	simm.s32 @!p2 $0x0  }
0x16: {  	s3 =	sld [smem:$0x3FDB];
	s0 =	simm.s32 @p2 $0x1  }
0x17: {  	s4 =	simm.s32 $0x1BF5;
	[smem:$0x3FBB] =	sst s0  }
0x18: {  	s0 =	sld [smem:$0x3F9E];
	_ =	swait.ge [sflag:s4], $0x0  }
0x19: {  	s7 =	sld [smem:$0x3F9F]  }
0x1a: {  	s8 =	sadd.s32 $0xFFFFE003, lr  }
0x1b: {  	s9 =	sadd.s32 $0xFFFFFEF7, lr;
	s5 =	simm.s32 $0xFFFFFFFF;
	p2 =	slt.u32 s8, $0xFFFFF086  }
0x1c: {  	p1 =	slt.u32 s9, $0xF7A;
	s5 =	simm.s32 @!p2 $0x0  }
0x1d: {  	s5 =	simm.s32 @p1 $0x1;
	p0 =	seq.s32 s7, s2  }
0x1e: {  	s7 =	smul.u32 @!p0 $0xF7A, s2;
	p2 =	seq.s32 @!p0 s5, $0x0  }
0x1f: {  	s9 =	smul.u32 $0xF7A, s1;
	s8 =	simm.s32 @!p0 $0x1BF5;
	p2 =	por !p2, p0  }
0x20: {  	[sflag:s8] =	ssyncset.s32 @!p0 $0xFFFFF086;
	s6 =	sadd.s32 @!p0 s3, s7;
	s7 =	simm.s32 @!p0 $0x108  }
0x21: {  	s3 =	sadd.s32 s3, s9;
	s6 =	sadd.s32 @!p0 $0x88, s6;
	s7 =	simm.s32 @p2 $0x1082  }
0x22: {  	[simem:s7], [sflag:s8] =	dma.local @!p0 [hbm:s6], $0xF7A  }
0x23: {  	s9 =	sor.u32 $0xD0000000, s2;
	s6 =	simm.s32 $0x108;
	_ =	swait.ge @!p0 [sflag:s8], $0x0  }
0x24: {  	s3 =	sadd.s32 $0x88, s3;
	s6 =	simm.s32 @!p1 $0x1082;
	[sflag:s4] =	ssyncset.s32 $0xFFFFF086  }
0x25: {  	[simem:s6], [sflag:s4] =	dma.local [hbm:s3], $0xF7A  }
0x26: {  	[smem:$0x3F9F] =	sst s1;
	(tag) =	ssettag s2;
	_ =	strace s9  }
0x27: {  	s1 =	sld [smem:$0x3FAF]  }
0x28: {  	s2 =	sld [smem:$0x3FB0]  }
0x29: {  	s4 =	sld [smem:$0x3FB2]  }
0x2a: {  	p0 =	seq.s32 s5, $0x0;
	s5 =	sld [smem:$0x3FB3]  }
0x2b: {  	s6 =	sld [smem:$0x3FB4]  }
0x2c: {  	s7 =	sld [smem:$0x3FB5]  }
0x2d: {  	s3 =	simm.s32 $0x108;
	s8 =	sld [smem:$0x3FB6]  }
0x2e: {  	s3 =	simm.s32 @!p0 $0x1082;
	s9 =	sld [smem:$0x3FB7]  }
0x2f: {  	lr =	sadd.s32 s0, s3;
	s0 =	sld [smem:$0x3FAE]  }
0x30: {  	s3 =	sld [smem:$0x3FB1]  }
0x31: {  	[smem:$0x3FBA] =	sst s10  }
0x32: {  	s10 =	sld [smem:$0x3FB8];
	_ =	sdelay $0x3  }
0x33: {  	p0 =	seq.s32 s10, $0x1;
	s10 =	sld [smem:$0x3FBA];
	_ =	sdelay $0x3  }
0x34: {  	[smem:$0x3FBA] =	sst s10  }
0x35: {  	s10 =	sld [smem:$0x3FB9];
	_ =	sdelay $0x3  }
0x36: {  	p1 =	seq.s32 s10, $0x1;
	s10 =	sld [smem:$0x3FBA];
	_ =	sdelay $0x3  }
0x37: {  	[smem:$0x3FBA] =	sst s10  }
0x38: {  	s10 =	sld [smem:$0x3FBB]  }
0x39: {  	_ = 	snop;
	(pc) =	sbr.ind lr, $3  }
0x3a: {  	_ = 	snop  }
0x3b: {  	_ = 	snop  }
0x3c: {  	p2 =	seq.s32 s10, $0x1;
	s10 =	sld [smem:$0x3FBA]  }
0x3d: {  	_ =	shalt  }
0x3e: {  	_ =	shalt  }
0x3f: {  	_ =	shalt  }
0x40: {  	_ =	shalt  }
0x41: {  	_ =	shalt  }
0x42: {  	_ =	shalt  }
0x43: {  	_ =	shalt  }
0x44: {  	_ =	shalt  }
0x45: {  	_ =	shalt  }
0x46: {  	_ =	shalt  }
0x47: {  	_ =	shalt  }
0x48: {  	_ =	shalt  }
0x49: {  	_ =	shalt  }
0x4a: {  	_ =	shalt  }
0x4b: {  	_ =	shalt  }
0x4c: {  	_ =	shalt  }
0x4d: {  	_ =	shalt  }
0x4e: {  	_ =	shalt  }
0x4f: {  	_ =	shalt  }
0x50: {  	_ =	shalt  }
0x51: {  	_ =	shalt  }
0x52: {  	_ =	shalt  }
0x53: {  	_ =	shalt  }
0x54: {  	_ =	shalt  }
0x55: {  	_ =	shalt  }
0x56: {  	_ =	shalt  }
0x57: {  	_ =	shalt  }
0x58: {  	_ =	shalt  }
0x59: {  	_ =	shalt  }
0x5a: {  	_ =	shalt  }
0x5b: {  	_ =	shalt  }
0x5c: {  	_ =	shalt  }
0x5d: {  	_ =	shalt  }
0x5e: {  	_ =	shalt  }
0x5f: {  	_ =	shalt  }
0x60: {  	_ =	shalt  }
0x61: {  	_ =	shalt  }
0x62: {  	_ =	shalt  }
0x63: {  	_ =	shalt  }
0x64: {  	_ =	shalt  }
0x65: {  	_ =	shalt  }
0x66: {  	_ =	shalt  }
0x67: {  	_ =	shalt  }
0x68: {  	_ =	shalt  }
0x69: {  	_ =	shalt  }
0x6a: {  	_ =	shalt  }
0x6b: {  	_ =	shalt  }
0x6c: {  	_ =	shalt  }
0x6d: {  	_ =	shalt  }
0x6e: {  	_ =	shalt  }
0x6f: {  	_ =	shalt  }
0x70: {  	_ =	shalt  }
0x71: {  	_ =	shalt  }
0x72: {  	_ =	shalt  }
0x73: {  	_ =	shalt  }
0x74: {  	_ =	shalt  }
0x75: {  	_ =	shalt  }
0x76: {  	_ =	shalt  }
0x77: {  	_ =	shalt  }
0x78: {  	_ =	shalt  }
0x79: {  	_ =	shalt  }
0x7a: {  	_ =	shalt  }
0x7b: {  	_ =	shalt  }
0x7c: {  	_ =	shalt  }
0x7d: {  	_ =	shalt  }
0x7e: {  	_ =	shalt  }
0x7f: {  	_ =	shalt  }
0x80: {  	_ =	shalt  }
0x81: {  	_ =	shalt  }
0x82: {  	_ =	shalt  }
0x83: {  	_ =	shalt  }
0x84: {  	_ =	shalt  }
0x85: {  	_ =	shalt  }
0x86: {  	_ =	shalt  }
0x87: {  	_ =	shalt  }
.Lfunc_end0:
.L_simem_size_0:
called_computation_lowered:
.L_overlay_start_0:
0x88: {  	s2 =	sld [smem:$0x3FD9]  }
0x89: {  	s3 =	sld [smem:$0x3FFE];
	_ =	sdelay $0x1  }
0x8a: {  	s1 =	srdreg.scid  }
0x8b: {  	s0 =	sand.u32 $0x1, s1  }
0x8c: {  	s17 =	sshll.u32 s0, $0xA;
	s2 =	sadd.s32 s3, s2  }
0x8d: {  	s2 =	sadd.s32 s2, s17  }
0x8e: {  	[smem:$0x3FC6] =	sst s2  }
0x8f: {  	_ = 	snop  }
0x90: {  	s2 =	sld [smem:$0x3FC9]  }
0x91: {  	s18 =	sld [smem:$0x3FC8]  }
0x92: {  	s4 =	sld [smem:$0x3FD0];
	(tm) =	ssettm $0x1  }
0x93: {  	s5 =	sld [smem:$0x3FFB];
	_ =	sdelay $0x3  }
0x94: {  	_ =	strace s5  }
0x95: {  	s5 =	sld [smem:$0x3FFC];
	_ =	sdelay $0x3  }
0x96: {  	_ =	strace s5  }
0x97: {  	s5 =	sld [smem:$0x3FFD];
	_ =	sdelay $0x3  }
0x98: {  	_ =	strace s5  }
0x99: {  	_ =	strace $0x8FFFFFFF  }
0x9a: {  	s19 =	sld [smem:$0x3FDB];
	_ =	sdelay $0x1  }
0x9b: {  	s6 =	simm.s32 $_scs_section_size  }
0x9c: {  	s7 =	simm.s32 $_size__tile_overlayer_lowered;
	s8 =	simm.s32 $_tile_overlayer_lowered  }
0x9d: {  	s22 =	simm.s32 $0x1BFF;
	s21 =	sshll.u32 s8, $0x1;
	s5 =	sadd.s32 s6, s19  }
0x9e: {  	s9 =	simm.s32 $0x0;
	s20 =	sshll.u32 s7, $0x1;
	s7 =	sadd.s32 s21, s5  }
0x9f: {  	[timem:s9], [sflag:s22] =	dma.local [hbm:s7], s20  }
0xa0: {  	_ =	swait.ge [sflag:s22], s20  }
0xa1: {  	s6 =	ssub.s32 $0x0, s20;
	[sflag:s22] =	ssyncset.done $0x0  }
0xa2: {  	[sflag:s22] =	ssyncadd.s32 s6;
	_ =	sdelay $0x1  }
0xa3: {  	s23 =	simm.s32 $0x1B8B  }
0xa4: {  	_ =	swait.ge [sflag:s23], $0x1  }
0xa5: {  	[sflag:s23] =	ssyncset.done $0x0  }
0xa6: {  	s25 =	simm.s32 $0x1B8E;
	s24 =	sld [smem:$0x3FFE];
	[sflag:s23] =	ssyncadd.s32 $0xFFFFFFFF  }
0xa7: {  	s26 =	simm.s32 $execute0_lowered;
	[smem:$0x3FD2] =	sst s25  }
0xa8: {  	s7 =	sshll.u32 s26, $0x1;
	_ =	strace $0x80000046;
	[dreg:$0x1] =	wrdreg $0xFFFFFFFF  }
0xa9: {  	s28 =	simm.s32 $_size_execute0_lowered;
	s5 =	sadd.s32 s5, s7;
	[dreg:$0x0] =	wrdreg $0x0  }
0xaa: {  	s7 =	sshll.u32 s28, $0x1;
	[dreg:$0x2] =	wrdreg s5  }
0xab: {  	[dreg:$0x3] =	wrdreg s7  }
0xac: {  	[dreg:$0x4] =	wrdreg $0xC0  }
0xad: {  	_ =	task [dreg:s9], $0x5FFFF  }
0xae: {  	[dreg:$0x1] =	wrdreg $0xFFFFFFFF  }
0xaf: {  	[dreg:$0x0] =	wrdreg $0x60  }
0xb0: {  	[dreg:$0x2] =	wrdreg s2  }
0xb1: {  	[dreg:$0x3] =	wrdreg s18  }
0xb2: {  	[dreg:$0x4] =	wrdreg s24  }
0xb3: {  	[dreg:$0x5] =	wrdreg s4  }
0xb4: {  	[dreg:$0x6] =	wrdreg $0x9  }
0xb5: {  	_ =	task.clear_ibuf [dreg:s9], $0x7FFFF;
	_ =	strace $0x90000046  }
0xb6: {  	s29 =	simm.s32 $0x9;
	_ =	strace $0x80000048  }
0xb7: {  	_ =	swait.ge [sflag:s29], $0x1  }
0xb8: {  	[sflag:s29] =	ssyncadd.s32 $0xFFFFFFFF  }
0xb9: {  	_ =	strace $0x90000048  }
0xba: {  	_ =	sfence  }
0xbb: {  	s30 =	sld [smem:$0x0];
	_ =	sdelay $0x2  }
0xbc: {  	s31 =	sshll.u32 s1, $0xD;
	s1 =	sshrl.u32 s1, $0x2  }
0xbd: {  	s3 =	sand.u32 $0x4000, s31;
	s1 =	sadd.s32 s1, s30  }
0xbe: {  	s0 =	sor.u32 s3, s0;
	s1 =	sshll.u32 s1, $0x11  }
0xbf: {  	s0 =	sor.u32 s1, s0  }
0xc0: {  	s0 =	sadd.s32 $0x8F2B, s0  }
0xc1: {  	[sflag:s0] =	ssyncadd.remote.s32 $0x1  }
0xc2: {  	_ =	sfence.sel $0xFFFF  }
0xc3: {  	[dreg:$0x0] =	wrdreg $0xFFFFFFFF;
	(pc) =	sbr.abs _section_cstart, $3  }
0xc4: {  	[dreg:$0x1] =	wrdreg $0xFFFFFFFF  }
0xc5: {  	_ =	task.clear_ibuf [dreg:s9], $0x2FFFF;
	_ =	strace $0x9FFFFFFF  }
0xc6: {  	(tm) =	ssettm $0x7FFFFFFF  }
0xc7: {  	_ =	shalt  }
tec
execute0_lowered:
.L_overlay_start_1:
0x0: {  	(tag) =	ssettag $0x1  }
0x1: {  	s0 =	rddreg [dreg:$0x0]  }
0x2: {  	s1 =	rddreg [dreg:$0x1]  }
0x3: {  	s2 =	rddreg [dreg:$0x2]  }
0x4: {  	s4 =	rddreg [dreg:$0x3]  }
0x5: {  	s3 =	srdreg.scid;
	s6 =	stileid.u32  }
0x6: {  	s19 =	simm.s32 $0x1;
	s17 =	simm.s32 $0x14900;
	s18 =	simm.s32 $0x15100  }
0x7: {  	s28 =	simm.s32 $0x3;
	s29 =	simm.s32 $0x5;
	s12 =	simm.s32 $0x4  }
0x8: {  	s30 =	simm.s32 $0x6;
	s13 =	simm.s32 $0x0;
	s5 =	sand.u32 $0x1, s3  }
0x9: {  	s3 =	simm.s32 $0x0;
	s6 =	sshll.u32 s6, $0x7;
	s11 =	sadd.s32 $0x200, s1  }
0xa: {  	s7 =	sshll.u32 s5, $0x6;
	[smem:$0x7FF] =	sst s3;
	s5 =	ssub.s32 $0x2, s5  }
0xb: {  	s6 =	sor.u32 s7, s6;
	_ =	strace $0x80000047;
	s20 =	sshrl.u32 s5, $0x1  }
0xc: {  	s8 =	sshll.u32 s6, $0x2;
	s9 =	sshll.u32 s6, $0x4;
	s5 =	ssub.s32 s5, s20  }
0xd: {  	s6 =	sshrl.u32 s6, $0x3;
	s20 =	simm.s32 $0x2100;
	s10 =	sand.u32 $0x1E00, s8  }
0xe: {  	s2 =	sadd.s32 s9, s2;
	s6 =	smul.u32 $0x300, s6;
	s31 =	smax.u32 s5, $0x1  }
0xf: {  	s5 =	simm.s32 $0x16100;
	s10 =	sor.u32 s7, s10;
	s7 =	sor.u32 s7, s8  }
0x10: {  	s23 =	sadd.s32 $0x400, s2;
	[dreg:$0xd] =	wrdreg s31;
	s21 =	sshrl.u32 s10, $0x3  }
0x11: {  	s7 =	sshrl.u32 s7, $0x3;
	[dreg:$0x9] =	wrdreg s23;
	s10 =	sadd.s32 s4, s6  }
0x12: {  	v0 =	vimm.f32 $1.000000000e+00;
	vm0 =	vcmask $0x300;
	s6 =	simm.s32 $0x17100;
	s23 =	simm.s32 $0x17900;
	s4 =	simm.s32 $0x2  }
0x13: {  	v0 =	vsel vm0, $0x0, v0;
	vm0 =	vcmask $0xB08;
	s9 =	sadd.s32 s0, s21;
	s22 =	sor.u32 $0x20, s7;
	s7 =	sor.u32 $0x30, s7  }
0x14: {  	v0 =	vsel vm0, $0x0, v0;
	vm0 =	vcmask $0x1310;
	s24 =	sadd.s32 $0x30000, s10;
	s25 =	sadd.s32 $0x60000, s10;
	[dreg:$0x5] =	wrdreg s9  }
0x15: {  	v0 =	vsel vm0, $0x0, v0;
	vm0 =	vcmask $0x1B18;
	s26 =	sadd.s32 $0x90000, s10;
	s21 =	simm.s32 $0x15900;
	[dreg:$0xa] =	wrdreg s24  }
0x16: {  	v2 =	vlaneseq.u32;
	v1 =	vsel vm0, $0x0, v0;
	vm0 =	vcmask $0x2320;
	s9 =	sadd.s32 $0x10, s9;
	s8 =	sadd.s32 s0, s22;
	[dreg:$0xb] =	wrdreg s25  }
0x17: {  	vm1 =	vcmask $0x3B38;
	v1 =	vsel vm0, $0x0, v1;
	vm0 =	vcmask $0x2B28;
	s0 =	sadd.s32 s0, s7;
	[dreg:$0xc] =	wrdreg s26;
	s25 =	simm.s32 $0xE100  }
0x18: {  	v3 =	vshrl.u32 v2, $0x3;
	v4 =	vsel vm0, $0x0, v1;
	vm0 =	vcmask $0x3330;
	s22 =	simm.s32 $0x16900;
	s7 =	simm.s32 $0x18100;
	[dreg:$0x6] =	wrdreg s9  }
0x19: {  	v0 =	vand.u32 $0x7, v2;
	v1 =	vmul.u32 $0x8, v3;
	v3 =	vsel vm0, $0x0, v4;
	s24 =	simm.s32 $0x18900;
	s26 =	simm.s32 $0x19900;
	[dreg:$0x7] =	wrdreg s8  }
0x1a: {  	v2 =	vor.u32 $0x8, v2;
	vm0 =	vmmov $0xffff;
	v3 =	vsel vm1, $0x0, v3;
	[dreg:$0x8] =	wrdreg s0;
	s9 =	sadd.s32 $0x100, s1;
	s8 =	simm.s32 $0x19100  }
.LBB2_1:
0x1b: {  	s0 =	rddreg [dreg:$0x5]  }
0x1c: {  	[tilespmem:s3], [sflag:$0x1] =	stream.linear.gather [hbm4b:s0+s3], $0x40, $0x38;
	[tilespmem:$0x1A100] =	vst v63  }
0x1d: {  	s14 =	rddreg [dreg:$0x6];
	s2 =	simm.s32 $0x40  }
0x1e: {  	[tilespmem:s2], [sflag:$0x1] =	stream.linear.gather [hbm4b:s14+s3], $0x40, $0x38;
	[tilespmem:$0x1A100] =	vst v63  }
0x1f: {  	s15 =	rddreg [dreg:$0x7];
	s16 =	simm.s32 $0x80  }
0x20: {  	[tilespmem:s16], [sflag:$0x1] =	stream.linear.gather [hbm4b:s15+s3], $0x40, $0x38;
	[tilespmem:$0x1A100] =	vst v63  }
0x21: {  	s14 =	rddreg [dreg:$0x8];
	s15 =	simm.s32 $0xC0  }
0x22: {  	[tilespmem:s15], [sflag:$0x1] =	stream.linear.gather [hbm4b:s14+s3], $0x40, $0x38;
	[tilespmem:$0x1A100] =	vst v63  }
0x23: {  	s31 =	simm.s32 $0x100;
	s16 =	rddreg [dreg:$0x9]  }
0x24: {  	[tilespmem:s31], [sflag:$0x2] =	stream.linear.gather [hbm4b:s16+s3], $0x2000, $0x38;
	[tilespmem:$0x1A100] =	vst v63  }
0x25: {  	_ =	swait.ge [sflag:s19], $0x40  }
0x26: {  	[sflag:s19] =	ssyncset.done $0x0  }
0x27: {  	[sflag:s19] =	ssyncadd.s32 $0xFFFFFFC0  }
0x28: {  	_ =	swait.ge [sflag:s19], $0x40  }
0x29: {  	[sflag:s19] =	ssyncset.done $0x0  }
0x2a: {  	[sflag:s19] =	ssyncadd.s32 $0xFFFFFFC0  }
0x2b: {  	_ =	swait.ge [sflag:s19], $0x40  }
0x2c: {  	[sflag:s19] =	ssyncset.done $0x0  }
0x2d: {  	[sflag:s19] =	ssyncadd.s32 $0xFFFFFFC0  }
0x2e: {  	_ =	swait.ge [sflag:s19], $0x40  }
0x2f: {  	[sflag:s19] =	ssyncset.done $0x0  }
0x30: {  	[sflag:s19] =	ssyncadd.s32 $0xFFFFFFC0  }
0x31: {  	v4 =	vld [tilespmem:$0x0];
	_ =	sdelay $0x4  }
0x32: {  	v5 =	vshrl.u32 v4, $0x3  }
0x33: {  	v5 =	vmul.u32 $0x30, v5  }
0x34: {  	v4 =	vand.u32 $0x7, v4  }
0x35: {  	v4 =	vor.u32 v4, v5  }
0x36: {  	v5 =	vperm.xlane v4, v0;
	_ =	sdelay $0x1  }
0x37: {  	v5 =	vadd.s32 v1, v5;
	_ =	sdelay $0x3  }
0x38: {  	v4 =	vperm.xlane v4, v2  }
0x39: {  	[tilespmem:s20], [sflag:$0x3] =	stream.indirect_vreg.gather [hbm4b:s1+s3], $0x80, v5, vm0, $0xb8;
	[tilespmem:$0x1A100] =	vst v63  }
0x3a: {  	s2 =	simm.s32 $0x2900;
	v4 =	vadd.s32 v1, v4  }
0x3b: {  	[tilespmem:s2], [sflag:$0x3] =	stream.indirect_vreg.gather [hbm4b:s9+s3], $0x80, v5, vm0, $0xb8;
	[tilespmem:$0x1A100] =	vst v63  }
0x3c: {  	s14 =	simm.s32 $0x3100  }
0x3d: {  	[tilespmem:s14], [sflag:$0x3] =	stream.indirect_vreg.gather [hbm4b:s11+s3], $0x80, v5, vm0, $0xb8;
	[tilespmem:$0x1A100] =	vst v63  }
0x3e: {  	s15 =	simm.s32 $0x3900  }
0x3f: {  	[tilespmem:s15], [sflag:$0x3] =	stream.indirect_vreg.gather [hbm4b:s1+s3], $0x80, v4, vm0, $0xb8;
	[tilespmem:$0x1A100] =	vst v63  }
0x40: {  	s16 =	simm.s32 $0x4100  }
0x41: {  	[tilespmem:s16], [sflag:$0x3] =	stream.indirect_vreg.gather [hbm4b:s9+s3], $0x80, v4, vm0, $0xb8;
	[tilespmem:$0x1A100] =	vst v63  }
0x42: {  	s2 =	simm.s32 $0x4900  }
0x43: {  	[tilespmem:s2], [sflag:$0x3] =	stream.indirect_vreg.gather [hbm4b:s11+s3], $0x80, v4, vm0, $0xb8;
	[tilespmem:$0x1A100] =	vst v63  }
0x44: {  	v4 =	vld [tilespmem:$0x10];
	_ =	sdelay $0x4  }
0x45: {  	v5 =	vshrl.u32 v4, $0x3  }
0x46: {  	v5 =	vmul.u32 $0x30, v5  }
0x47: {  	v4 =	vand.u32 $0x7, v4  }
0x48: {  	v4 =	vor.u32 v4, v5  }
0x49: {  	v5 =	vperm.xlane v4, v0;
	_ =	sdelay $0x1  }
0x4a: {  	v5 =	vadd.s32 v1, v5;
	_ =	sdelay $0x3  }
0x4b: {  	s14 =	simm.s32 $0x5100;
	v4 =	vperm.xlane v4, v2  }
0x4c: {  	[tilespmem:s14], [sflag:$0x3] =	stream.indirect_vreg.gather [hbm4b:s1+s3], $0x80, v5, vm0, $0xb8;
	[tilespmem:$0x1A100] =	vst v63  }
0x4d: {  	s15 =	simm.s32 $0x5900;
	v4 =	vadd.s32 v1, v4  }
0x4e: {  	[tilespmem:s15], [sflag:$0x3] =	stream.indirect_vreg.gather [hbm4b:s9+s3], $0x80, v5, vm0, $0xb8;
	[tilespmem:$0x1A100] =	vst v63  }
0x4f: {  	s16 =	simm.s32 $0x6100  }
0x50: {  	[tilespmem:s16], [sflag:$0x3] =	stream.indirect_vreg.gather [hbm4b:s11+s3], $0x80, v5, vm0, $0xb8;
	[tilespmem:$0x1A100] =	vst v63  }
0x51: {  	s2 =	simm.s32 $0x6900  }
0x52: {  	[tilespmem:s2], [sflag:$0x3] =	stream.indirect_vreg.gather [hbm4b:s1+s3], $0x80, v4, vm0, $0xb8;
	[tilespmem:$0x1A100] =	vst v63  }
0x53: {  	s14 =	simm.s32 $0x7100  }
0x54: {  	[tilespmem:s14], [sflag:$0x3] =	stream.indirect_vreg.gather [hbm4b:s9+s3], $0x80, v4, vm0, $0xb8;
	[tilespmem:$0x1A100] =	vst v63  }
0x55: {  	s15 =	simm.s32 $0x7900  }
0x56: {  	[tilespmem:s15], [sflag:$0x3] =	stream.indirect_vreg.gather [hbm4b:s11+s3], $0x80, v4, vm0, $0xb8;
	[tilespmem:$0x1A100] =	vst v63  }
0x57: {  	v4 =	vld [tilespmem:$0x20];
	_ =	sdelay $0x4  }
0x58: {  	v5 =	vshrl.u32 v4, $0x3  }
0x59: {  	v5 =	vmul.u32 $0x30, v5  }
0x5a: {  	v4 =	vand.u32 $0x7, v4  }
0x5b: {  	v4 =	vor.u32 v4, v5  }
0x5c: {  	v5 =	vperm.xlane v4, v0;
	_ =	sdelay $0x1  }
0x5d: {  	v5 =	vadd.s32 v1, v5;
	_ =	sdelay $0x3  }
0x5e: {  	s16 =	simm.s32 $0x8100;
	v4 =	vperm.xlane v4, v2  }
0x5f: {  	[tilespmem:s16], [sflag:$0x3] =	stream.indirect_vreg.gather [hbm4b:s1+s3], $0x80, v5, vm0, $0xb8;
	[tilespmem:$0x1A100] =	vst v63  }
0x60: {  	s2 =	simm.s32 $0x8900;
	v4 =	vadd.s32 v1, v4  }
0x61: {  	[tilespmem:s2], [sflag:$0x3] =	stream.indirect_vreg.gather [hbm4b:s9+s3], $0x80, v5, vm0, $0xb8;
	[tilespmem:$0x1A100] =	vst v63  }
0x62: {  	s14 =	simm.s32 $0x9100  }
0x63: {  	[tilespmem:s14], [sflag:$0x3] =	stream.indirect_vreg.gather [hbm4b:s11+s3], $0x80, v5, vm0, $0xb8;
	[tilespmem:$0x1A100] =	vst v63  }
0x64: {  	s15 =	simm.s32 $0x9900  }
0x65: {  	[tilespmem:s15], [sflag:$0x3] =	stream.indirect_vreg.gather [hbm4b:s1+s3], $0x80, v4, vm0, $0xb8;
	[tilespmem:$0x1A100] =	vst v63  }
0x66: {  	s16 =	simm.s32 $0xA100  }
0x67: {  	[tilespmem:s16], [sflag:$0x3] =	stream.indirect_vreg.gather [hbm4b:s9+s3], $0x80, v4, vm0, $0xb8;
	[tilespmem:$0x1A100] =	vst v63  }
0x68: {  	s2 =	simm.s32 $0xA900  }
0x69: {  	[tilespmem:s2], [sflag:$0x3] =	stream.indirect_vreg.gather [hbm4b:s11+s3], $0x80, v4, vm0, $0xb8;
	[tilespmem:$0x1A100] =	vst v63  }
0x6a: {  	v4 =	vld [tilespmem:$0x30];
	_ =	sdelay $0x4  }
0x6b: {  	v5 =	vshrl.u32 v4, $0x3  }
0x6c: {  	v5 =	vmul.u32 $0x30, v5  }
0x6d: {  	v4 =	vand.u32 $0x7, v4  }
0x6e: {  	v4 =	vor.u32 v4, v5  }
0x6f: {  	v5 =	vperm.xlane v4, v0;
	_ =	sdelay $0x1  }
0x70: {  	v5 =	vadd.s32 v1, v5;
	_ =	sdelay $0x3  }
0x71: {  	s14 =	simm.s32 $0xB100;
	v4 =	vperm.xlane v4, v2  }
0x72: {  	[tilespmem:s14], [sflag:$0x3] =	stream.indirect_vreg.gather [hbm4b:s1+s3], $0x80, v5, vm0, $0xb8;
	[tilespmem:$0x1A100] =	vst v63  }
0x73: {  	s15 =	simm.s32 $0xB900;
	v4 =	vadd.s32 v1, v4  }
0x74: {  	[tilespmem:s15], [sflag:$0x3] =	stream.indirect_vreg.gather [hbm4b:s9+s3], $0x80, v5, vm0, $0xb8;
	[tilespmem:$0x1A100] =	vst v63  }
0x75: {  	s16 =	simm.s32 $0xC100  }
0x76: {  	[tilespmem:s16], [sflag:$0x3] =	stream.indirect_vreg.gather [hbm4b:s11+s3], $0x80, v5, vm0, $0xb8;
	[tilespmem:$0x1A100] =	vst v63  }
0x77: {  	s2 =	simm.s32 $0xC900  }
0x78: {  	[tilespmem:s2], [sflag:$0x3] =	stream.indirect_vreg.gather [hbm4b:s1+s3], $0x80, v4, vm0, $0xb8;
	[tilespmem:$0x1A100] =	vst v63  }
0x79: {  	s14 =	simm.s32 $0xD100  }
0x7a: {  	[tilespmem:s14], [sflag:$0x3] =	stream.indirect_vreg.gather [hbm4b:s9+s3], $0x80, v4, vm0, $0xb8;
	[tilespmem:$0x1A100] =	vst v63  }
0x7b: {  	s15 =	simm.s32 $0xD900  }
0x7c: {  	[tilespmem:s15], [sflag:$0x3] =	stream.indirect_vreg.gather [hbm4b:s11+s3], $0x80, v4, vm0, $0xb8;
	[tilespmem:$0x1A100] =	vst v63  }
0x7d: {  	v4 =	vld [tilespmem:$0x40];
	_ =	sdelay $0x4  }
0x7e: {  	v5 =	vshrl.u32 v4, $0x3  }
0x7f: {  	v5 =	vmul.u32 $0x30, v5  }
0x80: {  	v4 =	vand.u32 $0x7, v4  }
0x81: {  	v4 =	vor.u32 v4, v5  }
0x82: {  	v5 =	vperm.xlane v4, v0;
	_ =	sdelay $0x1  }
0x83: {  	v5 =	vadd.s32 v1, v5;
	_ =	sdelay $0x3  }
0x84: {  	v4 =	vperm.xlane v4, v2  }
0x85: {  	[tilespmem:s25], [sflag:$0x4] =	stream.indirect_vreg.gather [hbm4b:s1+s3], $0x80, v5, vm0, $0xb8;
	[tilespmem:$0x1A100] =	vst v63  }
0x86: {  	s16 =	simm.s32 $0xE900;
	v4 =	vadd.s32 v1, v4  }
0x87: {  	[tilespmem:s16], [sflag:$0x4] =	stream.indirect_vreg.gather [hbm4b:s9+s3], $0x80, v5, vm0, $0xb8;
	[tilespmem:$0x1A100] =	vst v63  }
0x88: {  	s2 =	simm.s32 $0xF100  }
0x89: {  	[tilespmem:s2], [sflag:$0x4] =	stream.indirect_vreg.gather [hbm4b:s11+s3], $0x80, v5, vm0, $0xb8;
	[tilespmem:$0x1A100] =	vst v63  }
0x8a: {  	s14 =	simm.s32 $0xF900  }
0x8b: {  	[tilespmem:s14], [sflag:$0x4] =	stream.indirect_vreg.gather [hbm4b:s1+s3], $0x80, v4, vm0, $0xb8;
	[tilespmem:$0x1A100] =	vst v63  }
0x8c: {  	s15 =	simm.s32 $0x10100  }
0x8d: {  	[tilespmem:s15], [sflag:$0x4] =	stream.indirect_vreg.gather [hbm4b:s9+s3], $0x80, v4, vm0, $0xb8;
	[tilespmem:$0x1A100] =	vst v63  }
0x8e: {  	s16 =	simm.s32 $0x10900  }
0x8f: {  	[tilespmem:s16], [sflag:$0x4] =	stream.indirect_vreg.gather [hbm4b:s11+s3], $0x80, v4, vm0, $0xb8;
	[tilespmem:$0x1A100] =	vst v63  }
0x90: {  	v4 =	vld [tilespmem:$0x50];
	_ =	sdelay $0x4  }
0x91: {  	v5 =	vshrl.u32 v4, $0x3  }
0x92: {  	v5 =	vmul.u32 $0x30, v5  }
0x93: {  	v4 =	vand.u32 $0x7, v4  }
0x94: {  	v4 =	vor.u32 v4, v5  }
0x95: {  	v5 =	vperm.xlane v4, v0;
	_ =	sdelay $0x1  }
0x96: {  	v5 =	vadd.s32 v1, v5;
	_ =	sdelay $0x3  }
0x97: {  	s2 =	simm.s32 $0x11100;
	v4 =	vperm.xlane v4, v2  }
0x98: {  	[tilespmem:s2], [sflag:$0x4] =	stream.indirect_vreg.gather [hbm4b:s1+s3], $0x80, v5, vm0, $0xb8;
	[tilespmem:$0x1A100] =	vst v63  }
0x99: {  	s14 =	simm.s32 $0x11900;
	v4 =	vadd.s32 v1, v4  }
0x9a: {  	[tilespmem:s14], [sflag:$0x4] =	stream.indirect_vreg.gather [hbm4b:s9+s3], $0x80, v5, vm0, $0xb8;
	[tilespmem:$0x1A100] =	vst v63  }
0x9b: {  	s15 =	simm.s32 $0x12100  }
0x9c: {  	[tilespmem:s15], [sflag:$0x4] =	stream.indirect_vreg.gather [hbm4b:s11+s3], $0x80, v5, vm0, $0xb8;
	[tilespmem:$0x1A100] =	vst v63  }
0x9d: {  	s16 =	simm.s32 $0x12900  }
0x9e: {  	[tilespmem:s16], [sflag:$0x4] =	stream.indirect_vreg.gather [hbm4b:s1+s3], $0x80, v4, vm0, $0xb8;
	[tilespmem:$0x1A100] =	vst v63  }
0x9f: {  	s2 =	simm.s32 $0x13100  }
0xa0: {  	[tilespmem:s2], [sflag:$0x4] =	stream.indirect_vreg.gather [hbm4b:s9+s3], $0x80, v4, vm0, $0xb8;
	[tilespmem:$0x1A100] =	vst v63  }
0xa1: {  	s14 =	simm.s32 $0x13900  }
0xa2: {  	[tilespmem:s14], [sflag:$0x4] =	stream.indirect_vreg.gather [hbm4b:s11+s3], $0x80, v4, vm0, $0xb8;
	[tilespmem:$0x1A100] =	vst v63  }
0xa3: {  	v4 =	vld [tilespmem:$0x60];
	_ =	sdelay $0x4  }
0xa4: {  	v5 =	vshrl.u32 v4, $0x3  }
0xa5: {  	v5 =	vmul.u32 $0x30, v5  }
0xa6: {  	v4 =	vand.u32 $0x7, v4  }
0xa7: {  	v4 =	vor.u32 v4, v5  }
0xa8: {  	v5 =	vperm.xlane v4, v0;
	_ =	sdelay $0x1  }
0xa9: {  	v5 =	vadd.s32 v1, v5;
	_ =	sdelay $0x3  }
0xaa: {  	s15 =	simm.s32 $0x14100;
	v4 =	vperm.xlane v4, v2  }
0xab: {  	[tilespmem:s15], [sflag:$0x4] =	stream.indirect_vreg.gather [hbm4b:s1+s3], $0x80, v5, vm0, $0xb8;
	[tilespmem:$0x1A100] =	vst v63  }
0xac: {  	v4 =	vadd.s32 v1, v4  }
0xad: {  	[tilespmem:s17], [sflag:$0x4] =	stream.indirect_vreg.gather [hbm4b:s9+s3], $0x80, v5, vm0, $0xb8;
	[tilespmem:$0x1A100] =	vst v63  }
0xae: {  	_ = 	snop  }
0xaf: {  	[tilespmem:s18], [sflag:$0x4] =	stream.indirect_vreg.gather [hbm4b:s11+s3], $0x80, v5, vm0, $0xb8;
	[tilespmem:$0x1A100] =	vst v63  }
0xb0: {  	_ = 	snop  }
0xb1: {  	[tilespmem:s21], [sflag:$0x4] =	stream.indirect_vreg.gather [hbm4b:s1+s3], $0x80, v4, vm0, $0xb8;
	[tilespmem:$0x1A100] =	vst v63  }
0xb2: {  	_ = 	snop  }
0xb3: {  	[tilespmem:s5], [sflag:$0x4] =	stream.indirect_vreg.gather [hbm4b:s9+s3], $0x80, v4, vm0, $0xb8;
	[tilespmem:$0x1A100] =	vst v63  }
0xb4: {  	_ = 	snop  }
0xb5: {  	[tilespmem:s22], [sflag:$0x4] =	stream.indirect_vreg.gather [hbm4b:s11+s3], $0x80, v4, vm0, $0xb8;
	[tilespmem:$0x1A100] =	vst v63  }
0xb6: {  	v4 =	vld [tilespmem:$0x70];
	_ =	sdelay $0x4  }
0xb7: {  	v5 =	vshrl.u32 v4, $0x3  }
0xb8: {  	v5 =	vmul.u32 $0x30, v5  }
0xb9: {  	v4 =	vand.u32 $0x7, v4  }
0xba: {  	v4 =	vor.u32 v4, v5  }
0xbb: {  	v5 =	vperm.xlane v4, v0;
	_ =	sdelay $0x1  }
0xbc: {  	v5 =	vadd.s32 v1, v5;
	_ =	sdelay $0x3  }
0xbd: {  	v4 =	vperm.xlane v4, v2  }
0xbe: {  	[tilespmem:s6], [sflag:$0x4] =	stream.indirect_vreg.gather [hbm4b:s1+s3], $0x80, v5, vm0, $0xb8;
	[tilespmem:$0x1A100] =	vst v63  }
0xbf: {  	v4 =	vadd.s32 v1, v4  }
0xc0: {  	[tilespmem:s23], [sflag:$0x4] =	stream.indirect_vreg.gather [hbm4b:s9+s3], $0x80, v5, vm0, $0xb8;
	[tilespmem:$0x1A100] =	vst v63  }
0xc1: {  	_ = 	snop  }
0xc2: {  	[tilespmem:s7], [sflag:$0x4] =	stream.indirect_vreg.gather [hbm4b:s11+s3], $0x80, v5, vm0, $0xb8;
	[tilespmem:$0x1A100] =	vst v63  }
0xc3: {  	_ = 	snop  }
0xc4: {  	[tilespmem:s24], [sflag:$0x4] =	stream.indirect_vreg.gather [hbm4b:s1+s3], $0x80, v4, vm0, $0xb8;
	[tilespmem:$0x1A100] =	vst v63  }
0xc5: {  	_ = 	snop  }
0xc6: {  	[tilespmem:s8], [sflag:$0x4] =	stream.indirect_vreg.gather [hbm4b:s9+s3], $0x80, v4, vm0, $0xb8;
	[tilespmem:$0x1A100] =	vst v63  }
0xc7: {  	_ = 	snop  }
0xc8: {  	[tilespmem:s26], [sflag:$0x4] =	stream.indirect_vreg.gather [hbm4b:s11+s3], $0x80, v4, vm0, $0xb8;
	[tilespmem:$0x1A100] =	vst v63  }
0xc9: {  	_ =	swait.ge [sflag:s28], $0xC000  }
0xca: {  	[sflag:s28] =	ssyncset.done $0x0  }
0xcb: {  	s16 =	simm.s32 $0x0;
	[sflag:s28] =	ssyncadd.s32 $0xFFFF4000  }
0xcc: {  	s0 =	smul.u32 $0x6000, s16;
	_ =	swait.ge [sflag:s4], $0x2000  }
0xcd: {  	[sflag:s4] =	ssyncset.done $0x0  }
0xce: {  	s0 =	sshra.s32 s0, $0x2;
	s14 =	sand.u32 $0x380, s3;
	[sflag:s4] =	ssyncadd.s32 $0xFFFFE000  }
0xcf: {  	s14 =	sor.u32 s14, s0;
	s0 =	simm.s32 $0x1;
	s15 =	simm.s32 $0x0;
	v4 =	vld [tilespmem:s31+$0x0]  }
.LBB2_2:
0xd0: {  	p0 =	sne.s32 s0, $0x3F;
	[tilespmem:s14+$0x2110] =	vst.add.f32.msk $0xffff, v3  }
0xd1: {  	[tilespmem:s14+$0x2120] =	vst.add.f32.msk $0xffff, v3  }
0xd2: {  	[tilespmem:s14+$0x2130] =	vst.add.f32.msk $0xffff, v3  }
0xd3: {  	[tilespmem:s14+$0x2140] =	vst.add.f32.msk $0xffff, v3  }
0xd4: {  	[tilespmem:s14+$0x2100] =	vst.add.f32.msk $0xffff, v4  }
0xd5: {  	[tilespmem:s14+$0x2150] =	vst.add.f32.msk $0xffff, v3  }
0xd6: {  	[tilespmem:s14+$0x2160] =	vst.add.f32.msk $0xffff, v3  }
0xd7: {  	[tilespmem:s14+$0x2170] =	vst.add.f32.msk $0xffff, v3  }
0xd8: {  	[tilespmem:s14+$0x2500] =	vst.add.f32.msk $0xffff, v3  }
0xd9: {  	[tilespmem:s14+$0x2510] =	vst.add.f32.msk $0xffff, v3  }
0xda: {  	[tilespmem:s14+$0x2520] =	vst.add.f32.msk $0xffff, v3  }
0xdb: {  	[tilespmem:s14+$0x2530] =	vst.add.f32.msk $0xffff, v3  }
0xdc: {  	[tilespmem:s14+$0x2540] =	vst.add.f32.msk $0xffff, v3  }
0xdd: {  	[tilespmem:s14+$0x2550] =	vst.add.f32.msk $0xffff, v3  }
0xde: {  	[tilespmem:s14+$0x2560] =	vst.add.f32.msk $0xffff, v3  }
0xdf: {  	[tilespmem:s14+$0x2570] =	vst.add.f32.msk $0xffff, v3  }
0xe0: {  	[tilespmem:s14+$0x2900] =	vst.add.f32.msk $0xffff, v3  }
0xe1: {  	[tilespmem:s14+$0x2910] =	vst.add.f32.msk $0xffff, v3  }
0xe2: {  	[tilespmem:s14+$0x2920] =	vst.add.f32.msk $0xffff, v3  }
0xe3: {  	[tilespmem:s14+$0x2930] =	vst.add.f32.msk $0xffff, v3  }
0xe4: {  	[tilespmem:s14+$0x2940] =	vst.add.f32.msk $0xffff, v3  }
0xe5: {  	[tilespmem:s14+$0x2950] =	vst.add.f32.msk $0xffff, v3  }
0xe6: {  	[tilespmem:s14+$0x2960] =	vst.add.f32.msk $0xffff, v3  }
0xe7: {  	[tilespmem:s14+$0x2970] =	vst.add.f32.msk $0xffff, v3  }
0xe8: {  	[tilespmem:s14+$0x2D00] =	vst.add.f32.msk $0xffff, v3  }
0xe9: {  	[tilespmem:s14+$0x2D10] =	vst.add.f32.msk $0xffff, v3  }
0xea: {  	[tilespmem:s14+$0x2D20] =	vst.add.f32.msk $0xffff, v3  }
0xeb: {  	[tilespmem:s14+$0x2D30] =	vst.add.f32.msk $0xffff, v3  }
0xec: {  	[tilespmem:s14+$0x2D40] =	vst.add.f32.msk $0xffff, v3  }
0xed: {  	[tilespmem:s14+$0x2D50] =	vst.add.f32.msk $0xffff, v3  }
0xee: {  	[tilespmem:s14+$0x2D60] =	vst.add.f32.msk $0xffff, v3  }
0xef: {  	[tilespmem:s14+$0x2D70] =	vst.add.f32.msk $0xffff, v3  }
0xf0: {  	[tilespmem:s14+$0x3100] =	vst.add.f32.msk $0xffff, v3  }
0xf1: {  	[tilespmem:s14+$0x3110] =	vst.add.f32.msk $0xffff, v3  }
0xf2: {  	[tilespmem:s14+$0x3120] =	vst.add.f32.msk $0xffff, v3  }
0xf3: {  	[tilespmem:s14+$0x3130] =	vst.add.f32.msk $0xffff, v3  }
0xf4: {  	[tilespmem:s14+$0x3140] =	vst.add.f32.msk $0xffff, v3  }
0xf5: {  	[tilespmem:s14+$0x3150] =	vst.add.f32.msk $0xffff, v3  }
0xf6: {  	[tilespmem:s14+$0x3160] =	vst.add.f32.msk $0xffff, v3  }
0xf7: {  	[tilespmem:s14+$0x3170] =	vst.add.f32.msk $0xffff, v3  }
0xf8: {  	[tilespmem:s14+$0x3500] =	vst.add.f32.msk $0xffff, v3  }
0xf9: {  	[tilespmem:s14+$0x3510] =	vst.add.f32.msk $0xffff, v3  }
0xfa: {  	[tilespmem:s14+$0x3520] =	vst.add.f32.msk $0xffff, v3  }
0xfb: {  	[tilespmem:s14+$0x3530] =	vst.add.f32.msk $0xffff, v3  }
.Ltmp0:
0xfc: {  	s2 =	sshrl.u32 s0, $0x3;
	[tilespmem:s14+$0x3540] =	vst.add.f32.msk $0xffff, v3;
	(pc) =	sbr.rel @p0 .LBB2_2-.Ltmp0, $4  }
0xfd: {  	s2 =	smul.u32 $0x6000, s2;
	[tilespmem:s14+$0x3550] =	vst.add.f32.msk $0xffff, v3  }
0xfe: {  	s15 =	sadd.s32 $0x80, s15;
	[tilespmem:s14+$0x3560] =	vst.add.f32.msk $0xffff, v3  }
0xff: {  	s31 =	sadd.s32 $0x80, s31;
	s16 =	sand.u32 $0x380, s15;
	s2 =	sshra.s32 s2, $0x2;
	[tilespmem:s14+$0x3570] =	vst.add.f32.msk $0xffff, v3  }
0x100: {  	s0 =	sadd.s32 $0x1, s0;
	s14 =	sor.u32 s16, s2;
	v4 =	vld [tilespmem:s31+$0x0]  }
0x101: {  	[tilespmem:s14+$0x2110] =	vst.add.f32.msk $0xffff, v3  }
0x102: {  	[tilespmem:s14+$0x2120] =	vst.add.f32.msk $0xffff, v3  }
0x103: {  	[tilespmem:s14+$0x2130] =	vst.add.f32.msk $0xffff, v3  }
0x104: {  	[tilespmem:s14+$0x2140] =	vst.add.f32.msk $0xffff, v3  }
0x105: {  	[tilespmem:s14+$0x2150] =	vst.add.f32.msk $0xffff, v3  }
0x106: {  	[tilespmem:s14+$0x2160] =	vst.add.f32.msk $0xffff, v3  }
0x107: {  	[tilespmem:s14+$0x2170] =	vst.add.f32.msk $0xffff, v3  }
0x108: {  	[tilespmem:s14+$0x2500] =	vst.add.f32.msk $0xffff, v3  }
0x109: {  	[tilespmem:s14+$0x2510] =	vst.add.f32.msk $0xffff, v3  }
0x10a: {  	[tilespmem:s14+$0x2520] =	vst.add.f32.msk $0xffff, v3  }
0x10b: {  	[tilespmem:s14+$0x2530] =	vst.add.f32.msk $0xffff, v3  }
0x10c: {  	[tilespmem:s14+$0x2540] =	vst.add.f32.msk $0xffff, v3  }
0x10d: {  	[tilespmem:s14+$0x2550] =	vst.add.f32.msk $0xffff, v3  }
0x10e: {  	[tilespmem:s14+$0x2560] =	vst.add.f32.msk $0xffff, v3  }
0x10f: {  	[tilespmem:s14+$0x2570] =	vst.add.f32.msk $0xffff, v3  }
0x110: {  	[tilespmem:s14+$0x2900] =	vst.add.f32.msk $0xffff, v3  }
0x111: {  	[tilespmem:s14+$0x2910] =	vst.add.f32.msk $0xffff, v3  }
0x112: {  	[tilespmem:s14+$0x2920] =	vst.add.f32.msk $0xffff, v3  }
0x113: {  	[tilespmem:s14+$0x2930] =	vst.add.f32.msk $0xffff, v3  }
0x114: {  	[tilespmem:s14+$0x2940] =	vst.add.f32.msk $0xffff, v3  }
0x115: {  	[tilespmem:s14+$0x2950] =	vst.add.f32.msk $0xffff, v3  }
0x116: {  	[tilespmem:s14+$0x2960] =	vst.add.f32.msk $0xffff, v3  }
0x117: {  	[tilespmem:s14+$0x2970] =	vst.add.f32.msk $0xffff, v3  }
0x118: {  	[tilespmem:s14+$0x2D00] =	vst.add.f32.msk $0xffff, v3  }
0x119: {  	[tilespmem:s14+$0x2D10] =	vst.add.f32.msk $0xffff, v3  }
0x11a: {  	[tilespmem:s14+$0x2D20] =	vst.add.f32.msk $0xffff, v3  }
0x11b: {  	[tilespmem:s14+$0x2D30] =	vst.add.f32.msk $0xffff, v3  }
0x11c: {  	[tilespmem:s14+$0x2D40] =	vst.add.f32.msk $0xffff, v3  }
0x11d: {  	[tilespmem:s14+$0x2D50] =	vst.add.f32.msk $0xffff, v3  }
0x11e: {  	[tilespmem:s14+$0x2D60] =	vst.add.f32.msk $0xffff, v3  }
0x11f: {  	[tilespmem:s14+$0x2D70] =	vst.add.f32.msk $0xffff, v3  }
0x120: {  	[tilespmem:s14+$0x3100] =	vst.add.f32.msk $0xffff, v3  }
0x121: {  	[tilespmem:s14+$0x3110] =	vst.add.f32.msk $0xffff, v3  }
0x122: {  	[tilespmem:s14+$0x3120] =	vst.add.f32.msk $0xffff, v3  }
0x123: {  	[tilespmem:s14+$0x3130] =	vst.add.f32.msk $0xffff, v3  }
0x124: {  	[tilespmem:s14+$0x3140] =	vst.add.f32.msk $0xffff, v3  }
0x125: {  	[tilespmem:s14+$0x3150] =	vst.add.f32.msk $0xffff, v3  }
0x126: {  	[tilespmem:s14+$0x3160] =	vst.add.f32.msk $0xffff, v3  }
0x127: {  	[tilespmem:s14+$0x3170] =	vst.add.f32.msk $0xffff, v3  }
0x128: {  	[tilespmem:s14+$0x3500] =	vst.add.f32.msk $0xffff, v3  }
0x129: {  	[tilespmem:s14+$0x3510] =	vst.add.f32.msk $0xffff, v3  }
0x12a: {  	[tilespmem:s14+$0x3520] =	vst.add.f32.msk $0xffff, v3  }
0x12b: {  	[tilespmem:s14+$0x3530] =	vst.add.f32.msk $0xffff, v3  }
0x12c: {  	[tilespmem:s14+$0x3540] =	vst.add.f32.msk $0xffff, v3  }
0x12d: {  	[tilespmem:s14+$0x3550] =	vst.add.f32.msk $0xffff, v3  }
0x12e: {  	[tilespmem:s14+$0x3560] =	vst.add.f32.msk $0xffff, v3  }
0x12f: {  	[tilespmem:s14+$0x3570] =	vst.add.f32.msk $0xffff, v3  }
0x130: {  	s31 =	simm.s32 $0x0;
	[tilespmem:s14+$0x2100] =	vst.add.f32.msk $0xffff, v4  }
0x131: {  	[hbm4b:s10+s31] =	stream.linear.scatter [tilespmem:s20], [sflag:$0x5], $0xC000, $0x38;
	[tilespmem:$0x1A100] =	vst v63  }
0x132: {  	_ =	swait.ge [sflag:s29], $0xC000  }
0x133: {  	[sflag:s29] =	ssyncset.done $0x0  }
0x134: {  	[sflag:s29] =	ssyncadd.s32 $0xFFFF4000  }
0x135: {  	v4 =	vld [tilespmem:$0x80];
	_ =	sdelay $0x4  }
0x136: {  	v5 =	vshrl.u32 v4, $0x3  }
0x137: {  	v5 =	vmul.u32 $0x30, v5  }
0x138: {  	v4 =	vand.u32 $0x7, v4  }
0x139: {  	v4 =	vor.u32 v4, v5  }
0x13a: {  	v5 =	vperm.xlane v4, v0;
	_ =	sdelay $0x1  }
0x13b: {  	v5 =	vadd.s32 v1, v5;
	_ =	sdelay $0x3  }
0x13c: {  	v4 =	vperm.xlane v4, v2  }
0x13d: {  	[tilespmem:s20], [sflag:$0x3] =	stream.indirect_vreg.gather [hbm4b:s1+s31], $0x80, v5, vm0, $0xb8;
	[tilespmem:$0x1A100] =	vst v63  }
0x13e: {  	s0 =	simm.s32 $0x2900;
	v4 =	vadd.s32 v1, v4  }
0x13f: {  	[tilespmem:s0], [sflag:$0x3] =	stream.indirect_vreg.gather [hbm4b:s9+s31], $0x80, v5, vm0, $0xb8;
	[tilespmem:$0x1A100] =	vst v63  }
0x140: {  	s2 =	simm.s32 $0x3100  }
0x141: {  	[tilespmem:s2], [sflag:$0x3] =	stream.indirect_vreg.gather [hbm4b:s11+s31], $0x80, v5, vm0, $0xb8;
	[tilespmem:$0x1A100] =	vst v63  }
0x142: {  	s14 =	simm.s32 $0x3900  }
0x143: {  	[tilespmem:s14], [sflag:$0x3] =	stream.indirect_vreg.gather [hbm4b:s1+s31], $0x80, v4, vm0, $0xb8;
	[tilespmem:$0x1A100] =	vst v63  }
0x144: {  	s15 =	simm.s32 $0x4100  }
0x145: {  	[tilespmem:s15], [sflag:$0x3] =	stream.indirect_vreg.gather [hbm4b:s9+s31], $0x80, v4, vm0, $0xb8;
	[tilespmem:$0x1A100] =	vst v63  }
0x146: {  	s16 =	simm.s32 $0x4900  }
0x147: {  	[tilespmem:s16], [sflag:$0x3] =	stream.indirect_vreg.gather [hbm4b:s11+s31], $0x80, v4, vm0, $0xb8;
	[tilespmem:$0x1A100] =	vst v63  }
0x148: {  	v4 =	vld [tilespmem:$0x90];
	_ =	sdelay $0x4  }
0x149: {  	v5 =	vshrl.u32 v4, $0x3  }
0x14a: {  	v5 =	vmul.u32 $0x30, v5  }
0x14b: {  	v4 =	vand.u32 $0x7, v4  }
0x14c: {  	v4 =	vor.u32 v4, v5  }
0x14d: {  	v5 =	vperm.xlane v4, v0;
	_ =	sdelay $0x1  }
0x14e: {  	v5 =	vadd.s32 v1, v5;
	_ =	sdelay $0x3  }
0x14f: {  	s2 =	simm.s32 $0x5100;
	v4 =	vperm.xlane v4, v2  }
0x150: {  	[tilespmem:s2], [sflag:$0x3] =	stream.indirect_vreg.gather [hbm4b:s1+s31], $0x80, v5, vm0, $0xb8;
	[tilespmem:$0x1A100] =	vst v63  }
0x151: {  	s14 =	simm.s32 $0x5900;
	v4 =	vadd.s32 v1, v4  }
0x152: {  	[tilespmem:s14], [sflag:$0x3] =	stream.indirect_vreg.gather [hbm4b:s9+s31], $0x80, v5, vm0, $0xb8;
	[tilespmem:$0x1A100] =	vst v63  }
0x153: {  	s15 =	simm.s32 $0x6100  }
0x154: {  	[tilespmem:s15], [sflag:$0x3] =	stream.indirect_vreg.gather [hbm4b:s11+s31], $0x80, v5, vm0, $0xb8;
	[tilespmem:$0x1A100] =	vst v63  }
0x155: {  	s16 =	simm.s32 $0x6900  }
0x156: {  	[tilespmem:s16], [sflag:$0x3] =	stream.indirect_vreg.gather [hbm4b:s1+s31], $0x80, v4, vm0, $0xb8;
	[tilespmem:$0x1A100] =	vst v63  }
0x157: {  	s2 =	simm.s32 $0x7100  }
0x158: {  	[tilespmem:s2], [sflag:$0x3] =	stream.indirect_vreg.gather [hbm4b:s9+s31], $0x80, v4, vm0, $0xb8;
	[tilespmem:$0x1A100] =	vst v63  }
0x159: {  	s14 =	simm.s32 $0x7900  }
0x15a: {  	[tilespmem:s14], [sflag:$0x3] =	stream.indirect_vreg.gather [hbm4b:s11+s31], $0x80, v4, vm0, $0xb8;
	[tilespmem:$0x1A100] =	vst v63  }
0x15b: {  	v4 =	vld [tilespmem:$0xA0];
	_ =	sdelay $0x4  }
0x15c: {  	v5 =	vshrl.u32 v4, $0x3  }
0x15d: {  	v5 =	vmul.u32 $0x30, v5  }
0x15e: {  	v4 =	vand.u32 $0x7, v4  }
0x15f: {  	v4 =	vor.u32 v4, v5  }
0x160: {  	v5 =	vperm.xlane v4, v0;
	_ =	sdelay $0x1  }
0x161: {  	v5 =	vadd.s32 v1, v5;
	_ =	sdelay $0x3  }
0x162: {  	s15 =	simm.s32 $0x8100;
	v4 =	vperm.xlane v4, v2  }
0x163: {  	[tilespmem:s15], [sflag:$0x3] =	stream.indirect_vreg.gather [hbm4b:s1+s31], $0x80, v5, vm0, $0xb8;
	[tilespmem:$0x1A100] =	vst v63  }
0x164: {  	s16 =	simm.s32 $0x8900;
	v4 =	vadd.s32 v1, v4  }
0x165: {  	[tilespmem:s16], [sflag:$0x3] =	stream.indirect_vreg.gather [hbm4b:s9+s31], $0x80, v5, vm0, $0xb8;
	[tilespmem:$0x1A100] =	vst v63  }
0x166: {  	s2 =	simm.s32 $0x9100  }
0x167: {  	[tilespmem:s2], [sflag:$0x3] =	stream.indirect_vreg.gather [hbm4b:s11+s31], $0x80, v5, vm0, $0xb8;
	[tilespmem:$0x1A100] =	vst v63  }
0x168: {  	s14 =	simm.s32 $0x9900  }
0x169: {  	[tilespmem:s14], [sflag:$0x3] =	stream.indirect_vreg.gather [hbm4b:s1+s31], $0x80, v4, vm0, $0xb8;
	[tilespmem:$0x1A100] =	vst v63  }
0x16a: {  	s15 =	simm.s32 $0xA100  }
0x16b: {  	[tilespmem:s15], [sflag:$0x3] =	stream.indirect_vreg.gather [hbm4b:s9+s31], $0x80, v4, vm0, $0xb8;
	[tilespmem:$0x1A100] =	vst v63  }
0x16c: {  	s16 =	simm.s32 $0xA900  }
0x16d: {  	[tilespmem:s16], [sflag:$0x3] =	stream.indirect_vreg.gather [hbm4b:s11+s31], $0x80, v4, vm0, $0xb8;
	[tilespmem:$0x1A100] =	vst v63  }
0x16e: {  	v4 =	vld [tilespmem:$0xB0];
	_ =	sdelay $0x4  }
0x16f: {  	v5 =	vshrl.u32 v4, $0x3  }
0x170: {  	v5 =	vmul.u32 $0x30, v5  }
0x171: {  	v4 =	vand.u32 $0x7, v4  }
0x172: {  	v4 =	vor.u32 v4, v5  }
0x173: {  	v5 =	vperm.xlane v4, v0;
	_ =	sdelay $0x1  }
0x174: {  	v5 =	vadd.s32 v1, v5;
	_ =	sdelay $0x3  }
0x175: {  	s2 =	simm.s32 $0xB100;
	v4 =	vperm.xlane v4, v2  }
0x176: {  	[tilespmem:s2], [sflag:$0x3] =	stream.indirect_vreg.gather [hbm4b:s1+s31], $0x80, v5, vm0, $0xb8;
	[tilespmem:$0x1A100] =	vst v63  }
0x177: {  	s14 =	simm.s32 $0xB900;
	v4 =	vadd.s32 v1, v4  }
0x178: {  	[tilespmem:s14], [sflag:$0x3] =	stream.indirect_vreg.gather [hbm4b:s9+s31], $0x80, v5, vm0, $0xb8;
	[tilespmem:$0x1A100] =	vst v63  }
0x179: {  	s15 =	simm.s32 $0xC100  }
0x17a: {  	[tilespmem:s15], [sflag:$0x3] =	stream.indirect_vreg.gather [hbm4b:s11+s31], $0x80, v5, vm0, $0xb8;
	[tilespmem:$0x1A100] =	vst v63  }
0x17b: {  	s16 =	simm.s32 $0xC900  }
0x17c: {  	[tilespmem:s16], [sflag:$0x3] =	stream.indirect_vreg.gather [hbm4b:s1+s31], $0x80, v4, vm0, $0xb8;
	[tilespmem:$0x1A100] =	vst v63  }
0x17d: {  	s2 =	simm.s32 $0xD100  }
0x17e: {  	[tilespmem:s2], [sflag:$0x3] =	stream.indirect_vreg.gather [hbm4b:s9+s31], $0x80, v4, vm0, $0xb8;
	[tilespmem:$0x1A100] =	vst v63  }
0x17f: {  	s14 =	simm.s32 $0xD900;
	s15 =	simm.s32 $0x0  }
0x180: {  	[tilespmem:s14], [sflag:$0x3] =	stream.indirect_vreg.gather [hbm4b:s11+s31], $0x80, v4, vm0, $0xb8;
	[tilespmem:$0x1A100] =	vst v63  }
0x181: {  	s2 =	smul.u32 $0x6000, s15;
	_ =	swait.ge [sflag:s12], $0xC000  }
0x182: {  	s0 =	simm.s32 $0x100;
	[sflag:s12] =	ssyncset.done $0x0  }
0x183: {  	s16 =	sand.u32 $0x380, s31;
	s2 =	sshra.s32 s2, $0x2;
	[sflag:s12] =	ssyncadd.s32 $0xFFFF4000  }
0x184: {  	s15 =	simm.s32 $0x1;
	s14 =	sor.u32 s16, s2;
	v4 =	vld [tilespmem:s0+$0x0]  }
.LBB2_4:
0x185: {  	p0 =	sne.s32 s15, $0x3F;
	[tilespmem:s14+$0xE110] =	vst.add.f32.msk $0xffff, v3  }
0x186: {  	[tilespmem:s14+$0xE120] =	vst.add.f32.msk $0xffff, v3  }
0x187: {  	[tilespmem:s14+$0xE130] =	vst.add.f32.msk $0xffff, v3  }
0x188: {  	[tilespmem:s14+$0xE140] =	vst.add.f32.msk $0xffff, v3  }
0x189: {  	[tilespmem:s14+$0xE100] =	vst.add.f32.msk $0xffff, v4  }
0x18a: {  	[tilespmem:s14+$0xE150] =	vst.add.f32.msk $0xffff, v3  }
0x18b: {  	[tilespmem:s14+$0xE160] =	vst.add.f32.msk $0xffff, v3  }
0x18c: {  	[tilespmem:s14+$0xE170] =	vst.add.f32.msk $0xffff, v3  }
0x18d: {  	[tilespmem:s14+$0xE500] =	vst.add.f32.msk $0xffff, v3  }
0x18e: {  	[tilespmem:s14+$0xE510] =	vst.add.f32.msk $0xffff, v3  }
0x18f: {  	[tilespmem:s14+$0xE520] =	vst.add.f32.msk $0xffff, v3  }
0x190: {  	[tilespmem:s14+$0xE530] =	vst.add.f32.msk $0xffff, v3  }
0x191: {  	[tilespmem:s14+$0xE540] =	vst.add.f32.msk $0xffff, v3  }
0x192: {  	[tilespmem:s14+$0xE550] =	vst.add.f32.msk $0xffff, v3  }
0x193: {  	[tilespmem:s14+$0xE560] =	vst.add.f32.msk $0xffff, v3  }
0x194: {  	[tilespmem:s14+$0xE570] =	vst.add.f32.msk $0xffff, v3  }
0x195: {  	[tilespmem:s14+$0xE900] =	vst.add.f32.msk $0xffff, v3  }
0x196: {  	[tilespmem:s14+$0xE910] =	vst.add.f32.msk $0xffff, v3  }
0x197: {  	[tilespmem:s14+$0xE920] =	vst.add.f32.msk $0xffff, v3  }
0x198: {  	[tilespmem:s14+$0xE930] =	vst.add.f32.msk $0xffff, v3  }
0x199: {  	[tilespmem:s14+$0xE940] =	vst.add.f32.msk $0xffff, v3  }
0x19a: {  	[tilespmem:s14+$0xE950] =	vst.add.f32.msk $0xffff, v3  }
0x19b: {  	[tilespmem:s14+$0xE960] =	vst.add.f32.msk $0xffff, v3  }
0x19c: {  	[tilespmem:s14+$0xE970] =	vst.add.f32.msk $0xffff, v3  }
0x19d: {  	[tilespmem:s14+$0xED00] =	vst.add.f32.msk $0xffff, v3  }
0x19e: {  	[tilespmem:s14+$0xED10] =	vst.add.f32.msk $0xffff, v3  }
0x19f: {  	[tilespmem:s14+$0xED20] =	vst.add.f32.msk $0xffff, v3  }
0x1a0: {  	[tilespmem:s14+$0xED30] =	vst.add.f32.msk $0xffff, v3  }
0x1a1: {  	[tilespmem:s14+$0xED40] =	vst.add.f32.msk $0xffff, v3  }
0x1a2: {  	[tilespmem:s14+$0xED50] =	vst.add.f32.msk $0xffff, v3  }
0x1a3: {  	[tilespmem:s14+$0xED60] =	vst.add.f32.msk $0xffff, v3  }
0x1a4: {  	[tilespmem:s14+$0xED70] =	vst.add.f32.msk $0xffff, v3  }
0x1a5: {  	[tilespmem:s14+$0xF100] =	vst.add.f32.msk $0xffff, v3  }
0x1a6: {  	[tilespmem:s14+$0xF110] =	vst.add.f32.msk $0xffff, v3  }
0x1a7: {  	[tilespmem:s14+$0xF120] =	vst.add.f32.msk $0xffff, v3  }
0x1a8: {  	[tilespmem:s14+$0xF130] =	vst.add.f32.msk $0xffff, v3  }
0x1a9: {  	[tilespmem:s14+$0xF140] =	vst.add.f32.msk $0xffff, v3  }
0x1aa: {  	[tilespmem:s14+$0xF150] =	vst.add.f32.msk $0xffff, v3  }
0x1ab: {  	[tilespmem:s14+$0xF160] =	vst.add.f32.msk $0xffff, v3  }
0x1ac: {  	[tilespmem:s14+$0xF170] =	vst.add.f32.msk $0xffff, v3  }
0x1ad: {  	[tilespmem:s14+$0xF500] =	vst.add.f32.msk $0xffff, v3  }
0x1ae: {  	[tilespmem:s14+$0xF510] =	vst.add.f32.msk $0xffff, v3  }
0x1af: {  	[tilespmem:s14+$0xF520] =	vst.add.f32.msk $0xffff, v3  }
0x1b0: {  	[tilespmem:s14+$0xF530] =	vst.add.f32.msk $0xffff, v3  }
.Ltmp1:
0x1b1: {  	s2 =	sshrl.u32 s15, $0x3;
	[tilespmem:s14+$0xF540] =	vst.add.f32.msk $0xffff, v3;
	(pc) =	sbr.rel @p0 .LBB2_4-.Ltmp1, $4  }
0x1b2: {  	s2 =	smul.u32 $0x6000, s2;
	[tilespmem:s14+$0xF550] =	vst.add.f32.msk $0xffff, v3  }
0x1b3: {  	s31 =	sadd.s32 $0x80, s31;
	[tilespmem:s14+$0xF560] =	vst.add.f32.msk $0xffff, v3  }
0x1b4: {  	s0 =	sadd.s32 $0x80, s0;
	s16 =	sand.u32 $0x380, s31;
	s2 =	sshra.s32 s2, $0x2;
	[tilespmem:s14+$0xF570] =	vst.add.f32.msk $0xffff, v3  }
0x1b5: {  	s15 =	sadd.s32 $0x1, s15;
	s14 =	sor.u32 s16, s2;
	v4 =	vld [tilespmem:s0+$0x0]  }
0x1b6: {  	[tilespmem:s14+$0xE110] =	vst.add.f32.msk $0xffff, v3  }
0x1b7: {  	[tilespmem:s14+$0xE120] =	vst.add.f32.msk $0xffff, v3  }
0x1b8: {  	[tilespmem:s14+$0xE130] =	vst.add.f32.msk $0xffff, v3  }
0x1b9: {  	[tilespmem:s14+$0xE140] =	vst.add.f32.msk $0xffff, v3  }
0x1ba: {  	[tilespmem:s14+$0xE150] =	vst.add.f32.msk $0xffff, v3  }
0x1bb: {  	[tilespmem:s14+$0xE160] =	vst.add.f32.msk $0xffff, v3  }
0x1bc: {  	[tilespmem:s14+$0xE170] =	vst.add.f32.msk $0xffff, v3  }
0x1bd: {  	[tilespmem:s14+$0xE500] =	vst.add.f32.msk $0xffff, v3  }
0x1be: {  	[tilespmem:s14+$0xE510] =	vst.add.f32.msk $0xffff, v3  }
0x1bf: {  	[tilespmem:s14+$0xE520] =	vst.add.f32.msk $0xffff, v3  }
0x1c0: {  	[tilespmem:s14+$0xE530] =	vst.add.f32.msk $0xffff, v3  }
0x1c1: {  	[tilespmem:s14+$0xE540] =	vst.add.f32.msk $0xffff, v3  }
0x1c2: {  	[tilespmem:s14+$0xE550] =	vst.add.f32.msk $0xffff, v3  }
0x1c3: {  	[tilespmem:s14+$0xE560] =	vst.add.f32.msk $0xffff, v3  }
0x1c4: {  	[tilespmem:s14+$0xE570] =	vst.add.f32.msk $0xffff, v3  }
0x1c5: {  	[tilespmem:s14+$0xE900] =	vst.add.f32.msk $0xffff, v3  }
0x1c6: {  	[tilespmem:s14+$0xE910] =	vst.add.f32.msk $0xffff, v3  }
0x1c7: {  	[tilespmem:s14+$0xE920] =	vst.add.f32.msk $0xffff, v3  }
0x1c8: {  	[tilespmem:s14+$0xE930] =	vst.add.f32.msk $0xffff, v3  }
0x1c9: {  	[tilespmem:s14+$0xE940] =	vst.add.f32.msk $0xffff, v3  }
0x1ca: {  	[tilespmem:s14+$0xE950] =	vst.add.f32.msk $0xffff, v3  }
0x1cb: {  	[tilespmem:s14+$0xE960] =	vst.add.f32.msk $0xffff, v3  }
0x1cc: {  	[tilespmem:s14+$0xE970] =	vst.add.f32.msk $0xffff, v3  }
0x1cd: {  	[tilespmem:s14+$0xED00] =	vst.add.f32.msk $0xffff, v3  }
0x1ce: {  	[tilespmem:s14+$0xED10] =	vst.add.f32.msk $0xffff, v3  }
0x1cf: {  	[tilespmem:s14+$0xED20] =	vst.add.f32.msk $0xffff, v3  }
0x1d0: {  	[tilespmem:s14+$0xED30] =	vst.add.f32.msk $0xffff, v3  }
0x1d1: {  	[tilespmem:s14+$0xED40] =	vst.add.f32.msk $0xffff, v3  }
0x1d2: {  	[tilespmem:s14+$0xED50] =	vst.add.f32.msk $0xffff, v3  }
0x1d3: {  	[tilespmem:s14+$0xED60] =	vst.add.f32.msk $0xffff, v3  }
0x1d4: {  	[tilespmem:s14+$0xED70] =	vst.add.f32.msk $0xffff, v3  }
0x1d5: {  	[tilespmem:s14+$0xF100] =	vst.add.f32.msk $0xffff, v3  }
0x1d6: {  	[tilespmem:s14+$0xF110] =	vst.add.f32.msk $0xffff, v3  }
0x1d7: {  	[tilespmem:s14+$0xF120] =	vst.add.f32.msk $0xffff, v3  }
0x1d8: {  	[tilespmem:s14+$0xF130] =	vst.add.f32.msk $0xffff, v3  }
0x1d9: {  	[tilespmem:s14+$0xF140] =	vst.add.f32.msk $0xffff, v3  }
0x1da: {  	[tilespmem:s14+$0xF150] =	vst.add.f32.msk $0xffff, v3  }
0x1db: {  	[tilespmem:s14+$0xF160] =	vst.add.f32.msk $0xffff, v3  }
0x1dc: {  	[tilespmem:s14+$0xF170] =	vst.add.f32.msk $0xffff, v3  }
0x1dd: {  	[tilespmem:s14+$0xF500] =	vst.add.f32.msk $0xffff, v3  }
0x1de: {  	[tilespmem:s14+$0xF510] =	vst.add.f32.msk $0xffff, v3  }
0x1df: {  	[tilespmem:s14+$0xF520] =	vst.add.f32.msk $0xffff, v3  }
0x1e0: {  	[tilespmem:s14+$0xF530] =	vst.add.f32.msk $0xffff, v3  }
0x1e1: {  	[tilespmem:s14+$0xF540] =	vst.add.f32.msk $0xffff, v3  }
0x1e2: {  	[tilespmem:s14+$0xF550] =	vst.add.f32.msk $0xffff, v3  }
0x1e3: {  	[tilespmem:s14+$0xF560] =	vst.add.f32.msk $0xffff, v3  }
0x1e4: {  	[tilespmem:s14+$0xF570] =	vst.add.f32.msk $0xffff, v3  }
0x1e5: {  	s31 =	simm.s32 $0x0;
	s0 =	rddreg [dreg:$0xa];
	[tilespmem:s14+$0xE100] =	vst.add.f32.msk $0xffff, v4  }
0x1e6: {  	[hbm4b:s0+s31] =	stream.linear.scatter [tilespmem:s25], [sflag:$0x6], $0xC000, $0x38;
	[tilespmem:$0x1A100] =	vst v63  }
0x1e7: {  	_ =	swait.ge [sflag:s30], $0xC000  }
0x1e8: {  	[sflag:s30] =	ssyncset.done $0x0  }
0x1e9: {  	[sflag:s30] =	ssyncadd.s32 $0xFFFF4000  }
0x1ea: {  	v4 =	vld [tilespmem:$0xC0];
	_ =	sdelay $0x4  }
0x1eb: {  	v5 =	vshrl.u32 v4, $0x3  }
0x1ec: {  	v5 =	vmul.u32 $0x30, v5  }
0x1ed: {  	v4 =	vand.u32 $0x7, v4  }
0x1ee: {  	v4 =	vor.u32 v4, v5  }
0x1ef: {  	v5 =	vperm.xlane v4, v0;
	_ =	sdelay $0x1  }
0x1f0: {  	v5 =	vadd.s32 v1, v5;
	_ =	sdelay $0x3  }
0x1f1: {  	v4 =	vperm.xlane v4, v2  }
0x1f2: {  	[tilespmem:s25], [sflag:$0x4] =	stream.indirect_vreg.gather [hbm4b:s1+s31], $0x80, v5, vm0, $0xb8;
	[tilespmem:$0x1A100] =	vst v63  }
0x1f3: {  	s15 =	simm.s32 $0xE900;
	v4 =	vadd.s32 v1, v4  }
0x1f4: {  	[tilespmem:s15], [sflag:$0x4] =	stream.indirect_vreg.gather [hbm4b:s9+s31], $0x80, v5, vm0, $0xb8;
	[tilespmem:$0x1A100] =	vst v63  }
0x1f5: {  	s16 =	simm.s32 $0xF100  }
0x1f6: {  	[tilespmem:s16], [sflag:$0x4] =	stream.indirect_vreg.gather [hbm4b:s11+s31], $0x80, v5, vm0, $0xb8;
	[tilespmem:$0x1A100] =	vst v63  }
0x1f7: {  	s2 =	simm.s32 $0xF900  }
0x1f8: {  	[tilespmem:s2], [sflag:$0x4] =	stream.indirect_vreg.gather [hbm4b:s1+s31], $0x80, v4, vm0, $0xb8;
	[tilespmem:$0x1A100] =	vst v63  }
0x1f9: {  	s14 =	simm.s32 $0x10100  }
0x1fa: {  	[tilespmem:s14], [sflag:$0x4] =	stream.indirect_vreg.gather [hbm4b:s9+s31], $0x80, v4, vm0, $0xb8;
	[tilespmem:$0x1A100] =	vst v63  }
0x1fb: {  	s15 =	simm.s32 $0x10900  }
0x1fc: {  	[tilespmem:s15], [sflag:$0x4] =	stream.indirect_vreg.gather [hbm4b:s11+s31], $0x80, v4, vm0, $0xb8;
	[tilespmem:$0x1A100] =	vst v63  }
0x1fd: {  	v4 =	vld [tilespmem:$0xD0];
	_ =	sdelay $0x4  }
0x1fe: {  	v5 =	vshrl.u32 v4, $0x3  }
0x1ff: {  	v5 =	vmul.u32 $0x30, v5  }
0x200: {  	v4 =	vand.u32 $0x7, v4  }
0x201: {  	v4 =	vor.u32 v4, v5  }
0x202: {  	v5 =	vperm.xlane v4, v0;
	_ =	sdelay $0x1  }
0x203: {  	v5 =	vadd.s32 v1, v5;
	_ =	sdelay $0x3  }
0x204: {  	s16 =	simm.s32 $0x11100;
	v4 =	vperm.xlane v4, v2  }
0x205: {  	[tilespmem:s16], [sflag:$0x4] =	stream.indirect_vreg.gather [hbm4b:s1+s31], $0x80, v5, vm0, $0xb8;
	[tilespmem:$0x1A100] =	vst v63  }
0x206: {  	s2 =	simm.s32 $0x11900;
	v4 =	vadd.s32 v1, v4  }
0x207: {  	[tilespmem:s2], [sflag:$0x4] =	stream.indirect_vreg.gather [hbm4b:s9+s31], $0x80, v5, vm0, $0xb8;
	[tilespmem:$0x1A100] =	vst v63  }
0x208: {  	s14 =	simm.s32 $0x12100  }
0x209: {  	[tilespmem:s14], [sflag:$0x4] =	stream.indirect_vreg.gather [hbm4b:s11+s31], $0x80, v5, vm0, $0xb8;
	[tilespmem:$0x1A100] =	vst v63  }
0x20a: {  	s15 =	simm.s32 $0x12900  }
0x20b: {  	[tilespmem:s15], [sflag:$0x4] =	stream.indirect_vreg.gather [hbm4b:s1+s31], $0x80, v4, vm0, $0xb8;
	[tilespmem:$0x1A100] =	vst v63  }
0x20c: {  	s16 =	simm.s32 $0x13100  }
0x20d: {  	[tilespmem:s16], [sflag:$0x4] =	stream.indirect_vreg.gather [hbm4b:s9+s31], $0x80, v4, vm0, $0xb8;
	[tilespmem:$0x1A100] =	vst v63  }
0x20e: {  	s2 =	simm.s32 $0x13900  }
0x20f: {  	[tilespmem:s2], [sflag:$0x4] =	stream.indirect_vreg.gather [hbm4b:s11+s31], $0x80, v4, vm0, $0xb8;
	[tilespmem:$0x1A100] =	vst v63  }
0x210: {  	v4 =	vld [tilespmem:$0xE0];
	_ =	sdelay $0x4  }
0x211: {  	v5 =	vshrl.u32 v4, $0x3  }
0x212: {  	v5 =	vmul.u32 $0x30, v5  }
0x213: {  	v4 =	vand.u32 $0x7, v4  }
0x214: {  	v4 =	vor.u32 v4, v5  }
0x215: {  	v5 =	vperm.xlane v4, v0;
	_ =	sdelay $0x1  }
0x216: {  	v5 =	vadd.s32 v1, v5;
	_ =	sdelay $0x3  }
0x217: {  	s14 =	simm.s32 $0x14100;
	v4 =	vperm.xlane v4, v2  }
0x218: {  	[tilespmem:s14], [sflag:$0x4] =	stream.indirect_vreg.gather [hbm4b:s1+s31], $0x80, v5, vm0, $0xb8;
	[tilespmem:$0x1A100] =	vst v63  }
0x219: {  	v4 =	vadd.s32 v1, v4  }
0x21a: {  	[tilespmem:s17], [sflag:$0x4] =	stream.indirect_vreg.gather [hbm4b:s9+s31], $0x80, v5, vm0, $0xb8;
	[tilespmem:$0x1A100] =	vst v63  }
0x21b: {  	_ = 	snop  }
0x21c: {  	[tilespmem:s18], [sflag:$0x4] =	stream.indirect_vreg.gather [hbm4b:s11+s31], $0x80, v5, vm0, $0xb8;
	[tilespmem:$0x1A100] =	vst v63  }
0x21d: {  	_ = 	snop  }
0x21e: {  	[tilespmem:s21], [sflag:$0x4] =	stream.indirect_vreg.gather [hbm4b:s1+s31], $0x80, v4, vm0, $0xb8;
	[tilespmem:$0x1A100] =	vst v63  }
0x21f: {  	_ = 	snop  }
0x220: {  	[tilespmem:s5], [sflag:$0x4] =	stream.indirect_vreg.gather [hbm4b:s9+s31], $0x80, v4, vm0, $0xb8;
	[tilespmem:$0x1A100] =	vst v63  }
0x221: {  	_ = 	snop  }
0x222: {  	[tilespmem:s22], [sflag:$0x4] =	stream.indirect_vreg.gather [hbm4b:s11+s31], $0x80, v4, vm0, $0xb8;
	[tilespmem:$0x1A100] =	vst v63  }
0x223: {  	v4 =	vld [tilespmem:$0xF0];
	_ =	sdelay $0x4  }
0x224: {  	v5 =	vshrl.u32 v4, $0x3  }
0x225: {  	v5 =	vmul.u32 $0x30, v5  }
0x226: {  	v4 =	vand.u32 $0x7, v4  }
0x227: {  	v4 =	vor.u32 v4, v5  }
0x228: {  	v5 =	vperm.xlane v4, v0;
	_ =	sdelay $0x1  }
0x229: {  	v5 =	vadd.s32 v1, v5;
	_ =	sdelay $0x3  }
0x22a: {  	v4 =	vperm.xlane v4, v2  }
0x22b: {  	[tilespmem:s6], [sflag:$0x4] =	stream.indirect_vreg.gather [hbm4b:s1+s31], $0x80, v5, vm0, $0xb8;
	[tilespmem:$0x1A100] =	vst v63  }
0x22c: {  	v4 =	vadd.s32 v1, v4  }
0x22d: {  	[tilespmem:s23], [sflag:$0x4] =	stream.indirect_vreg.gather [hbm4b:s9+s31], $0x80, v5, vm0, $0xb8;
	[tilespmem:$0x1A100] =	vst v63  }
0x22e: {  	_ = 	snop  }
0x22f: {  	[tilespmem:s7], [sflag:$0x4] =	stream.indirect_vreg.gather [hbm4b:s11+s31], $0x80, v5, vm0, $0xb8;
	[tilespmem:$0x1A100] =	vst v63  }
0x230: {  	_ = 	snop  }
0x231: {  	[tilespmem:s24], [sflag:$0x4] =	stream.indirect_vreg.gather [hbm4b:s1+s31], $0x80, v4, vm0, $0xb8;
	[tilespmem:$0x1A100] =	vst v63  }
0x232: {  	_ = 	snop  }
0x233: {  	[tilespmem:s8], [sflag:$0x4] =	stream.indirect_vreg.gather [hbm4b:s9+s31], $0x80, v4, vm0, $0xb8;
	[tilespmem:$0x1A100] =	vst v63  }
0x234: {  	s15 =	simm.s32 $0x0  }
0x235: {  	[tilespmem:s26], [sflag:$0x4] =	stream.indirect_vreg.gather [hbm4b:s11+s31], $0x80, v4, vm0, $0xb8;
	[tilespmem:$0x1A100] =	vst v63  }
0x236: {  	s2 =	smul.u32 $0x6000, s15;
	_ =	swait.ge [sflag:s28], $0xC000  }
0x237: {  	s0 =	simm.s32 $0x100;
	[sflag:s28] =	ssyncset.done $0x0  }
0x238: {  	s16 =	sand.u32 $0x380, s31;
	s2 =	sshra.s32 s2, $0x2;
	[sflag:s28] =	ssyncadd.s32 $0xFFFF4000  }
0x239: {  	s15 =	simm.s32 $0x1;
	s14 =	sor.u32 s16, s2;
	v4 =	vld [tilespmem:s0+$0x0]  }
.LBB2_6:
0x23a: {  	p0 =	sne.s32 s15, $0x3F;
	[tilespmem:s14+$0x2110] =	vst.add.f32.msk $0xffff, v3  }
0x23b: {  	[tilespmem:s14+$0x2120] =	vst.add.f32.msk $0xffff, v3  }
0x23c: {  	[tilespmem:s14+$0x2130] =	vst.add.f32.msk $0xffff, v3  }
0x23d: {  	[tilespmem:s14+$0x2140] =	vst.add.f32.msk $0xffff, v3  }
0x23e: {  	[tilespmem:s14+$0x2100] =	vst.add.f32.msk $0xffff, v4  }
0x23f: {  	[tilespmem:s14+$0x2150] =	vst.add.f32.msk $0xffff, v3  }
0x240: {  	[tilespmem:s14+$0x2160] =	vst.add.f32.msk $0xffff, v3  }
0x241: {  	[tilespmem:s14+$0x2170] =	vst.add.f32.msk $0xffff, v3  }
0x242: {  	[tilespmem:s14+$0x2500] =	vst.add.f32.msk $0xffff, v3  }
0x243: {  	[tilespmem:s14+$0x2510] =	vst.add.f32.msk $0xffff, v3  }
0x244: {  	[tilespmem:s14+$0x2520] =	vst.add.f32.msk $0xffff, v3  }
0x245: {  	[tilespmem:s14+$0x2530] =	vst.add.f32.msk $0xffff, v3  }
0x246: {  	[tilespmem:s14+$0x2540] =	vst.add.f32.msk $0xffff, v3  }
0x247: {  	[tilespmem:s14+$0x2550] =	vst.add.f32.msk $0xffff, v3  }
0x248: {  	[tilespmem:s14+$0x2560] =	vst.add.f32.msk $0xffff, v3  }
0x249: {  	[tilespmem:s14+$0x2570] =	vst.add.f32.msk $0xffff, v3  }
0x24a: {  	[tilespmem:s14+$0x2900] =	vst.add.f32.msk $0xffff, v3  }
0x24b: {  	[tilespmem:s14+$0x2910] =	vst.add.f32.msk $0xffff, v3  }
0x24c: {  	[tilespmem:s14+$0x2920] =	vst.add.f32.msk $0xffff, v3  }
0x24d: {  	[tilespmem:s14+$0x2930] =	vst.add.f32.msk $0xffff, v3  }
0x24e: {  	[tilespmem:s14+$0x2940] =	vst.add.f32.msk $0xffff, v3  }
0x24f: {  	[tilespmem:s14+$0x2950] =	vst.add.f32.msk $0xffff, v3  }
0x250: {  	[tilespmem:s14+$0x2960] =	vst.add.f32.msk $0xffff, v3  }
0x251: {  	[tilespmem:s14+$0x2970] =	vst.add.f32.msk $0xffff, v3  }
0x252: {  	[tilespmem:s14+$0x2D00] =	vst.add.f32.msk $0xffff, v3  }
0x253: {  	[tilespmem:s14+$0x2D10] =	vst.add.f32.msk $0xffff, v3  }
0x254: {  	[tilespmem:s14+$0x2D20] =	vst.add.f32.msk $0xffff, v3  }
0x255: {  	[tilespmem:s14+$0x2D30] =	vst.add.f32.msk $0xffff, v3  }
0x256: {  	[tilespmem:s14+$0x2D40] =	vst.add.f32.msk $0xffff, v3  }
0x257: {  	[tilespmem:s14+$0x2D50] =	vst.add.f32.msk $0xffff, v3  }
0x258: {  	[tilespmem:s14+$0x2D60] =	vst.add.f32.msk $0xffff, v3  }
0x259: {  	[tilespmem:s14+$0x2D70] =	vst.add.f32.msk $0xffff, v3  }
0x25a: {  	[tilespmem:s14+$0x3100] =	vst.add.f32.msk $0xffff, v3  }
0x25b: {  	[tilespmem:s14+$0x3110] =	vst.add.f32.msk $0xffff, v3  }
0x25c: {  	[tilespmem:s14+$0x3120] =	vst.add.f32.msk $0xffff, v3  }
0x25d: {  	[tilespmem:s14+$0x3130] =	vst.add.f32.msk $0xffff, v3  }
0x25e: {  	[tilespmem:s14+$0x3140] =	vst.add.f32.msk $0xffff, v3  }
0x25f: {  	[tilespmem:s14+$0x3150] =	vst.add.f32.msk $0xffff, v3  }
0x260: {  	[tilespmem:s14+$0x3160] =	vst.add.f32.msk $0xffff, v3  }
0x261: {  	[tilespmem:s14+$0x3170] =	vst.add.f32.msk $0xffff, v3  }
0x262: {  	[tilespmem:s14+$0x3500] =	vst.add.f32.msk $0xffff, v3  }
0x263: {  	[tilespmem:s14+$0x3510] =	vst.add.f32.msk $0xffff, v3  }
0x264: {  	[tilespmem:s14+$0x3520] =	vst.add.f32.msk $0xffff, v3  }
0x265: {  	[tilespmem:s14+$0x3530] =	vst.add.f32.msk $0xffff, v3  }
.Ltmp2:
0x266: {  	s2 =	sshrl.u32 s15, $0x3;
	[tilespmem:s14+$0x3540] =	vst.add.f32.msk $0xffff, v3;
	(pc) =	sbr.rel @p0 .LBB2_6-.Ltmp2, $4  }
0x267: {  	s2 =	smul.u32 $0x6000, s2;
	[tilespmem:s14+$0x3550] =	vst.add.f32.msk $0xffff, v3  }
0x268: {  	s31 =	sadd.s32 $0x80, s31;
	[tilespmem:s14+$0x3560] =	vst.add.f32.msk $0xffff, v3  }
0x269: {  	s0 =	sadd.s32 $0x80, s0;
	s16 =	sand.u32 $0x380, s31;
	s2 =	sshra.s32 s2, $0x2;
	[tilespmem:s14+$0x3570] =	vst.add.f32.msk $0xffff, v3  }
0x26a: {  	s15 =	sadd.s32 $0x1, s15;
	s14 =	sor.u32 s16, s2;
	v4 =	vld [tilespmem:s0+$0x0]  }
0x26b: {  	[tilespmem:s14+$0x2110] =	vst.add.f32.msk $0xffff, v3  }
0x26c: {  	[tilespmem:s14+$0x2120] =	vst.add.f32.msk $0xffff, v3  }
0x26d: {  	[tilespmem:s14+$0x2130] =	vst.add.f32.msk $0xffff, v3  }
0x26e: {  	[tilespmem:s14+$0x2140] =	vst.add.f32.msk $0xffff, v3  }
0x26f: {  	[tilespmem:s14+$0x2150] =	vst.add.f32.msk $0xffff, v3  }
0x270: {  	[tilespmem:s14+$0x2160] =	vst.add.f32.msk $0xffff, v3  }
0x271: {  	[tilespmem:s14+$0x2170] =	vst.add.f32.msk $0xffff, v3  }
0x272: {  	[tilespmem:s14+$0x2500] =	vst.add.f32.msk $0xffff, v3  }
0x273: {  	[tilespmem:s14+$0x2510] =	vst.add.f32.msk $0xffff, v3  }
0x274: {  	[tilespmem:s14+$0x2520] =	vst.add.f32.msk $0xffff, v3  }
0x275: {  	[tilespmem:s14+$0x2530] =	vst.add.f32.msk $0xffff, v3  }
0x276: {  	[tilespmem:s14+$0x2540] =	vst.add.f32.msk $0xffff, v3  }
0x277: {  	[tilespmem:s14+$0x2550] =	vst.add.f32.msk $0xffff, v3  }
0x278: {  	[tilespmem:s14+$0x2560] =	vst.add.f32.msk $0xffff, v3  }
0x279: {  	[tilespmem:s14+$0x2570] =	vst.add.f32.msk $0xffff, v3  }
0x27a: {  	[tilespmem:s14+$0x2900] =	vst.add.f32.msk $0xffff, v3  }
0x27b: {  	[tilespmem:s14+$0x2910] =	vst.add.f32.msk $0xffff, v3  }
0x27c: {  	[tilespmem:s14+$0x2920] =	vst.add.f32.msk $0xffff, v3  }
0x27d: {  	[tilespmem:s14+$0x2930] =	vst.add.f32.msk $0xffff, v3  }
0x27e: {  	[tilespmem:s14+$0x2940] =	vst.add.f32.msk $0xffff, v3  }
0x27f: {  	[tilespmem:s14+$0x2950] =	vst.add.f32.msk $0xffff, v3  }
0x280: {  	[tilespmem:s14+$0x2960] =	vst.add.f32.msk $0xffff, v3  }
0x281: {  	[tilespmem:s14+$0x2970] =	vst.add.f32.msk $0xffff, v3  }
0x282: {  	[tilespmem:s14+$0x2D00] =	vst.add.f32.msk $0xffff, v3  }
0x283: {  	[tilespmem:s14+$0x2D10] =	vst.add.f32.msk $0xffff, v3  }
0x284: {  	[tilespmem:s14+$0x2D20] =	vst.add.f32.msk $0xffff, v3  }
0x285: {  	[tilespmem:s14+$0x2D30] =	vst.add.f32.msk $0xffff, v3  }
0x286: {  	[tilespmem:s14+$0x2D40] =	vst.add.f32.msk $0xffff, v3  }
0x287: {  	[tilespmem:s14+$0x2D50] =	vst.add.f32.msk $0xffff, v3  }
0x288: {  	[tilespmem:s14+$0x2D60] =	vst.add.f32.msk $0xffff, v3  }
0x289: {  	[tilespmem:s14+$0x2D70] =	vst.add.f32.msk $0xffff, v3  }
0x28a: {  	[tilespmem:s14+$0x3100] =	vst.add.f32.msk $0xffff, v3  }
0x28b: {  	[tilespmem:s14+$0x3110] =	vst.add.f32.msk $0xffff, v3  }
0x28c: {  	[tilespmem:s14+$0x3120] =	vst.add.f32.msk $0xffff, v3  }
0x28d: {  	[tilespmem:s14+$0x3130] =	vst.add.f32.msk $0xffff, v3  }
0x28e: {  	[tilespmem:s14+$0x3140] =	vst.add.f32.msk $0xffff, v3  }
0x28f: {  	[tilespmem:s14+$0x3150] =	vst.add.f32.msk $0xffff, v3  }
0x290: {  	[tilespmem:s14+$0x3160] =	vst.add.f32.msk $0xffff, v3  }
0x291: {  	[tilespmem:s14+$0x3170] =	vst.add.f32.msk $0xffff, v3  }
0x292: {  	[tilespmem:s14+$0x3500] =	vst.add.f32.msk $0xffff, v3  }
0x293: {  	[tilespmem:s14+$0x3510] =	vst.add.f32.msk $0xffff, v3  }
0x294: {  	[tilespmem:s14+$0x3520] =	vst.add.f32.msk $0xffff, v3  }
0x295: {  	[tilespmem:s14+$0x3530] =	vst.add.f32.msk $0xffff, v3  }
0x296: {  	[tilespmem:s14+$0x3540] =	vst.add.f32.msk $0xffff, v3  }
0x297: {  	[tilespmem:s14+$0x3550] =	vst.add.f32.msk $0xffff, v3  }
0x298: {  	[tilespmem:s14+$0x3560] =	vst.add.f32.msk $0xffff, v3  }
0x299: {  	[tilespmem:s14+$0x3570] =	vst.add.f32.msk $0xffff, v3  }
0x29a: {  	s31 =	simm.s32 $0x0;
	s0 =	rddreg [dreg:$0xb];
	s15 =	simm.s32 $0x0;
	[tilespmem:s14+$0x2100] =	vst.add.f32.msk $0xffff, v4  }
0x29b: {  	[hbm4b:s0+s31] =	stream.linear.scatter [tilespmem:s20], [sflag:$0x5], $0xC000, $0x38;
	[tilespmem:$0x1A100] =	vst v63  }
0x29c: {  	s2 =	smul.u32 $0x6000, s15;
	_ =	swait.ge [sflag:s12], $0xC000  }
0x29d: {  	s16 =	sand.u32 $0x380, s31;
	[sflag:s12] =	ssyncset.done $0x0  }
0x29e: {  	s2 =	sshra.s32 s2, $0x2;
	s0 =	simm.s32 $0x100;
	[sflag:s12] =	ssyncadd.s32 $0xFFFF4000  }
0x29f: {  	s15 =	simm.s32 $0x1;
	s14 =	sor.u32 s16, s2;
	v4 =	vld [tilespmem:s0+$0x0]  }
.LBB2_8:
0x2a0: {  	p0 =	sne.s32 s15, $0x3F;
	[tilespmem:s14+$0xE110] =	vst.add.f32.msk $0xffff, v3  }
0x2a1: {  	[tilespmem:s14+$0xE120] =	vst.add.f32.msk $0xffff, v3  }
0x2a2: {  	[tilespmem:s14+$0xE130] =	vst.add.f32.msk $0xffff, v3  }
0x2a3: {  	[tilespmem:s14+$0xE140] =	vst.add.f32.msk $0xffff, v3  }
0x2a4: {  	[tilespmem:s14+$0xE100] =	vst.add.f32.msk $0xffff, v4  }
0x2a5: {  	[tilespmem:s14+$0xE150] =	vst.add.f32.msk $0xffff, v3  }
0x2a6: {  	[tilespmem:s14+$0xE160] =	vst.add.f32.msk $0xffff, v3  }
0x2a7: {  	[tilespmem:s14+$0xE170] =	vst.add.f32.msk $0xffff, v3  }
0x2a8: {  	[tilespmem:s14+$0xE500] =	vst.add.f32.msk $0xffff, v3  }
0x2a9: {  	[tilespmem:s14+$0xE510] =	vst.add.f32.msk $0xffff, v3  }
0x2aa: {  	[tilespmem:s14+$0xE520] =	vst.add.f32.msk $0xffff, v3  }
0x2ab: {  	[tilespmem:s14+$0xE530] =	vst.add.f32.msk $0xffff, v3  }
0x2ac: {  	[tilespmem:s14+$0xE540] =	vst.add.f32.msk $0xffff, v3  }
0x2ad: {  	[tilespmem:s14+$0xE550] =	vst.add.f32.msk $0xffff, v3  }
0x2ae: {  	[tilespmem:s14+$0xE560] =	vst.add.f32.msk $0xffff, v3  }
0x2af: {  	[tilespmem:s14+$0xE570] =	vst.add.f32.msk $0xffff, v3  }
0x2b0: {  	[tilespmem:s14+$0xE900] =	vst.add.f32.msk $0xffff, v3  }
0x2b1: {  	[tilespmem:s14+$0xE910] =	vst.add.f32.msk $0xffff, v3  }
0x2b2: {  	[tilespmem:s14+$0xE920] =	vst.add.f32.msk $0xffff, v3  }
0x2b3: {  	[tilespmem:s14+$0xE930] =	vst.add.f32.msk $0xffff, v3  }
0x2b4: {  	[tilespmem:s14+$0xE940] =	vst.add.f32.msk $0xffff, v3  }
0x2b5: {  	[tilespmem:s14+$0xE950] =	vst.add.f32.msk $0xffff, v3  }
0x2b6: {  	[tilespmem:s14+$0xE960] =	vst.add.f32.msk $0xffff, v3  }
0x2b7: {  	[tilespmem:s14+$0xE970] =	vst.add.f32.msk $0xffff, v3  }
0x2b8: {  	[tilespmem:s14+$0xED00] =	vst.add.f32.msk $0xffff, v3  }
0x2b9: {  	[tilespmem:s14+$0xED10] =	vst.add.f32.msk $0xffff, v3  }
0x2ba: {  	[tilespmem:s14+$0xED20] =	vst.add.f32.msk $0xffff, v3  }
0x2bb: {  	[tilespmem:s14+$0xED30] =	vst.add.f32.msk $0xffff, v3  }
0x2bc: {  	[tilespmem:s14+$0xED40] =	vst.add.f32.msk $0xffff, v3  }
0x2bd: {  	[tilespmem:s14+$0xED50] =	vst.add.f32.msk $0xffff, v3  }
0x2be: {  	[tilespmem:s14+$0xED60] =	vst.add.f32.msk $0xffff, v3  }
0x2bf: {  	[tilespmem:s14+$0xED70] =	vst.add.f32.msk $0xffff, v3  }
0x2c0: {  	[tilespmem:s14+$0xF100] =	vst.add.f32.msk $0xffff, v3  }
0x2c1: {  	[tilespmem:s14+$0xF110] =	vst.add.f32.msk $0xffff, v3  }
0x2c2: {  	[tilespmem:s14+$0xF120] =	vst.add.f32.msk $0xffff, v3  }
0x2c3: {  	[tilespmem:s14+$0xF130] =	vst.add.f32.msk $0xffff, v3  }
0x2c4: {  	[tilespmem:s14+$0xF140] =	vst.add.f32.msk $0xffff, v3  }
0x2c5: {  	[tilespmem:s14+$0xF150] =	vst.add.f32.msk $0xffff, v3  }
0x2c6: {  	[tilespmem:s14+$0xF160] =	vst.add.f32.msk $0xffff, v3  }
0x2c7: {  	[tilespmem:s14+$0xF170] =	vst.add.f32.msk $0xffff, v3  }
0x2c8: {  	[tilespmem:s14+$0xF500] =	vst.add.f32.msk $0xffff, v3  }
0x2c9: {  	[tilespmem:s14+$0xF510] =	vst.add.f32.msk $0xffff, v3  }
0x2ca: {  	[tilespmem:s14+$0xF520] =	vst.add.f32.msk $0xffff, v3  }
0x2cb: {  	[tilespmem:s14+$0xF530] =	vst.add.f32.msk $0xffff, v3  }
.Ltmp3:
0x2cc: {  	s2 =	sshrl.u32 s15, $0x3;
	[tilespmem:s14+$0xF540] =	vst.add.f32.msk $0xffff, v3;
	(pc) =	sbr.rel @p0 .LBB2_8-.Ltmp3, $4  }
0x2cd: {  	s2 =	smul.u32 $0x6000, s2;
	[tilespmem:s14+$0xF550] =	vst.add.f32.msk $0xffff, v3  }
0x2ce: {  	s31 =	sadd.s32 $0x80, s31;
	[tilespmem:s14+$0xF560] =	vst.add.f32.msk $0xffff, v3  }
0x2cf: {  	s0 =	sadd.s32 $0x80, s0;
	s16 =	sand.u32 $0x380, s31;
	s2 =	sshra.s32 s2, $0x2;
	[tilespmem:s14+$0xF570] =	vst.add.f32.msk $0xffff, v3  }
0x2d0: {  	s15 =	sadd.s32 $0x1, s15;
	s14 =	sor.u32 s16, s2;
	v4 =	vld [tilespmem:s0+$0x0]  }
0x2d1: {  	[tilespmem:s14+$0xE110] =	vst.add.f32.msk $0xffff, v3  }
0x2d2: {  	[tilespmem:s14+$0xE120] =	vst.add.f32.msk $0xffff, v3  }
0x2d3: {  	[tilespmem:s14+$0xE130] =	vst.add.f32.msk $0xffff, v3  }
0x2d4: {  	[tilespmem:s14+$0xE140] =	vst.add.f32.msk $0xffff, v3  }
0x2d5: {  	[tilespmem:s14+$0xE150] =	vst.add.f32.msk $0xffff, v3  }
0x2d6: {  	[tilespmem:s14+$0xE160] =	vst.add.f32.msk $0xffff, v3  }
0x2d7: {  	[tilespmem:s14+$0xE170] =	vst.add.f32.msk $0xffff, v3  }
0x2d8: {  	[tilespmem:s14+$0xE500] =	vst.add.f32.msk $0xffff, v3  }
0x2d9: {  	[tilespmem:s14+$0xE510] =	vst.add.f32.msk $0xffff, v3  }
0x2da: {  	[tilespmem:s14+$0xE520] =	vst.add.f32.msk $0xffff, v3  }
0x2db: {  	[tilespmem:s14+$0xE530] =	vst.add.f32.msk $0xffff, v3  }
0x2dc: {  	[tilespmem:s14+$0xE540] =	vst.add.f32.msk $0xffff, v3  }
0x2dd: {  	[tilespmem:s14+$0xE550] =	vst.add.f32.msk $0xffff, v3  }
0x2de: {  	[tilespmem:s14+$0xE560] =	vst.add.f32.msk $0xffff, v3  }
0x2df: {  	[tilespmem:s14+$0xE570] =	vst.add.f32.msk $0xffff, v3  }
0x2e0: {  	[tilespmem:s14+$0xE900] =	vst.add.f32.msk $0xffff, v3  }
0x2e1: {  	[tilespmem:s14+$0xE910] =	vst.add.f32.msk $0xffff, v3  }
0x2e2: {  	[tilespmem:s14+$0xE920] =	vst.add.f32.msk $0xffff, v3  }
0x2e3: {  	[tilespmem:s14+$0xE930] =	vst.add.f32.msk $0xffff, v3  }
0x2e4: {  	[tilespmem:s14+$0xE940] =	vst.add.f32.msk $0xffff, v3  }
0x2e5: {  	[tilespmem:s14+$0xE950] =	vst.add.f32.msk $0xffff, v3  }
0x2e6: {  	[tilespmem:s14+$0xE960] =	vst.add.f32.msk $0xffff, v3  }
0x2e7: {  	[tilespmem:s14+$0xE970] =	vst.add.f32.msk $0xffff, v3  }
0x2e8: {  	[tilespmem:s14+$0xED00] =	vst.add.f32.msk $0xffff, v3  }
0x2e9: {  	[tilespmem:s14+$0xED10] =	vst.add.f32.msk $0xffff, v3  }
0x2ea: {  	[tilespmem:s14+$0xED20] =	vst.add.f32.msk $0xffff, v3  }
0x2eb: {  	[tilespmem:s14+$0xED30] =	vst.add.f32.msk $0xffff, v3  }
0x2ec: {  	[tilespmem:s14+$0xED40] =	vst.add.f32.msk $0xffff, v3  }
0x2ed: {  	[tilespmem:s14+$0xED50] =	vst.add.f32.msk $0xffff, v3  }
0x2ee: {  	[tilespmem:s14+$0xED60] =	vst.add.f32.msk $0xffff, v3  }
0x2ef: {  	[tilespmem:s14+$0xED70] =	vst.add.f32.msk $0xffff, v3  }
0x2f0: {  	[tilespmem:s14+$0xF100] =	vst.add.f32.msk $0xffff, v3  }
0x2f1: {  	[tilespmem:s14+$0xF110] =	vst.add.f32.msk $0xffff, v3  }
0x2f2: {  	[tilespmem:s14+$0xF120] =	vst.add.f32.msk $0xffff, v3  }
0x2f3: {  	[tilespmem:s14+$0xF130] =	vst.add.f32.msk $0xffff, v3  }
0x2f4: {  	[tilespmem:s14+$0xF140] =	vst.add.f32.msk $0xffff, v3  }
0x2f5: {  	[tilespmem:s14+$0xF150] =	vst.add.f32.msk $0xffff, v3  }
0x2f6: {  	[tilespmem:s14+$0xF160] =	vst.add.f32.msk $0xffff, v3  }
0x2f7: {  	[tilespmem:s14+$0xF170] =	vst.add.f32.msk $0xffff, v3  }
0x2f8: {  	[tilespmem:s14+$0xF500] =	vst.add.f32.msk $0xffff, v3  }
0x2f9: {  	[tilespmem:s14+$0xF510] =	vst.add.f32.msk $0xffff, v3  }
0x2fa: {  	[tilespmem:s14+$0xF520] =	vst.add.f32.msk $0xffff, v3  }
0x2fb: {  	[tilespmem:s14+$0xF530] =	vst.add.f32.msk $0xffff, v3  }
0x2fc: {  	[tilespmem:s14+$0xF540] =	vst.add.f32.msk $0xffff, v3  }
0x2fd: {  	[tilespmem:s14+$0xF550] =	vst.add.f32.msk $0xffff, v3  }
0x2fe: {  	[tilespmem:s14+$0xF560] =	vst.add.f32.msk $0xffff, v3  }
0x2ff: {  	[tilespmem:s14+$0xF570] =	vst.add.f32.msk $0xffff, v3  }
0x300: {  	s0 =	rddreg [dreg:$0xc];
	[tilespmem:s14+$0xE100] =	vst.add.f32.msk $0xffff, v4  }
0x301: {  	[hbm4b:s0+s3] =	stream.linear.scatter [tilespmem:s25], [sflag:$0x6], $0xC000, $0x38;
	[tilespmem:$0x1A100] =	vst v63  }
0x302: {  	_ =	swait.ge [sflag:s29], $0xC000  }
0x303: {  	[sflag:s29] =	ssyncset.done $0x0  }
0x304: {  	[sflag:s29] =	ssyncadd.s32 $0xFFFF4000  }
0x305: {  	_ =	swait.ge [sflag:s30], $0xC000  }
0x306: {  	s13 =	sadd.s32 $0x1, s13;
	s31 =	rddreg [dreg:$0xd]  }
0x307: {  	p0 =	sne.s32 s13, s31  }
.Ltmp4:
0x308: {  	_ = 	snop;
	(pc) =	sbr.rel @p0 .LBB2_1-.Ltmp4, $3  }
0x309: {  	_ =	sdelay $0x1  }
0x30a: {  	[sflag:s30] =	ssyncset.done $0x0  }
0x30b: {  	[sflag:s30] =	ssyncadd.s32 $0xFFFF4000  }
0x30c: {  	_ =	sfence.sel $0x180000  }
0x30d: {  	[bflag:$0x0] =	sbarrier.arrive $0xFFFF  }
0x30e: {  	_ =	strace $0x90000047  }
0x30f: {  	s0 =	stileid.u32;
	[bflag:$0x2] =	sbarrier.arrive $0xFFFF  }
0x310: {  	p0 =	sne.s32 s0, $0x0;
	s0 =	rddreg [dreg:$0x4]  }
0x311: {  	s0 =	sadd.s32 @!p0 $0x100000, s0  }
0x312: {  	[sflag:s0] =	ssyncadd.tile.s32 @!p0 $0x1;
	_ =	shalt  }
.Lfunc_end2:
_tile_overlayer_lowered:
.L_overlay_start_2:
0x313: {  	(tag) =	ssettag $0x2  }
0x314: {  	s0 =	rddreg [dreg:$0x0];
	s2 =	stileid.u32  }
0x315: {  	s1 =	rddreg [dreg:$0x1];
	p0 =	sne.s32 s2, $0x0  }
0x316: {  	s3 =	rddreg [dreg:$0x2];
	[bflag:$0x3] =	sbarrier.arrive $0xFFFF;
	s2 =	simm.s32 @!p0 $0x1C07  }
0x317: {  	[timem:s3], [sflag:s2] =	dma.local @!p0 [hbm:s0], s1  }
0x318: {  	s0 =	simm.s32 @!p0 $0x7  }
0x319: {  	_ =	swait.ge @!p0 [sflag:s0], s1  }
0x31a: {  	s1 =	ssub.s32 @!p0 $0x0, s1;
	[sflag:s0] =	ssyncset.done @!p0 $0x0  }
0x31b: {  	[sflag:s0] =	ssyncadd.s32 @!p0 s1  }
0x31c: {  	[bflag:$0x3] =	sbarrier.arrive $0xFFFF  }
0x31d: {  	_ =	shalt  }

</sc_bundles>
